<compile_context>
chip_gen: v7x
topology: tpu7x:2x2x1
jax: 0.10.2.dev20260603
libtpu: 0.0.44.dev20260713+nightly
codegen_flags: <defaults>
</compile_context>

<pallas_src>
import functools

import jax
import jax.numpy as jnp
from jax import lax
from jax.experimental import pallas as pl
from jax.experimental.pallas import tpu as pltpu
from jax.experimental.pallas import tpu_sc as plsc

VOCAB = 100000
EMBED = 64
DOUT = 128

NC = 2
NS = 16
NW = NC * NS
LANES = 16


def _project_table(table, W, b2d):
    BLK = 10000

    def body(t_ref, w_ref, b_ref, o_ref):
        o_ref[...] = (
            jnp.dot(t_ref[...], w_ref[...], preferred_element_type=jnp.float32)
            + b_ref[...]
        )

    return pl.pallas_call(
        body,
        grid=(VOCAB // BLK,),
        in_specs=[
            pl.BlockSpec((BLK, EMBED), lambda i: (i, 0)),
            pl.BlockSpec((EMBED, DOUT), lambda i: (0, 0)),
            pl.BlockSpec((1, DOUT), lambda i: (0, 0)),
        ],
        out_specs=pl.BlockSpec((BLK, DOUT), lambda i: (i, 0)),
        out_shape=jax.ShapeDtypeStruct((VOCAB, DOUT), jnp.float32),
    )(table, W, b2d)


def _gather_kernel(n_total):
    n_rows = n_total // 128
    rows_per_w = n_rows // NW
    A = 3
    NBUF = 5
    mesh = plsc.VectorSubcoreMesh(core_axis_name="c", subcore_axis_name="s")

    @functools.partial(
        pl.kernel,
        mesh=mesh,
        out_type=jax.ShapeDtypeStruct((n_total, DOUT), jnp.float32),
        scratch_types=[
            pltpu.VMEM((rows_per_w, 128), jnp.int32),
            pltpu.VMEM((NBUF, 128, DOUT), jnp.float32),
            pltpu.SemaphoreType.DMA,
            pltpu.SemaphoreType.DMA,
        ],
    )
    def k(proj_hbm, idx_hbm, out_hbm, idx_v, rows, gsem, ssem):
        wid = lax.axis_index("s") * NC + lax.axis_index("c")
        row_base = wid * rows_per_w

        pltpu.sync_copy(idx_hbm.at[pl.ds(row_base, rows_per_w)], idx_v)

        def remap_row(j):
            for kk in range(128 // LANES):
                v = idx_v[j, pl.ds(kk * LANES, LANES)]
                v = jnp.where(v == -1, VOCAB - 2, v)
                v = jnp.where(v == -2, VOCAB - 1, v)
                v = jnp.clip(v, 0, VOCAB - 1)
                idx_v[j, pl.ds(kk * LANES, LANES)] = v

        def gather(g, b):
            return pltpu.make_async_copy(
                proj_hbm.at[idx_v.at[g]], rows.at[b], gsem
            )

        def store(g, b):
            return pltpu.make_async_copy(
                rows.at[b], out_hbm.at[pl.ds((row_base + g) * 128, 128)], ssem
            )

        for g0 in range(A):
            remap_row(g0)
            gather(g0, g0).start()

        def outer(o, carry):
            for b in range(NBUF):
                g = o * NBUF + b

                @pl.when(g + A < rows_per_w)
                def _remap_next(g=g):
                    remap_row(g + A)

                gather(g, b).wait()

                @pl.when(g >= NBUF - A)
                def _wait_prev_store(b=b, g=g):
                    store(g, (b + A) % NBUF).wait()

                @pl.when(g + A < rows_per_w)
                def _prefetch(b=b, g=g):
                    gather(g + A, (b + A) % NBUF).start()

                store(g, b).start()
            return carry

        lax.fori_loop(0, rows_per_w // NBUF, outer, 0)

        for g0 in range(rows_per_w - (NBUF - A), rows_per_w):
            store(g0, g0 % NBUF).wait()

    return k


def kernel(x, table, W, b):
    B, L = x.shape
    n_total = B * L
    proj = _project_table(table, W, b.reshape(1, DOUT))
    idx = x.reshape(n_total // 128, 128).astype(jnp.int32)
    out = _gather_kernel(n_total)(proj, idx)
    return out.reshape(B, L, DOUT)

# --- scband reference (transcript-rebuilt; emitter-appended) ---
"""Pipeline reference for scband-wyckoff-encoder-78666620993640 (READ-ONLY COPY).

The authoritative reference and input builder live on the scoring server;
editing this copy changes nothing except your own understanding.
"""

import jax, jax.numpy as jnp
import numpy as np

VOCAB = 100000
EMBED = 64
DOUT = 128
B = 4096
L = 200


def setup_inputs(seed: int = 0) -> dict:
    key = jax.random.key(seed)
    k1, k2, k3, k4 = jax.random.split(key, 4)
    x = jax.random.randint(k1, (B, L), 0, VOCAB)
    table = jax.random.normal(k2, (VOCAB, EMBED), dtype=jnp.float32)
    # padding_idx=0 -> row 0 is zeros (as in nn.Embedding with padding_idx)
    table = table.at[0].set(0.0)
    W = jax.random.normal(k3, (EMBED, DOUT), dtype=jnp.float32) * (1.0 / np.sqrt(EMBED))
    b = jax.random.normal(k4, (DOUT,), dtype=jnp.float32) * 0.01
    return {"x": x, "table": table, "W": W, "b": b}


def reference(x, table, W, b):
    vocab = table.shape[0]
    x = x.astype(jnp.int32)
    x_mapped = jnp.where(x == -1, vocab - 2, x)
    x_mapped = jnp.where(x == -2, vocab - 1, x_mapped)
    x_clamped = jnp.clip(x_mapped, 0, vocab - 1)
    embeddings = jnp.take(table, x_clamped, axis=0)
    output = embeddings @ W + b
    return output

if __name__ == "__main__":
    import jax
    _d = setup_inputs()
    print(jax.jit(kernel)(*tuple(_d.values())))

</pallas_src>

<mosaic_0001>
#map = affine_map<(d0, d1) -> (0, 0)>
module attributes {stable_mosaic.version = 14 : i64} {
  func.func @k(%arg0: i32, %arg1: i32, %arg2: memref<100000x128xf32, #tpu.memory_space<hbm>>, %arg3: memref<6400x128xi32, #tpu.memory_space<hbm>>, %arg4: memref<819200x128xf32, #tpu.memory_space<hbm>>, %arg5: memref<200x128xi32, #tpu.memory_space<vmem>>, %arg6: memref<5x128x128xf32, #tpu.memory_space<vmem>>, %arg7: memref<!tpu.dma_semaphore, #tpu.memory_space<semaphore_mem>>, %arg8: memref<!tpu.dma_semaphore, #tpu.memory_space<semaphore_mem>>) attributes {dimension_semantics = [#tpu.dimension_semantics<core_parallel>, #tpu.dimension_semantics<subcore_parallel>], iteration_bounds = array<i64: 2, 16>, scalar_prefetch = 0 : i64, scratch_operands = 4 : i64, tpu.core_type = #tpu.core_type<sc_vector_subcore>, window_params = [{transform_indices = #map}, {transform_indices = #map}, {transform_indices = #map}]} {
    %mul3A = arith.constant 2 : i32
    %mul3A_0 = arith.muli %arg1, %mul3A : i32
    %add3A = arith.addi %mul3A_0, %arg0 : i32
    %mul3A_1 = arith.constant 200 : i32
    %mul3A_2 = arith.muli %add3A, %mul3A_1 : i32
    "tpu.region"() ({
      %run_scoped3A = tpu.sem_alloc : memref<!tpu.dma_semaphore, #tpu.memory_space<semaphore_mem>>
      %dma_start3A_764 = arith.constant 0 : i32
      %dma_start3A_765 = tpu.memref_slice %arg3[%mul3A_2, %dma_start3A_764] : memref<6400x128xi32, #tpu.memory_space<hbm>> -> memref<200x128xi32, #tpu.memory_space<hbm>>
      %dma_start3A_766 = arith.constant 0 : i32
      %dma_start3A_767 = tpu.memref_slice %arg3[%mul3A_2, %dma_start3A_766] : memref<6400x128xi32, #tpu.memory_space<hbm>> -> memref<200x128xi32, #tpu.memory_space<hbm>>
      tpu.enqueue_dma source(%dma_start3A_767 : memref<200x128xi32, #tpu.memory_space<hbm>>) target(%arg5 : memref<200x128xi32, #tpu.memory_space<vmem>>) target_semaphore(%run_scoped3A : memref<!tpu.dma_semaphore, #tpu.memory_space<semaphore_mem>>)
      %dma_wait3A_768 = arith.constant 0 : i32
      %dma_wait3A_769 = tpu.memref_slice %arg3[%mul3A_2, %dma_wait3A_768] : memref<6400x128xi32, #tpu.memory_space<hbm>> -> memref<200x128xi32, #tpu.memory_space<hbm>>
      %dma_wait3A_770 = arith.constant 0 : i32
      %dma_wait3A_771 = tpu.memref_slice %arg3[%mul3A_2, %dma_wait3A_770] : memref<6400x128xi32, #tpu.memory_space<hbm>> -> memref<200x128xi32, #tpu.memory_space<hbm>>
      tpu.wait_dma2 semaphore(%run_scoped3A : memref<!tpu.dma_semaphore, #tpu.memory_space<semaphore_mem>>) src(%dma_wait3A_771 : memref<200x128xi32, #tpu.memory_space<hbm>>) dst(%arg5 : memref<200x128xi32, #tpu.memory_space<vmem>>)
      tpu.yield
    }) : () -> ()
    %get3A = arith.constant 0 : i32
    %get3A_3 = arith.index_cast %get3A : i32 to index
    %get3A_4 = arith.constant 0 : index
    %get3A_5 = tpu.vector_load %arg5[%get3A_3, %get3A_4] {strides = array<i32>} : memref<200x128xi32, #tpu.memory_space<vmem>>, vector<1x16xi32>,
    %get3A_6 = vector.shape_cast %get3A_5 : vector<1x16xi32> to vector<16xi32>
    %eq3A = arith.constant -1 : i32
    %eq3A_7 = vector.broadcast %eq3A : i32 to vector<16xi32>
    %eq3A_8 = arith.cmpi eq, %get3A_6, %eq3A_7 : vector<16xi32>
    %jit3A = arith.constant 99998 : i32
    %broadcast_in_dim3A = vector.broadcast %jit3A : i32 to vector<16xi32>
    %select_n3A = arith.select %eq3A_8, %broadcast_in_dim3A, %get3A_6 : vector<16xi1>, vector<16xi32>
    %eq3A_9 = arith.constant -2 : i32
    %eq3A_10 = vector.broadcast %eq3A_9 : i32 to vector<16xi32>
    %eq3A_11 = arith.cmpi eq, %select_n3A, %eq3A_10 : vector<16xi32>
    %jit3A_12 = arith.constant 99999 : i32
    %broadcast_in_dim3A_13 = vector.broadcast %jit3A_12 : i32 to vector<16xi32>
    %select_n3A_14 = arith.select %eq3A_11, %broadcast_in_dim3A_13, %select_n3A : vector<16xi1>, vector<16xi32>
    %jit3A_15 = arith.constant 0 : i32
    %jit3A_16 = arith.constant 99999 : i32
    %max3A = vector.broadcast %jit3A_15 : i32 to vector<16xi32>
    %max3A_17 = arith.maxsi %max3A, %select_n3A_14 : vector<16xi32>
    %min3A = vector.broadcast %jit3A_16 : i32 to vector<16xi32>
    %min3A_18 = arith.minsi %min3A, %max3A_17 : vector<16xi32>
    %swap3A = arith.constant 0 : i32
    %swap3A_19 = arith.index_cast %swap3A : i32 to index
    %swap3A_20 = arith.constant 0 : index
    %swap3A_21 = tpu.vector_load %arg5[%swap3A_19, %swap3A_20] {strides = array<i32>} : memref<200x128xi32, #tpu.memory_space<vmem>>, vector<1x16xi32>,
    %swap3A_22 = vector.shape_cast %swap3A_21 : vector<1x16xi32> to vector<16xi32>
    %swap3A_23 = vector.shape_cast %min3A_18 : vector<16xi32> to vector<1x16xi32>
    tpu.vector_store %arg5[%swap3A_19, %swap3A_20], %swap3A_23 {strides = array<i32>} : memref<200x128xi32, #tpu.memory_space<vmem>>, vector<1x16xi32>,
    %get3A_24 = arith.constant 0 : i32
    %get3A_25 = arith.index_cast %get3A_24 : i32 to index
    %get3A_26 = arith.constant 16 : index
    %get3A_27 = tpu.vector_load %arg5[%get3A_25, %get3A_26] {strides = array<i32>} : memref<200x128xi32, #tpu.memory_space<vmem>>, vector<1x16xi32>,
    %get3A_28 = vector.shape_cast %get3A_27 : vector<1x16xi32> to vector<16xi32>
    %eq3A_29 = arith.constant -1 : i32
    %eq3A_30 = vector.broadcast %eq3A_29 : i32 to vector<16xi32>
    %eq3A_31 = arith.cmpi eq, %get3A_28, %eq3A_30 : vector<16xi32>
    %jit3A_32 = arith.constant 99998 : i32
    %broadcast_in_dim3A_33 = vector.broadcast %jit3A_32 : i32 to vector<16xi32>
    %select_n3A_34 = arith.select %eq3A_31, %broadcast_in_dim3A_33, %get3A_28 : vector<16xi1>, vector<16xi32>
    %eq3A_35 = arith.constant -2 : i32
    %eq3A_36 = vector.broadcast %eq3A_35 : i32 to vector<16xi32>
    %eq3A_37 = arith.cmpi eq, %select_n3A_34, %eq3A_36 : vector<16xi32>
    %jit3A_38 = arith.constant 99999 : i32
    %broadcast_in_dim3A_39 = vector.broadcast %jit3A_38 : i32 to vector<16xi32>
    %select_n3A_40 = arith.select %eq3A_37, %broadcast_in_dim3A_39, %select_n3A_34 : vector<16xi1>, vector<16xi32>
    %jit3A_41 = arith.constant 0 : i32
    %jit3A_42 = arith.constant 99999 : i32
    %max3A_43 = vector.broadcast %jit3A_41 : i32 to vector<16xi32>
    %max3A_44 = arith.maxsi %max3A_43, %select_n3A_40 : vector<16xi32>
    %min3A_45 = vector.broadcast %jit3A_42 : i32 to vector<16xi32>
    %min3A_46 = arith.minsi %min3A_45, %max3A_44 : vector<16xi32>
    %swap3A_47 = arith.constant 0 : i32
    %swap3A_48 = arith.index_cast %swap3A_47 : i32 to index
    %swap3A_49 = arith.constant 16 : index
    %swap3A_50 = tpu.vector_load %arg5[%swap3A_48, %swap3A_49] {strides = array<i32>} : memref<200x128xi32, #tpu.memory_space<vmem>>, vector<1x16xi32>,
    %swap3A_51 = vector.shape_cast %swap3A_50 : vector<1x16xi32> to vector<16xi32>
    %swap3A_52 = vector.shape_cast %min3A_46 : vector<16xi32> to vector<1x16xi32>
    tpu.vector_store %arg5[%swap3A_48, %swap3A_49], %swap3A_52 {strides = array<i32>} : memref<200x128xi32, #tpu.memory_space<vmem>>, vector<1x16xi32>,
    %get3A_53 = arith.constant 0 : i32
    %get3A_54 = arith.index_cast %get3A_53 : i32 to index
    %get3A_55 = arith.constant 32 : index
    %get3A_56 = tpu.vector_load %arg5[%get3A_54, %get3A_55] {strides = array<i32>} : memref<200x128xi32, #tpu.memory_space<vmem>>, vector<1x16xi32>,
    %get3A_57 = vector.shape_cast %get3A_56 : vector<1x16xi32> to vector<16xi32>
    %eq3A_58 = arith.constant -1 : i32
    %eq3A_59 = vector.broadcast %eq3A_58 : i32 to vector<16xi32>
    %eq3A_60 = arith.cmpi eq, %get3A_57, %eq3A_59 : vector<16xi32>
    %jit3A_61 = arith.constant 99998 : i32
    %broadcast_in_dim3A_62 = vector.broadcast %jit3A_61 : i32 to vector<16xi32>
    %select_n3A_63 = arith.select %eq3A_60, %broadcast_in_dim3A_62, %get3A_57 : vector<16xi1>, vector<16xi32>
    %eq3A_64 = arith.constant -2 : i32
    %eq3A_65 = vector.broadcast %eq3A_64 : i32 to vector<16xi32>
    %eq3A_66 = arith.cmpi eq, %select_n3A_63, %eq3A_65 : vector<16xi32>
    %jit3A_67 = arith.constant 99999 : i32
    %broadcast_in_dim3A_68 = vector.broadcast %jit3A_67 : i32 to vector<16xi32>
    %select_n3A_69 = arith.select %eq3A_66, %broadcast_in_dim3A_68, %select_n3A_63 : vector<16xi1>, vector<16xi32>
    %jit3A_70 = arith.constant 0 : i32
    %jit3A_71 = arith.constant 99999 : i32
    %max3A_72 = vector.broadcast %jit3A_70 : i32 to vector<16xi32>
    %max3A_73 = arith.maxsi %max3A_72, %select_n3A_69 : vector<16xi32>
    %min3A_74 = vector.broadcast %jit3A_71 : i32 to vector<16xi32>
    %min3A_75 = arith.minsi %min3A_74, %max3A_73 : vector<16xi32>
    %swap3A_76 = arith.constant 0 : i32
    %swap3A_77 = arith.index_cast %swap3A_76 : i32 to index
    %swap3A_78 = arith.constant 32 : index
    %swap3A_79 = tpu.vector_load %arg5[%swap3A_77, %swap3A_78] {strides = array<i32>} : memref<200x128xi32, #tpu.memory_space<vmem>>, vector<1x16xi32>,
    %swap3A_80 = vector.shape_cast %swap3A_79 : vector<1x16xi32> to vector<16xi32>
    %swap3A_81 = vector.shape_cast %min3A_75 : vector<16xi32> to vector<1x16xi32>
    tpu.vector_store %arg5[%swap3A_77, %swap3A_78], %swap3A_81 {strides = array<i32>} : memref<200x128xi32, #tpu.memory_space<vmem>>, vector<1x16xi32>,
    %get3A_82 = arith.constant 0 : i32
    %get3A_83 = arith.index_cast %get3A_82 : i32 to index
    %get3A_84 = arith.constant 48 : index
    %get3A_85 = tpu.vector_load %arg5[%get3A_83, %get3A_84] {strides = array<i32>} : memref<200x128xi32, #tpu.memory_space<vmem>>, vector<1x16xi32>,
    %get3A_86 = vector.shape_cast %get3A_85 : vector<1x16xi32> to vector<16xi32>
    %eq3A_87 = arith.constant -1 : i32
    %eq3A_88 = vector.broadcast %eq3A_87 : i32 to vector<16xi32>
    %eq3A_89 = arith.cmpi eq, %get3A_86, %eq3A_88 : vector<16xi32>
    %jit3A_90 = arith.constant 99998 : i32
    %broadcast_in_dim3A_91 = vector.broadcast %jit3A_90 : i32 to vector<16xi32>
    %select_n3A_92 = arith.select %eq3A_89, %broadcast_in_dim3A_91, %get3A_86 : vector<16xi1>, vector<16xi32>
    %eq3A_93 = arith.constant -2 : i32
    %eq3A_94 = vector.broadcast %eq3A_93 : i32 to vector<16xi32>
    %eq3A_95 = arith.cmpi eq, %select_n3A_92, %eq3A_94 : vector<16xi32>
    %jit3A_96 = arith.constant 99999 : i32
    %broadcast_in_dim3A_97 = vector.broadcast %jit3A_96 : i32 to vector<16xi32>
    %select_n3A_98 = arith.select %eq3A_95, %broadcast_in_dim3A_97, %select_n3A_92 : vector<16xi1>, vector<16xi32>
    %jit3A_99 = arith.constant 0 : i32
    %jit3A_100 = arith.constant 99999 : i32
    %max3A_101 = vector.broadcast %jit3A_99 : i32 to vector<16xi32>
    %max3A_102 = arith.maxsi %max3A_101, %select_n3A_98 : vector<16xi32>
    %min3A_103 = vector.broadcast %jit3A_100 : i32 to vector<16xi32>
    %min3A_104 = arith.minsi %min3A_103, %max3A_102 : vector<16xi32>
    %swap3A_105 = arith.constant 0 : i32
    %swap3A_106 = arith.index_cast %swap3A_105 : i32 to index
    %swap3A_107 = arith.constant 48 : index
    %swap3A_108 = tpu.vector_load %arg5[%swap3A_106, %swap3A_107] {strides = array<i32>} : memref<200x128xi32, #tpu.memory_space<vmem>>, vector<1x16xi32>,
    %swap3A_109 = vector.shape_cast %swap3A_108 : vector<1x16xi32> to vector<16xi32>
    %swap3A_110 = vector.shape_cast %min3A_104 : vector<16xi32> to vector<1x16xi32>
    tpu.vector_store %arg5[%swap3A_106, %swap3A_107], %swap3A_110 {strides = array<i32>} : memref<200x128xi32, #tpu.memory_space<vmem>>, vector<1x16xi32>,
    %get3A_111 = arith.constant 0 : i32
    %get3A_112 = arith.index_cast %get3A_111 : i32 to index
    %get3A_113 = arith.constant 64 : index
    %get3A_114 = tpu.vector_load %arg5[%get3A_112, %get3A_113] {strides = array<i32>} : memref<200x128xi32, #tpu.memory_space<vmem>>, vector<1x16xi32>,
    %get3A_115 = vector.shape_cast %get3A_114 : vector<1x16xi32> to vector<16xi32>
    %eq3A_116 = arith.constant -1 : i32
    %eq3A_117 = vector.broadcast %eq3A_116 : i32 to vector<16xi32>
    %eq3A_118 = arith.cmpi eq, %get3A_115, %eq3A_117 : vector<16xi32>
    %jit3A_119 = arith.constant 99998 : i32
    %broadcast_in_dim3A_120 = vector.broadcast %jit3A_119 : i32 to vector<16xi32>
    %select_n3A_121 = arith.select %eq3A_118, %broadcast_in_dim3A_120, %get3A_115 : vector<16xi1>, vector<16xi32>
    %eq3A_122 = arith.constant -2 : i32
    %eq3A_123 = vector.broadcast %eq3A_122 : i32 to vector<16xi32>
    %eq3A_124 = arith.cmpi eq, %select_n3A_121, %eq3A_123 : vector<16xi32>
    %jit3A_125 = arith.constant 99999 : i32
    %broadcast_in_dim3A_126 = vector.broadcast %jit3A_125 : i32 to vector<16xi32>
    %select_n3A_127 = arith.select %eq3A_124, %broadcast_in_dim3A_126, %select_n3A_121 : vector<16xi1>, vector<16xi32>
    %jit3A_128 = arith.constant 0 : i32
    %jit3A_129 = arith.constant 99999 : i32
    %max3A_130 = vector.broadcast %jit3A_128 : i32 to vector<16xi32>
    %max3A_131 = arith.maxsi %max3A_130, %select_n3A_127 : vector<16xi32>
    %min3A_132 = vector.broadcast %jit3A_129 : i32 to vector<16xi32>
    %min3A_133 = arith.minsi %min3A_132, %max3A_131 : vector<16xi32>
    %swap3A_134 = arith.constant 0 : i32
    %swap3A_135 = arith.index_cast %swap3A_134 : i32 to index
    %swap3A_136 = arith.constant 64 : index
    %swap3A_137 = tpu.vector_load %arg5[%swap3A_135, %swap3A_136] {strides = array<i32>} : memref<200x128xi32, #tpu.memory_space<vmem>>, vector<1x16xi32>,
    %swap3A_138 = vector.shape_cast %swap3A_137 : vector<1x16xi32> to vector<16xi32>
    %swap3A_139 = vector.shape_cast %min3A_133 : vector<16xi32> to vector<1x16xi32>
    tpu.vector_store %arg5[%swap3A_135, %swap3A_136], %swap3A_139 {strides = array<i32>} : memref<200x128xi32, #tpu.memory_space<vmem>>, vector<1x16xi32>,
    %get3A_140 = arith.constant 0 : i32
    %get3A_141 = arith.index_cast %get3A_140 : i32 to index
    %get3A_142 = arith.constant 80 : index
    %get3A_143 = tpu.vector_load %arg5[%get3A_141, %get3A_142] {strides = array<i32>} : memref<200x128xi32, #tpu.memory_space<vmem>>, vector<1x16xi32>,
    %get3A_144 = vector.shape_cast %get3A_143 : vector<1x16xi32> to vector<16xi32>
    %eq3A_145 = arith.constant -1 : i32
    %eq3A_146 = vector.broadcast %eq3A_145 : i32 to vector<16xi32>
    %eq3A_147 = arith.cmpi eq, %get3A_144, %eq3A_146 : vector<16xi32>
    %jit3A_148 = arith.constant 99998 : i32
    %broadcast_in_dim3A_149 = vector.broadcast %jit3A_148 : i32 to vector<16xi32>
    %select_n3A_150 = arith.select %eq3A_147, %broadcast_in_dim3A_149, %get3A_144 : vector<16xi1>, vector<16xi32>
    %eq3A_151 = arith.constant -2 : i32
    %eq3A_152 = vector.broadcast %eq3A_151 : i32 to vector<16xi32>
    %eq3A_153 = arith.cmpi eq, %select_n3A_150, %eq3A_152 : vector<16xi32>
    %jit3A_154 = arith.constant 99999 : i32
    %broadcast_in_dim3A_155 = vector.broadcast %jit3A_154 : i32 to vector<16xi32>
    %select_n3A_156 = arith.select %eq3A_153, %broadcast_in_dim3A_155, %select_n3A_150 : vector<16xi1>, vector<16xi32>
    %jit3A_157 = arith.constant 0 : i32
    %jit3A_158 = arith.constant 99999 : i32
    %max3A_159 = vector.broadcast %jit3A_157 : i32 to vector<16xi32>
    %max3A_160 = arith.maxsi %max3A_159, %select_n3A_156 : vector<16xi32>
    %min3A_161 = vector.broadcast %jit3A_158 : i32 to vector<16xi32>
    %min3A_162 = arith.minsi %min3A_161, %max3A_160 : vector<16xi32>
    %swap3A_163 = arith.constant 0 : i32
    %swap3A_164 = arith.index_cast %swap3A_163 : i32 to index
    %swap3A_165 = arith.constant 80 : index
    %swap3A_166 = tpu.vector_load %arg5[%swap3A_164, %swap3A_165] {strides = array<i32>} : memref<200x128xi32, #tpu.memory_space<vmem>>, vector<1x16xi32>,
    %swap3A_167 = vector.shape_cast %swap3A_166 : vector<1x16xi32> to vector<16xi32>
    %swap3A_168 = vector.shape_cast %min3A_162 : vector<16xi32> to vector<1x16xi32>
    tpu.vector_store %arg5[%swap3A_164, %swap3A_165], %swap3A_168 {strides = array<i32>} : memref<200x128xi32, #tpu.memory_space<vmem>>, vector<1x16xi32>,
    %get3A_169 = arith.constant 0 : i32
    %get3A_170 = arith.index_cast %get3A_169 : i32 to index
    %get3A_171 = arith.constant 96 : index
    %get3A_172 = tpu.vector_load %arg5[%get3A_170, %get3A_171] {strides = array<i32>} : memref<200x128xi32, #tpu.memory_space<vmem>>, vector<1x16xi32>,
    %get3A_173 = vector.shape_cast %get3A_172 : vector<1x16xi32> to vector<16xi32>
    %eq3A_174 = arith.constant -1 : i32
    %eq3A_175 = vector.broadcast %eq3A_174 : i32 to vector<16xi32>
    %eq3A_176 = arith.cmpi eq, %get3A_173, %eq3A_175 : vector<16xi32>
    %jit3A_177 = arith.constant 99998 : i32
    %broadcast_in_dim3A_178 = vector.broadcast %jit3A_177 : i32 to vector<16xi32>
    %select_n3A_179 = arith.select %eq3A_176, %broadcast_in_dim3A_178, %get3A_173 : vector<16xi1>, vector<16xi32>
    %eq3A_180 = arith.constant -2 : i32
    %eq3A_181 = vector.broadcast %eq3A_180 : i32 to vector<16xi32>
    %eq3A_182 = arith.cmpi eq, %select_n3A_179, %eq3A_181 : vector<16xi32>
    %jit3A_183 = arith.constant 99999 : i32
    %broadcast_in_dim3A_184 = vector.broadcast %jit3A_183 : i32 to vector<16xi32>
    %select_n3A_185 = arith.select %eq3A_182, %broadcast_in_dim3A_184, %select_n3A_179 : vector<16xi1>, vector<16xi32>
    %jit3A_186 = arith.constant 0 : i32
    %jit3A_187 = arith.constant 99999 : i32
    %max3A_188 = vector.broadcast %jit3A_186 : i32 to vector<16xi32>
    %max3A_189 = arith.maxsi %max3A_188, %select_n3A_185 : vector<16xi32>
    %min3A_190 = vector.broadcast %jit3A_187 : i32 to vector<16xi32>
    %min3A_191 = arith.minsi %min3A_190, %max3A_189 : vector<16xi32>
    %swap3A_192 = arith.constant 0 : i32
    %swap3A_193 = arith.index_cast %swap3A_192 : i32 to index
    %swap3A_194 = arith.constant 96 : index
    %swap3A_195 = tpu.vector_load %arg5[%swap3A_193, %swap3A_194] {strides = array<i32>} : memref<200x128xi32, #tpu.memory_space<vmem>>, vector<1x16xi32>,
    %swap3A_196 = vector.shape_cast %swap3A_195 : vector<1x16xi32> to vector<16xi32>
    %swap3A_197 = vector.shape_cast %min3A_191 : vector<16xi32> to vector<1x16xi32>
    tpu.vector_store %arg5[%swap3A_193, %swap3A_194], %swap3A_197 {strides = array<i32>} : memref<200x128xi32, #tpu.memory_space<vmem>>, vector<1x16xi32>,
    %get3A_198 = arith.constant 0 : i32
    %get3A_199 = arith.index_cast %get3A_198 : i32 to index
    %get3A_200 = arith.constant 112 : index
    %get3A_201 = tpu.vector_load %arg5[%get3A_199, %get3A_200] {strides = array<i32>} : memref<200x128xi32, #tpu.memory_space<vmem>>, vector<1x16xi32>,
    %get3A_202 = vector.shape_cast %get3A_201 : vector<1x16xi32> to vector<16xi32>
    %eq3A_203 = arith.constant -1 : i32
    %eq3A_204 = vector.broadcast %eq3A_203 : i32 to vector<16xi32>
    %eq3A_205 = arith.cmpi eq, %get3A_202, %eq3A_204 : vector<16xi32>
    %jit3A_206 = arith.constant 99998 : i32
    %broadcast_in_dim3A_207 = vector.broadcast %jit3A_206 : i32 to vector<16xi32>
    %select_n3A_208 = arith.select %eq3A_205, %broadcast_in_dim3A_207, %get3A_202 : vector<16xi1>, vector<16xi32>
    %eq3A_209 = arith.constant -2 : i32
    %eq3A_210 = vector.broadcast %eq3A_209 : i32 to vector<16xi32>
    %eq3A_211 = arith.cmpi eq, %select_n3A_208, %eq3A_210 : vector<16xi32>
    %jit3A_212 = arith.constant 99999 : i32
    %broadcast_in_dim3A_213 = vector.broadcast %jit3A_212 : i32 to vector<16xi32>
    %select_n3A_214 = arith.select %eq3A_211, %broadcast_in_dim3A_213, %select_n3A_208 : vector<16xi1>, vector<16xi32>
    %jit3A_215 = arith.constant 0 : i32
    %jit3A_216 = arith.constant 99999 : i32
    %max3A_217 = vector.broadcast %jit3A_215 : i32 to vector<16xi32>
    %max3A_218 = arith.maxsi %max3A_217, %select_n3A_214 : vector<16xi32>
    %min3A_219 = vector.broadcast %jit3A_216 : i32 to vector<16xi32>
    %min3A_220 = arith.minsi %min3A_219, %max3A_218 : vector<16xi32>
    %swap3A_221 = arith.constant 0 : i32
    %swap3A_222 = arith.index_cast %swap3A_221 : i32 to index
    %swap3A_223 = arith.constant 112 : index
    %swap3A_224 = tpu.vector_load %arg5[%swap3A_222, %swap3A_223] {strides = array<i32>} : memref<200x128xi32, #tpu.memory_space<vmem>>, vector<1x16xi32>,
    %swap3A_225 = vector.shape_cast %swap3A_224 : vector<1x16xi32> to vector<16xi32>
    %swap3A_226 = vector.shape_cast %min3A_220 : vector<16xi32> to vector<1x16xi32>
    tpu.vector_store %arg5[%swap3A_222, %swap3A_223], %swap3A_226 {strides = array<i32>} : memref<200x128xi32, #tpu.memory_space<vmem>>, vector<1x16xi32>,
    %dma_start3A = arith.constant 0 : i32
    %dma_start3A_227 = arith.constant 0 : i32
    %dma_start3A_228 = arith.constant 0 : i32
    %dma_start3A_229 = arith.constant 0 : i32
    %dma_start3A_230 = tpu.memref_slice %arg6[%dma_start3A_227, %dma_start3A_228, %dma_start3A_229] : memref<5x128x128xf32, #tpu.memory_space<vmem>> -> memref<1x128x128xf32, #tpu.memory_space<vmem>>
    %dma_start3A_231 = tpu.memref_squeeze %dma_start3A_230 : memref<1x128x128xf32, #tpu.memory_space<vmem>> -> memref<128x128xf32, #tpu.memory_space<vmem>>
    %dma_start3A_232 = arith.constant 0 : i32
    %dma_start3A_233 = tpu.memref_slice %arg5[%dma_start3A, %dma_start3A_232] : memref<200x128xi32, #tpu.memory_space<vmem>> -> memref<1x128xi32, #tpu.memory_space<vmem>>
    %dma_start3A_234 = tpu.memref_squeeze %dma_start3A_233 : memref<1x128xi32, #tpu.memory_space<vmem>> -> memref<128xi32, #tpu.memory_space<vmem>>
    %dma_start3A_235 = arith.constant 0 : i32
    %dma_start3A_236 = arith.constant 0 : i32
    %dma_start3A_237 = tpu.memref_slice %arg2[%dma_start3A_235, %dma_start3A_236] : memref<100000x128xf32, #tpu.memory_space<hbm>> -> memref<100000x128xf32, #tpu.memory_space<hbm>>
    tpu.enqueue_indirect_dma source(%dma_start3A_237 : memref<100000x128xf32, #tpu.memory_space<hbm>>) target(%dma_start3A_231 : memref<128x128xf32, #tpu.memory_space<vmem>>) offsets(%dma_start3A_234 : memref<128xi32, #tpu.memory_space<vmem>>) semaphore(%arg7 : memref<!tpu.dma_semaphore, #tpu.memory_space<semaphore_mem>>)
    %get3A_238 = arith.constant 1 : i32
    %get3A_239 = arith.index_cast %get3A_238 : i32 to index
    %get3A_240 = arith.constant 0 : index
    %get3A_241 = tpu.vector_load %arg5[%get3A_239, %get3A_240] {strides = array<i32>} : memref<200x128xi32, #tpu.memory_space<vmem>>, vector<1x16xi32>,
    %get3A_242 = vector.shape_cast %get3A_241 : vector<1x16xi32> to vector<16xi32>
    %eq3A_243 = arith.constant -1 : i32
    %eq3A_244 = vector.broadcast %eq3A_243 : i32 to vector<16xi32>
    %eq3A_245 = arith.cmpi eq, %get3A_242, %eq3A_244 : vector<16xi32>
    %jit3A_246 = arith.constant 99998 : i32
    %broadcast_in_dim3A_247 = vector.broadcast %jit3A_246 : i32 to vector<16xi32>
    %select_n3A_248 = arith.select %eq3A_245, %broadcast_in_dim3A_247, %get3A_242 : vector<16xi1>, vector<16xi32>
    %eq3A_249 = arith.constant -2 : i32
    %eq3A_250 = vector.broadcast %eq3A_249 : i32 to vector<16xi32>
    %eq3A_251 = arith.cmpi eq, %select_n3A_248, %eq3A_250 : vector<16xi32>
    %jit3A_252 = arith.constant 99999 : i32
    %broadcast_in_dim3A_253 = vector.broadcast %jit3A_252 : i32 to vector<16xi32>
    %select_n3A_254 = arith.select %eq3A_251, %broadcast_in_dim3A_253, %select_n3A_248 : vector<16xi1>, vector<16xi32>
    %jit3A_255 = arith.constant 0 : i32
    %jit3A_256 = arith.constant 99999 : i32
    %max3A_257 = vector.broadcast %jit3A_255 : i32 to vector<16xi32>
    %max3A_258 = arith.maxsi %max3A_257, %select_n3A_254 : vector<16xi32>
    %min3A_259 = vector.broadcast %jit3A_256 : i32 to vector<16xi32>
    %min3A_260 = arith.minsi %min3A_259, %max3A_258 : vector<16xi32>
    %swap3A_261 = arith.constant 1 : i32
    %swap3A_262 = arith.index_cast %swap3A_261 : i32 to index
    %swap3A_263 = arith.constant 0 : index
    %swap3A_264 = tpu.vector_load %arg5[%swap3A_262, %swap3A_263] {strides = array<i32>} : memref<200x128xi32, #tpu.memory_space<vmem>>, vector<1x16xi32>,
    %swap3A_265 = vector.shape_cast %swap3A_264 : vector<1x16xi32> to vector<16xi32>
    %swap3A_266 = vector.shape_cast %min3A_260 : vector<16xi32> to vector<1x16xi32>
    tpu.vector_store %arg5[%swap3A_262, %swap3A_263], %swap3A_266 {strides = array<i32>} : memref<200x128xi32, #tpu.memory_space<vmem>>, vector<1x16xi32>,
    %get3A_267 = arith.constant 1 : i32
    %get3A_268 = arith.index_cast %get3A_267 : i32 to index
    %get3A_269 = arith.constant 16 : index
    %get3A_270 = tpu.vector_load %arg5[%get3A_268, %get3A_269] {strides = array<i32>} : memref<200x128xi32, #tpu.memory_space<vmem>>, vector<1x16xi32>,
    %get3A_271 = vector.shape_cast %get3A_270 : vector<1x16xi32> to vector<16xi32>
    %eq3A_272 = arith.constant -1 : i32
    %eq3A_273 = vector.broadcast %eq3A_272 : i32 to vector<16xi32>
    %eq3A_274 = arith.cmpi eq, %get3A_271, %eq3A_273 : vector<16xi32>
    %jit3A_275 = arith.constant 99998 : i32
    %broadcast_in_dim3A_276 = vector.broadcast %jit3A_275 : i32 to vector<16xi32>
    %select_n3A_277 = arith.select %eq3A_274, %broadcast_in_dim3A_276, %get3A_271 : vector<16xi1>, vector<16xi32>
    %eq3A_278 = arith.constant -2 : i32
    %eq3A_279 = vector.broadcast %eq3A_278 : i32 to vector<16xi32>
    %eq3A_280 = arith.cmpi eq, %select_n3A_277, %eq3A_279 : vector<16xi32>
    %jit3A_281 = arith.constant 99999 : i32
    %broadcast_in_dim3A_282 = vector.broadcast %jit3A_281 : i32 to vector<16xi32>
    %select_n3A_283 = arith.select %eq3A_280, %broadcast_in_dim3A_282, %select_n3A_277 : vector<16xi1>, vector<16xi32>
    %jit3A_284 = arith.constant 0 : i32
    %jit3A_285 = arith.constant 99999 : i32
    %max3A_286 = vector.broadcast %jit3A_284 : i32 to vector<16xi32>
    %max3A_287 = arith.maxsi %max3A_286, %select_n3A_283 : vector<16xi32>
    %min3A_288 = vector.broadcast %jit3A_285 : i32 to vector<16xi32>
    %min3A_289 = arith.minsi %min3A_288, %max3A_287 : vector<16xi32>
    %swap3A_290 = arith.constant 1 : i32
    %swap3A_291 = arith.index_cast %swap3A_290 : i32 to index
    %swap3A_292 = arith.constant 16 : index
    %swap3A_293 = tpu.vector_load %arg5[%swap3A_291, %swap3A_292] {strides = array<i32>} : memref<200x128xi32, #tpu.memory_space<vmem>>, vector<1x16xi32>,
    %swap3A_294 = vector.shape_cast %swap3A_293 : vector<1x16xi32> to vector<16xi32>
    %swap3A_295 = vector.shape_cast %min3A_289 : vector<16xi32> to vector<1x16xi32>
    tpu.vector_store %arg5[%swap3A_291, %swap3A_292], %swap3A_295 {strides = array<i32>} : memref<200x128xi32, #tpu.memory_space<vmem>>, vector<1x16xi32>,
    %get3A_296 = arith.constant 1 : i32
    %get3A_297 = arith.index_cast %get3A_296 : i32 to index
    %get3A_298 = arith.constant 32 : index
    %get3A_299 = tpu.vector_load %arg5[%get3A_297, %get3A_298] {strides = array<i32>} : memref<200x128xi32, #tpu.memory_space<vmem>>, vector<1x16xi32>,
    %get3A_300 = vector.shape_cast %get3A_299 : vector<1x16xi32> to vector<16xi32>
    %eq3A_301 = arith.constant -1 : i32
    %eq3A_302 = vector.broadcast %eq3A_301 : i32 to vector<16xi32>
    %eq3A_303 = arith.cmpi eq, %get3A_300, %eq3A_302 : vector<16xi32>
    %jit3A_304 = arith.constant 99998 : i32
    %broadcast_in_dim3A_305 = vector.broadcast %jit3A_304 : i32 to vector<16xi32>
    %select_n3A_306 = arith.select %eq3A_303, %broadcast_in_dim3A_305, %get3A_300 : vector<16xi1>, vector<16xi32>
    %eq3A_307 = arith.constant -2 : i32
    %eq3A_308 = vector.broadcast %eq3A_307 : i32 to vector<16xi32>
    %eq3A_309 = arith.cmpi eq, %select_n3A_306, %eq3A_308 : vector<16xi32>
    %jit3A_310 = arith.constant 99999 : i32
    %broadcast_in_dim3A_311 = vector.broadcast %jit3A_310 : i32 to vector<16xi32>
    %select_n3A_312 = arith.select %eq3A_309, %broadcast_in_dim3A_311, %select_n3A_306 : vector<16xi1>, vector<16xi32>
    %jit3A_313 = arith.constant 0 : i32
    %jit3A_314 = arith.constant 99999 : i32
    %max3A_315 = vector.broadcast %jit3A_313 : i32 to vector<16xi32>
    %max3A_316 = arith.maxsi %max3A_315, %select_n3A_312 : vector<16xi32>
    %min3A_317 = vector.broadcast %jit3A_314 : i32 to vector<16xi32>
    %min3A_318 = arith.minsi %min3A_317, %max3A_316 : vector<16xi32>
    %swap3A_319 = arith.constant 1 : i32
    %swap3A_320 = arith.index_cast %swap3A_319 : i32 to index
    %swap3A_321 = arith.constant 32 : index
    %swap3A_322 = tpu.vector_load %arg5[%swap3A_320, %swap3A_321] {strides = array<i32>} : memref<200x128xi32, #tpu.memory_space<vmem>>, vector<1x16xi32>,
    %swap3A_323 = vector.shape_cast %swap3A_322 : vector<1x16xi32> to vector<16xi32>
    %swap3A_324 = vector.shape_cast %min3A_318 : vector<16xi32> to vector<1x16xi32>
    tpu.vector_store %arg5[%swap3A_320, %swap3A_321], %swap3A_324 {strides = array<i32>} : memref<200x128xi32, #tpu.memory_space<vmem>>, vector<1x16xi32>,
    %get3A_325 = arith.constant 1 : i32
    %get3A_326 = arith.index_cast %get3A_325 : i32 to index
    %get3A_327 = arith.constant 48 : index
    %get3A_328 = tpu.vector_load %arg5[%get3A_326, %get3A_327] {strides = array<i32>} : memref<200x128xi32, #tpu.memory_space<vmem>>, vector<1x16xi32>,
    %get3A_329 = vector.shape_cast %get3A_328 : vector<1x16xi32> to vector<16xi32>
    %eq3A_330 = arith.constant -1 : i32
    %eq3A_331 = vector.broadcast %eq3A_330 : i32 to vector<16xi32>
    %eq3A_332 = arith.cmpi eq, %get3A_329, %eq3A_331 : vector<16xi32>
    %jit3A_333 = arith.constant 99998 : i32
    %broadcast_in_dim3A_334 = vector.broadcast %jit3A_333 : i32 to vector<16xi32>
    %select_n3A_335 = arith.select %eq3A_332, %broadcast_in_dim3A_334, %get3A_329 : vector<16xi1>, vector<16xi32>
    %eq3A_336 = arith.constant -2 : i32
    %eq3A_337 = vector.broadcast %eq3A_336 : i32 to vector<16xi32>
    %eq3A_338 = arith.cmpi eq, %select_n3A_335, %eq3A_337 : vector<16xi32>
    %jit3A_339 = arith.constant 99999 : i32
    %broadcast_in_dim3A_340 = vector.broadcast %jit3A_339 : i32 to vector<16xi32>
    %select_n3A_341 = arith.select %eq3A_338, %broadcast_in_dim3A_340, %select_n3A_335 : vector<16xi1>, vector<16xi32>
    %jit3A_342 = arith.constant 0 : i32
    %jit3A_343 = arith.constant 99999 : i32
    %max3A_344 = vector.broadcast %jit3A_342 : i32 to vector<16xi32>
    %max3A_345 = arith.maxsi %max3A_344, %select_n3A_341 : vector<16xi32>
    %min3A_346 = vector.broadcast %jit3A_343 : i32 to vector<16xi32>
    %min3A_347 = arith.minsi %min3A_346, %max3A_345 : vector<16xi32>
    %swap3A_348 = arith.constant 1 : i32
    %swap3A_349 = arith.index_cast %swap3A_348 : i32 to index
    %swap3A_350 = arith.constant 48 : index
    %swap3A_351 = tpu.vector_load %arg5[%swap3A_349, %swap3A_350] {strides = array<i32>} : memref<200x128xi32, #tpu.memory_space<vmem>>, vector<1x16xi32>,
    %swap3A_352 = vector.shape_cast %swap3A_351 : vector<1x16xi32> to vector<16xi32>
    %swap3A_353 = vector.shape_cast %min3A_347 : vector<16xi32> to vector<1x16xi32>
    tpu.vector_store %arg5[%swap3A_349, %swap3A_350], %swap3A_353 {strides = array<i32>} : memref<200x128xi32, #tpu.memory_space<vmem>>, vector<1x16xi32>,
    %get3A_354 = arith.constant 1 : i32
    %get3A_355 = arith.index_cast %get3A_354 : i32 to index
    %get3A_356 = arith.constant 64 : index
    %get3A_357 = tpu.vector_load %arg5[%get3A_355, %get3A_356] {strides = array<i32>} : memref<200x128xi32, #tpu.memory_space<vmem>>, vector<1x16xi32>,
    %get3A_358 = vector.shape_cast %get3A_357 : vector<1x16xi32> to vector<16xi32>
    %eq3A_359 = arith.constant -1 : i32
    %eq3A_360 = vector.broadcast %eq3A_359 : i32 to vector<16xi32>
    %eq3A_361 = arith.cmpi eq, %get3A_358, %eq3A_360 : vector<16xi32>
    %jit3A_362 = arith.constant 99998 : i32
    %broadcast_in_dim3A_363 = vector.broadcast %jit3A_362 : i32 to vector<16xi32>
    %select_n3A_364 = arith.select %eq3A_361, %broadcast_in_dim3A_363, %get3A_358 : vector<16xi1>, vector<16xi32>
    %eq3A_365 = arith.constant -2 : i32
    %eq3A_366 = vector.broadcast %eq3A_365 : i32 to vector<16xi32>
    %eq3A_367 = arith.cmpi eq, %select_n3A_364, %eq3A_366 : vector<16xi32>
    %jit3A_368 = arith.constant 99999 : i32
    %broadcast_in_dim3A_369 = vector.broadcast %jit3A_368 : i32 to vector<16xi32>
    %select_n3A_370 = arith.select %eq3A_367, %broadcast_in_dim3A_369, %select_n3A_364 : vector<16xi1>, vector<16xi32>
    %jit3A_371 = arith.constant 0 : i32
    %jit3A_372 = arith.constant 99999 : i32
    %max3A_373 = vector.broadcast %jit3A_371 : i32 to vector<16xi32>
    %max3A_374 = arith.maxsi %max3A_373, %select_n3A_370 : vector<16xi32>
    %min3A_375 = vector.broadcast %jit3A_372 : i32 to vector<16xi32>
    %min3A_376 = arith.minsi %min3A_375, %max3A_374 : vector<16xi32>
    %swap3A_377 = arith.constant 1 : i32
    %swap3A_378 = arith.index_cast %swap3A_377 : i32 to index
    %swap3A_379 = arith.constant 64 : index
    %swap3A_380 = tpu.vector_load %arg5[%swap3A_378, %swap3A_379] {strides = array<i32>} : memref<200x128xi32, #tpu.memory_space<vmem>>, vector<1x16xi32>,
    %swap3A_381 = vector.shape_cast %swap3A_380 : vector<1x16xi32> to vector<16xi32>
    %swap3A_382 = vector.shape_cast %min3A_376 : vector<16xi32> to vector<1x16xi32>
    tpu.vector_store %arg5[%swap3A_378, %swap3A_379], %swap3A_382 {strides = array<i32>} : memref<200x128xi32, #tpu.memory_space<vmem>>, vector<1x16xi32>,
    %get3A_383 = arith.constant 1 : i32
    %get3A_384 = arith.index_cast %get3A_383 : i32 to index
    %get3A_385 = arith.constant 80 : index
    %get3A_386 = tpu.vector_load %arg5[%get3A_384, %get3A_385] {strides = array<i32>} : memref<200x128xi32, #tpu.memory_space<vmem>>, vector<1x16xi32>,
    %get3A_387 = vector.shape_cast %get3A_386 : vector<1x16xi32> to vector<16xi32>
    %eq3A_388 = arith.constant -1 : i32
    %eq3A_389 = vector.broadcast %eq3A_388 : i32 to vector<16xi32>
    %eq3A_390 = arith.cmpi eq, %get3A_387, %eq3A_389 : vector<16xi32>
    %jit3A_391 = arith.constant 99998 : i32
    %broadcast_in_dim3A_392 = vector.broadcast %jit3A_391 : i32 to vector<16xi32>
    %select_n3A_393 = arith.select %eq3A_390, %broadcast_in_dim3A_392, %get3A_387 : vector<16xi1>, vector<16xi32>
    %eq3A_394 = arith.constant -2 : i32
    %eq3A_395 = vector.broadcast %eq3A_394 : i32 to vector<16xi32>
    %eq3A_396 = arith.cmpi eq, %select_n3A_393, %eq3A_395 : vector<16xi32>
    %jit3A_397 = arith.constant 99999 : i32
    %broadcast_in_dim3A_398 = vector.broadcast %jit3A_397 : i32 to vector<16xi32>
    %select_n3A_399 = arith.select %eq3A_396, %broadcast_in_dim3A_398, %select_n3A_393 : vector<16xi1>, vector<16xi32>
    %jit3A_400 = arith.constant 0 : i32
    %jit3A_401 = arith.constant 99999 : i32
    %max3A_402 = vector.broadcast %jit3A_400 : i32 to vector<16xi32>
    %max3A_403 = arith.maxsi %max3A_402, %select_n3A_399 : vector<16xi32>
    %min3A_404 = vector.broadcast %jit3A_401 : i32 to vector<16xi32>
    %min3A_405 = arith.minsi %min3A_404, %max3A_403 : vector<16xi32>
    %swap3A_406 = arith.constant 1 : i32
    %swap3A_407 = arith.index_cast %swap3A_406 : i32 to index
    %swap3A_408 = arith.constant 80 : index
    %swap3A_409 = tpu.vector_load %arg5[%swap3A_407, %swap3A_408] {strides = array<i32>} : memref<200x128xi32, #tpu.memory_space<vmem>>, vector<1x16xi32>,
    %swap3A_410 = vector.shape_cast %swap3A_409 : vector<1x16xi32> to vector<16xi32>
    %swap3A_411 = vector.shape_cast %min3A_405 : vector<16xi32> to vector<1x16xi32>
    tpu.vector_store %arg5[%swap3A_407, %swap3A_408], %swap3A_411 {strides = array<i32>} : memref<200x128xi32, #tpu.memory_space<vmem>>, vector<1x16xi32>,
    %get3A_412 = arith.constant 1 : i32
    %get3A_413 = arith.index_cast %get3A_412 : i32 to index
    %get3A_414 = arith.constant 96 : index
    %get3A_415 = tpu.vector_load %arg5[%get3A_413, %get3A_414] {strides = array<i32>} : memref<200x128xi32, #tpu.memory_space<vmem>>, vector<1x16xi32>,
    %get3A_416 = vector.shape_cast %get3A_415 : vector<1x16xi32> to vector<16xi32>
    %eq3A_417 = arith.constant -1 : i32
    %eq3A_418 = vector.broadcast %eq3A_417 : i32 to vector<16xi32>
    %eq3A_419 = arith.cmpi eq, %get3A_416, %eq3A_418 : vector<16xi32>
    %jit3A_420 = arith.constant 99998 : i32
    %broadcast_in_dim3A_421 = vector.broadcast %jit3A_420 : i32 to vector<16xi32>
    %select_n3A_422 = arith.select %eq3A_419, %broadcast_in_dim3A_421, %get3A_416 : vector<16xi1>, vector<16xi32>
    %eq3A_423 = arith.constant -2 : i32
    %eq3A_424 = vector.broadcast %eq3A_423 : i32 to vector<16xi32>
    %eq3A_425 = arith.cmpi eq, %select_n3A_422, %eq3A_424 : vector<16xi32>
    %jit3A_426 = arith.constant 99999 : i32
    %broadcast_in_dim3A_427 = vector.broadcast %jit3A_426 : i32 to vector<16xi32>
    %select_n3A_428 = arith.select %eq3A_425, %broadcast_in_dim3A_427, %select_n3A_422 : vector<16xi1>, vector<16xi32>
    %jit3A_429 = arith.constant 0 : i32
    %jit3A_430 = arith.constant 99999 : i32
    %max3A_431 = vector.broadcast %jit3A_429 : i32 to vector<16xi32>
    %max3A_432 = arith.maxsi %max3A_431, %select_n3A_428 : vector<16xi32>
    %min3A_433 = vector.broadcast %jit3A_430 : i32 to vector<16xi32>
    %min3A_434 = arith.minsi %min3A_433, %max3A_432 : vector<16xi32>
    %swap3A_435 = arith.constant 1 : i32
    %swap3A_436 = arith.index_cast %swap3A_435 : i32 to index
    %swap3A_437 = arith.constant 96 : index
    %swap3A_438 = tpu.vector_load %arg5[%swap3A_436, %swap3A_437] {strides = array<i32>} : memref<200x128xi32, #tpu.memory_space<vmem>>, vector<1x16xi32>,
    %swap3A_439 = vector.shape_cast %swap3A_438 : vector<1x16xi32> to vector<16xi32>
    %swap3A_440 = vector.shape_cast %min3A_434 : vector<16xi32> to vector<1x16xi32>
    tpu.vector_store %arg5[%swap3A_436, %swap3A_437], %swap3A_440 {strides = array<i32>} : memref<200x128xi32, #tpu.memory_space<vmem>>, vector<1x16xi32>,
    %get3A_441 = arith.constant 1 : i32
    %get3A_442 = arith.index_cast %get3A_441 : i32 to index
    %get3A_443 = arith.constant 112 : index
    %get3A_444 = tpu.vector_load %arg5[%get3A_442, %get3A_443] {strides = array<i32>} : memref<200x128xi32, #tpu.memory_space<vmem>>, vector<1x16xi32>,
    %get3A_445 = vector.shape_cast %get3A_444 : vector<1x16xi32> to vector<16xi32>
    %eq3A_446 = arith.constant -1 : i32
    %eq3A_447 = vector.broadcast %eq3A_446 : i32 to vector<16xi32>
    %eq3A_448 = arith.cmpi eq, %get3A_445, %eq3A_447 : vector<16xi32>
    %jit3A_449 = arith.constant 99998 : i32
    %broadcast_in_dim3A_450 = vector.broadcast %jit3A_449 : i32 to vector<16xi32>
    %select_n3A_451 = arith.select %eq3A_448, %broadcast_in_dim3A_450, %get3A_445 : vector<16xi1>, vector<16xi32>
    %eq3A_452 = arith.constant -2 : i32
    %eq3A_453 = vector.broadcast %eq3A_452 : i32 to vector<16xi32>
    %eq3A_454 = arith.cmpi eq, %select_n3A_451, %eq3A_453 : vector<16xi32>
    %jit3A_455 = arith.constant 99999 : i32
    %broadcast_in_dim3A_456 = vector.broadcast %jit3A_455 : i32 to vector<16xi32>
    %select_n3A_457 = arith.select %eq3A_454, %broadcast_in_dim3A_456, %select_n3A_451 : vector<16xi1>, vector<16xi32>
    %jit3A_458 = arith.constant 0 : i32
    %jit3A_459 = arith.constant 99999 : i32
    %max3A_460 = vector.broadcast %jit3A_458 : i32 to vector<16xi32>
    %max3A_461 = arith.maxsi %max3A_460, %select_n3A_457 : vector<16xi32>
    %min3A_462 = vector.broadcast %jit3A_459 : i32 to vector<16xi32>
    %min3A_463 = arith.minsi %min3A_462, %max3A_461 : vector<16xi32>
    %swap3A_464 = arith.constant 1 : i32
    %swap3A_465 = arith.index_cast %swap3A_464 : i32 to index
    %swap3A_466 = arith.constant 112 : index
    %swap3A_467 = tpu.vector_load %arg5[%swap3A_465, %swap3A_466] {strides = array<i32>} : memref<200x128xi32, #tpu.memory_space<vmem>>, vector<1x16xi32>,
    %swap3A_468 = vector.shape_cast %swap3A_467 : vector<1x16xi32> to vector<16xi32>
    %swap3A_469 = vector.shape_cast %min3A_463 : vector<16xi32> to vector<1x16xi32>
    tpu.vector_store %arg5[%swap3A_465, %swap3A_466], %swap3A_469 {strides = array<i32>} : memref<200x128xi32, #tpu.memory_space<vmem>>, vector<1x16xi32>,
    %dma_start3A_470 = arith.constant 1 : i32
    %dma_start3A_471 = arith.constant 1 : i32
    %dma_start3A_472 = arith.constant 0 : i32
    %dma_start3A_473 = arith.constant 0 : i32
    %dma_start3A_474 = tpu.memref_slice %arg6[%dma_start3A_471, %dma_start3A_472, %dma_start3A_473] : memref<5x128x128xf32, #tpu.memory_space<vmem>> -> memref<1x128x128xf32, #tpu.memory_space<vmem>>
    %dma_start3A_475 = tpu.memref_squeeze %dma_start3A_474 : memref<1x128x128xf32, #tpu.memory_space<vmem>> -> memref<128x128xf32, #tpu.memory_space<vmem>>
    %dma_start3A_476 = arith.constant 0 : i32
    %dma_start3A_477 = tpu.memref_slice %arg5[%dma_start3A_470, %dma_start3A_476] : memref<200x128xi32, #tpu.memory_space<vmem>> -> memref<1x128xi32, #tpu.memory_space<vmem>>
    %dma_start3A_478 = tpu.memref_squeeze %dma_start3A_477 : memref<1x128xi32, #tpu.memory_space<vmem>> -> memref<128xi32, #tpu.memory_space<vmem>>
    %dma_start3A_479 = arith.constant 0 : i32
    %dma_start3A_480 = arith.constant 0 : i32
    %dma_start3A_481 = tpu.memref_slice %arg2[%dma_start3A_479, %dma_start3A_480] : memref<100000x128xf32, #tpu.memory_space<hbm>> -> memref<100000x128xf32, #tpu.memory_space<hbm>>
    tpu.enqueue_indirect_dma source(%dma_start3A_481 : memref<100000x128xf32, #tpu.memory_space<hbm>>) target(%dma_start3A_475 : memref<128x128xf32, #tpu.memory_space<vmem>>) offsets(%dma_start3A_478 : memref<128xi32, #tpu.memory_space<vmem>>) semaphore(%arg7 : memref<!tpu.dma_semaphore, #tpu.memory_space<semaphore_mem>>)
    %get3A_482 = arith.constant 2 : i32
    %get3A_483 = arith.index_cast %get3A_482 : i32 to index
    %get3A_484 = arith.constant 0 : index
    %get3A_485 = tpu.vector_load %arg5[%get3A_483, %get3A_484] {strides = array<i32>} : memref<200x128xi32, #tpu.memory_space<vmem>>, vector<1x16xi32>,
    %get3A_486 = vector.shape_cast %get3A_485 : vector<1x16xi32> to vector<16xi32>
    %eq3A_487 = arith.constant -1 : i32
    %eq3A_488 = vector.broadcast %eq3A_487 : i32 to vector<16xi32>
    %eq3A_489 = arith.cmpi eq, %get3A_486, %eq3A_488 : vector<16xi32>
    %jit3A_490 = arith.constant 99998 : i32
    %broadcast_in_dim3A_491 = vector.broadcast %jit3A_490 : i32 to vector<16xi32>
    %select_n3A_492 = arith.select %eq3A_489, %broadcast_in_dim3A_491, %get3A_486 : vector<16xi1>, vector<16xi32>
    %eq3A_493 = arith.constant -2 : i32
    %eq3A_494 = vector.broadcast %eq3A_493 : i32 to vector<16xi32>
    %eq3A_495 = arith.cmpi eq, %select_n3A_492, %eq3A_494 : vector<16xi32>
    %jit3A_496 = arith.constant 99999 : i32
    %broadcast_in_dim3A_497 = vector.broadcast %jit3A_496 : i32 to vector<16xi32>
    %select_n3A_498 = arith.select %eq3A_495, %broadcast_in_dim3A_497, %select_n3A_492 : vector<16xi1>, vector<16xi32>
    %jit3A_499 = arith.constant 0 : i32
    %jit3A_500 = arith.constant 99999 : i32
    %max3A_501 = vector.broadcast %jit3A_499 : i32 to vector<16xi32>
    %max3A_502 = arith.maxsi %max3A_501, %select_n3A_498 : vector<16xi32>
    %min3A_503 = vector.broadcast %jit3A_500 : i32 to vector<16xi32>
    %min3A_504 = arith.minsi %min3A_503, %max3A_502 : vector<16xi32>
    %swap3A_505 = arith.constant 2 : i32
    %swap3A_506 = arith.index_cast %swap3A_505 : i32 to index
    %swap3A_507 = arith.constant 0 : index
    %swap3A_508 = tpu.vector_load %arg5[%swap3A_506, %swap3A_507] {strides = array<i32>} : memref<200x128xi32, #tpu.memory_space<vmem>>, vector<1x16xi32>,
    %swap3A_509 = vector.shape_cast %swap3A_508 : vector<1x16xi32> to vector<16xi32>
    %swap3A_510 = vector.shape_cast %min3A_504 : vector<16xi32> to vector<1x16xi32>
    tpu.vector_store %arg5[%swap3A_506, %swap3A_507], %swap3A_510 {strides = array<i32>} : memref<200x128xi32, #tpu.memory_space<vmem>>, vector<1x16xi32>,
    %get3A_511 = arith.constant 2 : i32
    %get3A_512 = arith.index_cast %get3A_511 : i32 to index
    %get3A_513 = arith.constant 16 : index
    %get3A_514 = tpu.vector_load %arg5[%get3A_512, %get3A_513] {strides = array<i32>} : memref<200x128xi32, #tpu.memory_space<vmem>>, vector<1x16xi32>,
    %get3A_515 = vector.shape_cast %get3A_514 : vector<1x16xi32> to vector<16xi32>
    %eq3A_516 = arith.constant -1 : i32
    %eq3A_517 = vector.broadcast %eq3A_516 : i32 to vector<16xi32>
    %eq3A_518 = arith.cmpi eq, %get3A_515, %eq3A_517 : vector<16xi32>
    %jit3A_519 = arith.constant 99998 : i32
    %broadcast_in_dim3A_520 = vector.broadcast %jit3A_519 : i32 to vector<16xi32>
    %select_n3A_521 = arith.select %eq3A_518, %broadcast_in_dim3A_520, %get3A_515 : vector<16xi1>, vector<16xi32>
    %eq3A_522 = arith.constant -2 : i32
    %eq3A_523 = vector.broadcast %eq3A_522 : i32 to vector<16xi32>
    %eq3A_524 = arith.cmpi eq, %select_n3A_521, %eq3A_523 : vector<16xi32>
    %jit3A_525 = arith.constant 99999 : i32
    %broadcast_in_dim3A_526 = vector.broadcast %jit3A_525 : i32 to vector<16xi32>
    %select_n3A_527 = arith.select %eq3A_524, %broadcast_in_dim3A_526, %select_n3A_521 : vector<16xi1>, vector<16xi32>
    %jit3A_528 = arith.constant 0 : i32
    %jit3A_529 = arith.constant 99999 : i32
    %max3A_530 = vector.broadcast %jit3A_528 : i32 to vector<16xi32>
    %max3A_531 = arith.maxsi %max3A_530, %select_n3A_527 : vector<16xi32>
    %min3A_532 = vector.broadcast %jit3A_529 : i32 to vector<16xi32>
    %min3A_533 = arith.minsi %min3A_532, %max3A_531 : vector<16xi32>
    %swap3A_534 = arith.constant 2 : i32
    %swap3A_535 = arith.index_cast %swap3A_534 : i32 to index
    %swap3A_536 = arith.constant 16 : index
    %swap3A_537 = tpu.vector_load %arg5[%swap3A_535, %swap3A_536] {strides = array<i32>} : memref<200x128xi32, #tpu.memory_space<vmem>>, vector<1x16xi32>,
    %swap3A_538 = vector.shape_cast %swap3A_537 : vector<1x16xi32> to vector<16xi32>
    %swap3A_539 = vector.shape_cast %min3A_533 : vector<16xi32> to vector<1x16xi32>
    tpu.vector_store %arg5[%swap3A_535, %swap3A_536], %swap3A_539 {strides = array<i32>} : memref<200x128xi32, #tpu.memory_space<vmem>>, vector<1x16xi32>,
    %get3A_540 = arith.constant 2 : i32
    %get3A_541 = arith.index_cast %get3A_540 : i32 to index
    %get3A_542 = arith.constant 32 : index
    %get3A_543 = tpu.vector_load %arg5[%get3A_541, %get3A_542] {strides = array<i32>} : memref<200x128xi32, #tpu.memory_space<vmem>>, vector<1x16xi32>,
    %get3A_544 = vector.shape_cast %get3A_543 : vector<1x16xi32> to vector<16xi32>
    %eq3A_545 = arith.constant -1 : i32
    %eq3A_546 = vector.broadcast %eq3A_545 : i32 to vector<16xi32>
    %eq3A_547 = arith.cmpi eq, %get3A_544, %eq3A_546 : vector<16xi32>
    %jit3A_548 = arith.constant 99998 : i32
    %broadcast_in_dim3A_549 = vector.broadcast %jit3A_548 : i32 to vector<16xi32>
    %select_n3A_550 = arith.select %eq3A_547, %broadcast_in_dim3A_549, %get3A_544 : vector<16xi1>, vector<16xi32>
    %eq3A_551 = arith.constant -2 : i32
    %eq3A_552 = vector.broadcast %eq3A_551 : i32 to vector<16xi32>
    %eq3A_553 = arith.cmpi eq, %select_n3A_550, %eq3A_552 : vector<16xi32>
    %jit3A_554 = arith.constant 99999 : i32
    %broadcast_in_dim3A_555 = vector.broadcast %jit3A_554 : i32 to vector<16xi32>
    %select_n3A_556 = arith.select %eq3A_553, %broadcast_in_dim3A_555, %select_n3A_550 : vector<16xi1>, vector<16xi32>
    %jit3A_557 = arith.constant 0 : i32
    %jit3A_558 = arith.constant 99999 : i32
    %max3A_559 = vector.broadcast %jit3A_557 : i32 to vector<16xi32>
    %max3A_560 = arith.maxsi %max3A_559, %select_n3A_556 : vector<16xi32>
    %min3A_561 = vector.broadcast %jit3A_558 : i32 to vector<16xi32>
    %min3A_562 = arith.minsi %min3A_561, %max3A_560 : vector<16xi32>
    %swap3A_563 = arith.constant 2 : i32
    %swap3A_564 = arith.index_cast %swap3A_563 : i32 to index
    %swap3A_565 = arith.constant 32 : index
    %swap3A_566 = tpu.vector_load %arg5[%swap3A_564, %swap3A_565] {strides = array<i32>} : memref<200x128xi32, #tpu.memory_space<vmem>>, vector<1x16xi32>,
    %swap3A_567 = vector.shape_cast %swap3A_566 : vector<1x16xi32> to vector<16xi32>
    %swap3A_568 = vector.shape_cast %min3A_562 : vector<16xi32> to vector<1x16xi32>
    tpu.vector_store %arg5[%swap3A_564, %swap3A_565], %swap3A_568 {strides = array<i32>} : memref<200x128xi32, #tpu.memory_space<vmem>>, vector<1x16xi32>,
    %get3A_569 = arith.constant 2 : i32
    %get3A_570 = arith.index_cast %get3A_569 : i32 to index
    %get3A_571 = arith.constant 48 : index
    %get3A_572 = tpu.vector_load %arg5[%get3A_570, %get3A_571] {strides = array<i32>} : memref<200x128xi32, #tpu.memory_space<vmem>>, vector<1x16xi32>,
    %get3A_573 = vector.shape_cast %get3A_572 : vector<1x16xi32> to vector<16xi32>
    %eq3A_574 = arith.constant -1 : i32
    %eq3A_575 = vector.broadcast %eq3A_574 : i32 to vector<16xi32>
    %eq3A_576 = arith.cmpi eq, %get3A_573, %eq3A_575 : vector<16xi32>
    %jit3A_577 = arith.constant 99998 : i32
    %broadcast_in_dim3A_578 = vector.broadcast %jit3A_577 : i32 to vector<16xi32>
    %select_n3A_579 = arith.select %eq3A_576, %broadcast_in_dim3A_578, %get3A_573 : vector<16xi1>, vector<16xi32>
    %eq3A_580 = arith.constant -2 : i32
    %eq3A_581 = vector.broadcast %eq3A_580 : i32 to vector<16xi32>
    %eq3A_582 = arith.cmpi eq, %select_n3A_579, %eq3A_581 : vector<16xi32>
    %jit3A_583 = arith.constant 99999 : i32
    %broadcast_in_dim3A_584 = vector.broadcast %jit3A_583 : i32 to vector<16xi32>
    %select_n3A_585 = arith.select %eq3A_582, %broadcast_in_dim3A_584, %select_n3A_579 : vector<16xi1>, vector<16xi32>
    %jit3A_586 = arith.constant 0 : i32
    %jit3A_587 = arith.constant 99999 : i32
    %max3A_588 = vector.broadcast %jit3A_586 : i32 to vector<16xi32>
    %max3A_589 = arith.maxsi %max3A_588, %select_n3A_585 : vector<16xi32>
    %min3A_590 = vector.broadcast %jit3A_587 : i32 to vector<16xi32>
    %min3A_591 = arith.minsi %min3A_590, %max3A_589 : vector<16xi32>
    %swap3A_592 = arith.constant 2 : i32
    %swap3A_593 = arith.index_cast %swap3A_592 : i32 to index
    %swap3A_594 = arith.constant 48 : index
    %swap3A_595 = tpu.vector_load %arg5[%swap3A_593, %swap3A_594] {strides = array<i32>} : memref<200x128xi32, #tpu.memory_space<vmem>>, vector<1x16xi32>,
    %swap3A_596 = vector.shape_cast %swap3A_595 : vector<1x16xi32> to vector<16xi32>
    %swap3A_597 = vector.shape_cast %min3A_591 : vector<16xi32> to vector<1x16xi32>
    tpu.vector_store %arg5[%swap3A_593, %swap3A_594], %swap3A_597 {strides = array<i32>} : memref<200x128xi32, #tpu.memory_space<vmem>>, vector<1x16xi32>,
    %get3A_598 = arith.constant 2 : i32
    %get3A_599 = arith.index_cast %get3A_598 : i32 to index
    %get3A_600 = arith.constant 64 : index
    %get3A_601 = tpu.vector_load %arg5[%get3A_599, %get3A_600] {strides = array<i32>} : memref<200x128xi32, #tpu.memory_space<vmem>>, vector<1x16xi32>,
    %get3A_602 = vector.shape_cast %get3A_601 : vector<1x16xi32> to vector<16xi32>
    %eq3A_603 = arith.constant -1 : i32
    %eq3A_604 = vector.broadcast %eq3A_603 : i32 to vector<16xi32>
    %eq3A_605 = arith.cmpi eq, %get3A_602, %eq3A_604 : vector<16xi32>
    %jit3A_606 = arith.constant 99998 : i32
    %broadcast_in_dim3A_607 = vector.broadcast %jit3A_606 : i32 to vector<16xi32>
    %select_n3A_608 = arith.select %eq3A_605, %broadcast_in_dim3A_607, %get3A_602 : vector<16xi1>, vector<16xi32>
    %eq3A_609 = arith.constant -2 : i32
    %eq3A_610 = vector.broadcast %eq3A_609 : i32 to vector<16xi32>
    %eq3A_611 = arith.cmpi eq, %select_n3A_608, %eq3A_610 : vector<16xi32>
    %jit3A_612 = arith.constant 99999 : i32
    %broadcast_in_dim3A_613 = vector.broadcast %jit3A_612 : i32 to vector<16xi32>
    %select_n3A_614 = arith.select %eq3A_611, %broadcast_in_dim3A_613, %select_n3A_608 : vector<16xi1>, vector<16xi32>
    %jit3A_615 = arith.constant 0 : i32
    %jit3A_616 = arith.constant 99999 : i32
    %max3A_617 = vector.broadcast %jit3A_615 : i32 to vector<16xi32>
    %max3A_618 = arith.maxsi %max3A_617, %select_n3A_614 : vector<16xi32>
    %min3A_619 = vector.broadcast %jit3A_616 : i32 to vector<16xi32>
    %min3A_620 = arith.minsi %min3A_619, %max3A_618 : vector<16xi32>
    %swap3A_621 = arith.constant 2 : i32
    %swap3A_622 = arith.index_cast %swap3A_621 : i32 to index
    %swap3A_623 = arith.constant 64 : index
    %swap3A_624 = tpu.vector_load %arg5[%swap3A_622, %swap3A_623] {strides = array<i32>} : memref<200x128xi32, #tpu.memory_space<vmem>>, vector<1x16xi32>,
    %swap3A_625 = vector.shape_cast %swap3A_624 : vector<1x16xi32> to vector<16xi32>
    %swap3A_626 = vector.shape_cast %min3A_620 : vector<16xi32> to vector<1x16xi32>
    tpu.vector_store %arg5[%swap3A_622, %swap3A_623], %swap3A_626 {strides = array<i32>} : memref<200x128xi32, #tpu.memory_space<vmem>>, vector<1x16xi32>,
    %get3A_627 = arith.constant 2 : i32
    %get3A_628 = arith.index_cast %get3A_627 : i32 to index
    %get3A_629 = arith.constant 80 : index
    %get3A_630 = tpu.vector_load %arg5[%get3A_628, %get3A_629] {strides = array<i32>} : memref<200x128xi32, #tpu.memory_space<vmem>>, vector<1x16xi32>,
    %get3A_631 = vector.shape_cast %get3A_630 : vector<1x16xi32> to vector<16xi32>
    %eq3A_632 = arith.constant -1 : i32
    %eq3A_633 = vector.broadcast %eq3A_632 : i32 to vector<16xi32>
    %eq3A_634 = arith.cmpi eq, %get3A_631, %eq3A_633 : vector<16xi32>
    %jit3A_635 = arith.constant 99998 : i32
    %broadcast_in_dim3A_636 = vector.broadcast %jit3A_635 : i32 to vector<16xi32>
    %select_n3A_637 = arith.select %eq3A_634, %broadcast_in_dim3A_636, %get3A_631 : vector<16xi1>, vector<16xi32>
    %eq3A_638 = arith.constant -2 : i32
    %eq3A_639 = vector.broadcast %eq3A_638 : i32 to vector<16xi32>
    %eq3A_640 = arith.cmpi eq, %select_n3A_637, %eq3A_639 : vector<16xi32>
    %jit3A_641 = arith.constant 99999 : i32
    %broadcast_in_dim3A_642 = vector.broadcast %jit3A_641 : i32 to vector<16xi32>
    %select_n3A_643 = arith.select %eq3A_640, %broadcast_in_dim3A_642, %select_n3A_637 : vector<16xi1>, vector<16xi32>
    %jit3A_644 = arith.constant 0 : i32
    %jit3A_645 = arith.constant 99999 : i32
    %max3A_646 = vector.broadcast %jit3A_644 : i32 to vector<16xi32>
    %max3A_647 = arith.maxsi %max3A_646, %select_n3A_643 : vector<16xi32>
    %min3A_648 = vector.broadcast %jit3A_645 : i32 to vector<16xi32>
    %min3A_649 = arith.minsi %min3A_648, %max3A_647 : vector<16xi32>
    %swap3A_650 = arith.constant 2 : i32
    %swap3A_651 = arith.index_cast %swap3A_650 : i32 to index
    %swap3A_652 = arith.constant 80 : index
    %swap3A_653 = tpu.vector_load %arg5[%swap3A_651, %swap3A_652] {strides = array<i32>} : memref<200x128xi32, #tpu.memory_space<vmem>>, vector<1x16xi32>,
    %swap3A_654 = vector.shape_cast %swap3A_653 : vector<1x16xi32> to vector<16xi32>
    %swap3A_655 = vector.shape_cast %min3A_649 : vector<16xi32> to vector<1x16xi32>
    tpu.vector_store %arg5[%swap3A_651, %swap3A_652], %swap3A_655 {strides = array<i32>} : memref<200x128xi32, #tpu.memory_space<vmem>>, vector<1x16xi32>,
    %get3A_656 = arith.constant 2 : i32
    %get3A_657 = arith.index_cast %get3A_656 : i32 to index
    %get3A_658 = arith.constant 96 : index
    %get3A_659 = tpu.vector_load %arg5[%get3A_657, %get3A_658] {strides = array<i32>} : memref<200x128xi32, #tpu.memory_space<vmem>>, vector<1x16xi32>,
    %get3A_660 = vector.shape_cast %get3A_659 : vector<1x16xi32> to vector<16xi32>
    %eq3A_661 = arith.constant -1 : i32
    %eq3A_662 = vector.broadcast %eq3A_661 : i32 to vector<16xi32>
    %eq3A_663 = arith.cmpi eq, %get3A_660, %eq3A_662 : vector<16xi32>
    %jit3A_664 = arith.constant 99998 : i32
    %broadcast_in_dim3A_665 = vector.broadcast %jit3A_664 : i32 to vector<16xi32>
    %select_n3A_666 = arith.select %eq3A_663, %broadcast_in_dim3A_665, %get3A_660 : vector<16xi1>, vector<16xi32>
    %eq3A_667 = arith.constant -2 : i32
    %eq3A_668 = vector.broadcast %eq3A_667 : i32 to vector<16xi32>
    %eq3A_669 = arith.cmpi eq, %select_n3A_666, %eq3A_668 : vector<16xi32>
    %jit3A_670 = arith.constant 99999 : i32
    %broadcast_in_dim3A_671 = vector.broadcast %jit3A_670 : i32 to vector<16xi32>
    %select_n3A_672 = arith.select %eq3A_669, %broadcast_in_dim3A_671, %select_n3A_666 : vector<16xi1>, vector<16xi32>
    %jit3A_673 = arith.constant 0 : i32
    %jit3A_674 = arith.constant 99999 : i32
    %max3A_675 = vector.broadcast %jit3A_673 : i32 to vector<16xi32>
    %max3A_676 = arith.maxsi %max3A_675, %select_n3A_672 : vector<16xi32>
    %min3A_677 = vector.broadcast %jit3A_674 : i32 to vector<16xi32>
    %min3A_678 = arith.minsi %min3A_677, %max3A_676 : vector<16xi32>
    %swap3A_679 = arith.constant 2 : i32
    %swap3A_680 = arith.index_cast %swap3A_679 : i32 to index
    %swap3A_681 = arith.constant 96 : index
    %swap3A_682 = tpu.vector_load %arg5[%swap3A_680, %swap3A_681] {strides = array<i32>} : memref<200x128xi32, #tpu.memory_space<vmem>>, vector<1x16xi32>,
    %swap3A_683 = vector.shape_cast %swap3A_682 : vector<1x16xi32> to vector<16xi32>
    %swap3A_684 = vector.shape_cast %min3A_678 : vector<16xi32> to vector<1x16xi32>
    tpu.vector_store %arg5[%swap3A_680, %swap3A_681], %swap3A_684 {strides = array<i32>} : memref<200x128xi32, #tpu.memory_space<vmem>>, vector<1x16xi32>,
    %get3A_685 = arith.constant 2 : i32
    %get3A_686 = arith.index_cast %get3A_685 : i32 to index
    %get3A_687 = arith.constant 112 : index
    %get3A_688 = tpu.vector_load %arg5[%get3A_686, %get3A_687] {strides = array<i32>} : memref<200x128xi32, #tpu.memory_space<vmem>>, vector<1x16xi32>,
    %get3A_689 = vector.shape_cast %get3A_688 : vector<1x16xi32> to vector<16xi32>
    %eq3A_690 = arith.constant -1 : i32
    %eq3A_691 = vector.broadcast %eq3A_690 : i32 to vector<16xi32>
    %eq3A_692 = arith.cmpi eq, %get3A_689, %eq3A_691 : vector<16xi32>
    %jit3A_693 = arith.constant 99998 : i32
    %broadcast_in_dim3A_694 = vector.broadcast %jit3A_693 : i32 to vector<16xi32>
    %select_n3A_695 = arith.select %eq3A_692, %broadcast_in_dim3A_694, %get3A_689 : vector<16xi1>, vector<16xi32>
    %eq3A_696 = arith.constant -2 : i32
    %eq3A_697 = vector.broadcast %eq3A_696 : i32 to vector<16xi32>
    %eq3A_698 = arith.cmpi eq, %select_n3A_695, %eq3A_697 : vector<16xi32>
    %jit3A_699 = arith.constant 99999 : i32
    %broadcast_in_dim3A_700 = vector.broadcast %jit3A_699 : i32 to vector<16xi32>
    %select_n3A_701 = arith.select %eq3A_698, %broadcast_in_dim3A_700, %select_n3A_695 : vector<16xi1>, vector<16xi32>
    %jit3A_702 = arith.constant 0 : i32
    %jit3A_703 = arith.constant 99999 : i32
    %max3A_704 = vector.broadcast %jit3A_702 : i32 to vector<16xi32>
    %max3A_705 = arith.maxsi %max3A_704, %select_n3A_701 : vector<16xi32>
    %min3A_706 = vector.broadcast %jit3A_703 : i32 to vector<16xi32>
    %min3A_707 = arith.minsi %min3A_706, %max3A_705 : vector<16xi32>
    %swap3A_708 = arith.constant 2 : i32
    %swap3A_709 = arith.index_cast %swap3A_708 : i32 to index
    %swap3A_710 = arith.constant 112 : index
    %swap3A_711 = tpu.vector_load %arg5[%swap3A_709, %swap3A_710] {strides = array<i32>} : memref<200x128xi32, #tpu.memory_space<vmem>>, vector<1x16xi32>,
    %swap3A_712 = vector.shape_cast %swap3A_711 : vector<1x16xi32> to vector<16xi32>
    %swap3A_713 = vector.shape_cast %min3A_707 : vector<16xi32> to vector<1x16xi32>
    tpu.vector_store %arg5[%swap3A_709, %swap3A_710], %swap3A_713 {strides = array<i32>} : memref<200x128xi32, #tpu.memory_space<vmem>>, vector<1x16xi32>,
    %dma_start3A_714 = arith.constant 2 : i32
    %dma_start3A_715 = arith.constant 2 : i32
    %dma_start3A_716 = arith.constant 0 : i32
    %dma_start3A_717 = arith.constant 0 : i32
    %dma_start3A_718 = tpu.memref_slice %arg6[%dma_start3A_715, %dma_start3A_716, %dma_start3A_717] : memref<5x128x128xf32, #tpu.memory_space<vmem>> -> memref<1x128x128xf32, #tpu.memory_space<vmem>>
    %dma_start3A_719 = tpu.memref_squeeze %dma_start3A_718 : memref<1x128x128xf32, #tpu.memory_space<vmem>> -> memref<128x128xf32, #tpu.memory_space<vmem>>
    %dma_start3A_720 = arith.constant 0 : i32
    %dma_start3A_721 = tpu.memref_slice %arg5[%dma_start3A_714, %dma_start3A_720] : memref<200x128xi32, #tpu.memory_space<vmem>> -> memref<1x128xi32, #tpu.memory_space<vmem>>
    %dma_start3A_722 = tpu.memref_squeeze %dma_start3A_721 : memref<1x128xi32, #tpu.memory_space<vmem>> -> memref<128xi32, #tpu.memory_space<vmem>>
    %dma_start3A_723 = arith.constant 0 : i32
    %dma_start3A_724 = arith.constant 0 : i32
    %dma_start3A_725 = tpu.memref_slice %arg2[%dma_start3A_723, %dma_start3A_724] : memref<100000x128xf32, #tpu.memory_space<hbm>> -> memref<100000x128xf32, #tpu.memory_space<hbm>>
    tpu.enqueue_indirect_dma source(%dma_start3A_725 : memref<100000x128xf32, #tpu.memory_space<hbm>>) target(%dma_start3A_719 : memref<128x128xf32, #tpu.memory_space<vmem>>) offsets(%dma_start3A_722 : memref<128xi32, #tpu.memory_space<vmem>>) semaphore(%arg7 : memref<!tpu.dma_semaphore, #tpu.memory_space<semaphore_mem>>)
    %scan3A = arith.constant 0 : i32
    %scan3A_726 = arith.constant 0 : i32
    %scan3A_727 = arith.constant 40 : i32
    %scan3A_728 = arith.addi %scan3A_726, %scan3A_727 : i32
    %scan3A_729 = arith.constant 1 : i32
    scf.for %scan3A_764 = %scan3A_726 to %scan3A_728 step %scan3A_729  : i32 {
      %mul3A_765 = arith.constant 5 : i32
      %mul3A_766 = arith.muli %scan3A_764, %mul3A_765 : i32
      %add3A_767 = arith.constant 0 : i32
      %add3A_768 = arith.addi %mul3A_766, %add3A_767 : i32
      %add3A_769 = arith.constant 3 : i32
      %add3A_770 = arith.addi %add3A_768, %add3A_769 : i32
      %lt3A = arith.constant 200 : i32
      %lt3A_771 = arith.cmpi slt, %add3A_770, %lt3A : i32
      %convert_element_type3A = arith.extui %lt3A_771 : i1 to i32
      %cond3A = arith.constant 0 : i32
      %cond3A_772 = arith.cmpi ne, %convert_element_type3A, %cond3A : i32
      scf.if %cond3A_772 {
        %add3A_1011 = arith.constant 3 : i32
        %add3A_1012 = arith.addi %add3A_768, %add3A_1011 : i32
        %get3A_1013 = arith.index_cast %add3A_1012 : i32 to index
        %get3A_1014 = arith.constant 0 : index
        %get3A_1015 = tpu.vector_load %arg5[%get3A_1013, %get3A_1014] {strides = array<i32>} : memref<200x128xi32, #tpu.memory_space<vmem>>, vector<1x16xi32>,
        %get3A_1016 = vector.shape_cast %get3A_1015 : vector<1x16xi32> to vector<16xi32>
        %eq3A_1017 = arith.constant -1 : i32
        %eq3A_1018 = vector.broadcast %eq3A_1017 : i32 to vector<16xi32>
        %eq3A_1019 = arith.cmpi eq, %get3A_1016, %eq3A_1018 : vector<16xi32>
        %jit3A_1020 = arith.constant 99998 : i32
        %broadcast_in_dim3A_1021 = vector.broadcast %jit3A_1020 : i32 to vector<16xi32>
        %select_n3A_1022 = arith.select %eq3A_1019, %broadcast_in_dim3A_1021, %get3A_1016 : vector<16xi1>, vector<16xi32>
        %eq3A_1023 = arith.constant -2 : i32
        %eq3A_1024 = vector.broadcast %eq3A_1023 : i32 to vector<16xi32>
        %eq3A_1025 = arith.cmpi eq, %select_n3A_1022, %eq3A_1024 : vector<16xi32>
        %jit3A_1026 = arith.constant 99999 : i32
        %broadcast_in_dim3A_1027 = vector.broadcast %jit3A_1026 : i32 to vector<16xi32>
        %select_n3A_1028 = arith.select %eq3A_1025, %broadcast_in_dim3A_1027, %select_n3A_1022 : vector<16xi1>, vector<16xi32>
        %jit3A_1029 = arith.constant 0 : i32
        %jit3A_1030 = arith.constant 99999 : i32
        %max3A_1031 = vector.broadcast %jit3A_1029 : i32 to vector<16xi32>
        %max3A_1032 = arith.maxsi %max3A_1031, %select_n3A_1028 : vector<16xi32>
        %min3A_1033 = vector.broadcast %jit3A_1030 : i32 to vector<16xi32>
        %min3A_1034 = arith.minsi %min3A_1033, %max3A_1032 : vector<16xi32>
        %swap3A_1035 = arith.index_cast %add3A_1012 : i32 to index
        %swap3A_1036 = arith.constant 0 : index
        %swap3A_1037 = tpu.vector_load %arg5[%swap3A_1035, %swap3A_1036] {strides = array<i32>} : memref<200x128xi32, #tpu.memory_space<vmem>>, vector<1x16xi32>,
        %swap3A_1038 = vector.shape_cast %swap3A_1037 : vector<1x16xi32> to vector<16xi32>
        %swap3A_1039 = vector.shape_cast %min3A_1034 : vector<16xi32> to vector<1x16xi32>
        tpu.vector_store %arg5[%swap3A_1035, %swap3A_1036], %swap3A_1039 {strides = array<i32>} : memref<200x128xi32, #tpu.memory_space<vmem>>, vector<1x16xi32>,
        %get3A_1040 = arith.index_cast %add3A_1012 : i32 to index
        %get3A_1041 = arith.constant 16 : index
        %get3A_1042 = tpu.vector_load %arg5[%get3A_1040, %get3A_1041] {strides = array<i32>} : memref<200x128xi32, #tpu.memory_space<vmem>>, vector<1x16xi32>,
        %get3A_1043 = vector.shape_cast %get3A_1042 : vector<1x16xi32> to vector<16xi32>
        %eq3A_1044 = arith.constant -1 : i32
        %eq3A_1045 = vector.broadcast %eq3A_1044 : i32 to vector<16xi32>
        %eq3A_1046 = arith.cmpi eq, %get3A_1043, %eq3A_1045 : vector<16xi32>
        %jit3A_1047 = arith.constant 99998 : i32
        %broadcast_in_dim3A_1048 = vector.broadcast %jit3A_1047 : i32 to vector<16xi32>
        %select_n3A_1049 = arith.select %eq3A_1046, %broadcast_in_dim3A_1048, %get3A_1043 : vector<16xi1>, vector<16xi32>
        %eq3A_1050 = arith.constant -2 : i32
        %eq3A_1051 = vector.broadcast %eq3A_1050 : i32 to vector<16xi32>
        %eq3A_1052 = arith.cmpi eq, %select_n3A_1049, %eq3A_1051 : vector<16xi32>
        %jit3A_1053 = arith.constant 99999 : i32
        %broadcast_in_dim3A_1054 = vector.broadcast %jit3A_1053 : i32 to vector<16xi32>
        %select_n3A_1055 = arith.select %eq3A_1052, %broadcast_in_dim3A_1054, %select_n3A_1049 : vector<16xi1>, vector<16xi32>
        %jit3A_1056 = arith.constant 0 : i32
        %jit3A_1057 = arith.constant 99999 : i32
        %max3A_1058 = vector.broadcast %jit3A_1056 : i32 to vector<16xi32>
        %max3A_1059 = arith.maxsi %max3A_1058, %select_n3A_1055 : vector<16xi32>
        %min3A_1060 = vector.broadcast %jit3A_1057 : i32 to vector<16xi32>
        %min3A_1061 = arith.minsi %min3A_1060, %max3A_1059 : vector<16xi32>
        %swap3A_1062 = arith.index_cast %add3A_1012 : i32 to index
        %swap3A_1063 = arith.constant 16 : index
        %swap3A_1064 = tpu.vector_load %arg5[%swap3A_1062, %swap3A_1063] {strides = array<i32>} : memref<200x128xi32, #tpu.memory_space<vmem>>, vector<1x16xi32>,
        %swap3A_1065 = vector.shape_cast %swap3A_1064 : vector<1x16xi32> to vector<16xi32>
        %swap3A_1066 = vector.shape_cast %min3A_1061 : vector<16xi32> to vector<1x16xi32>
        tpu.vector_store %arg5[%swap3A_1062, %swap3A_1063], %swap3A_1066 {strides = array<i32>} : memref<200x128xi32, #tpu.memory_space<vmem>>, vector<1x16xi32>,
        %get3A_1067 = arith.index_cast %add3A_1012 : i32 to index
        %get3A_1068 = arith.constant 32 : index
        %get3A_1069 = tpu.vector_load %arg5[%get3A_1067, %get3A_1068] {strides = array<i32>} : memref<200x128xi32, #tpu.memory_space<vmem>>, vector<1x16xi32>,
        %get3A_1070 = vector.shape_cast %get3A_1069 : vector<1x16xi32> to vector<16xi32>
        %eq3A_1071 = arith.constant -1 : i32
        %eq3A_1072 = vector.broadcast %eq3A_1071 : i32 to vector<16xi32>
        %eq3A_1073 = arith.cmpi eq, %get3A_1070, %eq3A_1072 : vector<16xi32>
        %jit3A_1074 = arith.constant 99998 : i32
        %broadcast_in_dim3A_1075 = vector.broadcast %jit3A_1074 : i32 to vector<16xi32>
        %select_n3A_1076 = arith.select %eq3A_1073, %broadcast_in_dim3A_1075, %get3A_1070 : vector<16xi1>, vector<16xi32>
        %eq3A_1077 = arith.constant -2 : i32
        %eq3A_1078 = vector.broadcast %eq3A_1077 : i32 to vector<16xi32>
        %eq3A_1079 = arith.cmpi eq, %select_n3A_1076, %eq3A_1078 : vector<16xi32>
        %jit3A_1080 = arith.constant 99999 : i32
        %broadcast_in_dim3A_1081 = vector.broadcast %jit3A_1080 : i32 to vector<16xi32>
        %select_n3A_1082 = arith.select %eq3A_1079, %broadcast_in_dim3A_1081, %select_n3A_1076 : vector<16xi1>, vector<16xi32>
        %jit3A_1083 = arith.constant 0 : i32
        %jit3A_1084 = arith.constant 99999 : i32
        %max3A_1085 = vector.broadcast %jit3A_1083 : i32 to vector<16xi32>
        %max3A_1086 = arith.maxsi %max3A_1085, %select_n3A_1082 : vector<16xi32>
        %min3A_1087 = vector.broadcast %jit3A_1084 : i32 to vector<16xi32>
        %min3A_1088 = arith.minsi %min3A_1087, %max3A_1086 : vector<16xi32>
        %swap3A_1089 = arith.index_cast %add3A_1012 : i32 to index
        %swap3A_1090 = arith.constant 32 : index
        %swap3A_1091 = tpu.vector_load %arg5[%swap3A_1089, %swap3A_1090] {strides = array<i32>} : memref<200x128xi32, #tpu.memory_space<vmem>>, vector<1x16xi32>,
        %swap3A_1092 = vector.shape_cast %swap3A_1091 : vector<1x16xi32> to vector<16xi32>
        %swap3A_1093 = vector.shape_cast %min3A_1088 : vector<16xi32> to vector<1x16xi32>
        tpu.vector_store %arg5[%swap3A_1089, %swap3A_1090], %swap3A_1093 {strides = array<i32>} : memref<200x128xi32, #tpu.memory_space<vmem>>, vector<1x16xi32>,
        %get3A_1094 = arith.index_cast %add3A_1012 : i32 to index
        %get3A_1095 = arith.constant 48 : index
        %get3A_1096 = tpu.vector_load %arg5[%get3A_1094, %get3A_1095] {strides = array<i32>} : memref<200x128xi32, #tpu.memory_space<vmem>>, vector<1x16xi32>,
        %get3A_1097 = vector.shape_cast %get3A_1096 : vector<1x16xi32> to vector<16xi32>
        %eq3A_1098 = arith.constant -1 : i32
        %eq3A_1099 = vector.broadcast %eq3A_1098 : i32 to vector<16xi32>
        %eq3A_1100 = arith.cmpi eq, %get3A_1097, %eq3A_1099 : vector<16xi32>
        %jit3A_1101 = arith.constant 99998 : i32
        %broadcast_in_dim3A_1102 = vector.broadcast %jit3A_1101 : i32 to vector<16xi32>
        %select_n3A_1103 = arith.select %eq3A_1100, %broadcast_in_dim3A_1102, %get3A_1097 : vector<16xi1>, vector<16xi32>
        %eq3A_1104 = arith.constant -2 : i32
        %eq3A_1105 = vector.broadcast %eq3A_1104 : i32 to vector<16xi32>
        %eq3A_1106 = arith.cmpi eq, %select_n3A_1103, %eq3A_1105 : vector<16xi32>
        %jit3A_1107 = arith.constant 99999 : i32
        %broadcast_in_dim3A_1108 = vector.broadcast %jit3A_1107 : i32 to vector<16xi32>
        %select_n3A_1109 = arith.select %eq3A_1106, %broadcast_in_dim3A_1108, %select_n3A_1103 : vector<16xi1>, vector<16xi32>
        %jit3A_1110 = arith.constant 0 : i32
        %jit3A_1111 = arith.constant 99999 : i32
        %max3A_1112 = vector.broadcast %jit3A_1110 : i32 to vector<16xi32>
        %max3A_1113 = arith.maxsi %max3A_1112, %select_n3A_1109 : vector<16xi32>
        %min3A_1114 = vector.broadcast %jit3A_1111 : i32 to vector<16xi32>
        %min3A_1115 = arith.minsi %min3A_1114, %max3A_1113 : vector<16xi32>
        %swap3A_1116 = arith.index_cast %add3A_1012 : i32 to index
        %swap3A_1117 = arith.constant 48 : index
        %swap3A_1118 = tpu.vector_load %arg5[%swap3A_1116, %swap3A_1117] {strides = array<i32>} : memref<200x128xi32, #tpu.memory_space<vmem>>, vector<1x16xi32>,
        %swap3A_1119 = vector.shape_cast %swap3A_1118 : vector<1x16xi32> to vector<16xi32>
        %swap3A_1120 = vector.shape_cast %min3A_1115 : vector<16xi32> to vector<1x16xi32>
        tpu.vector_store %arg5[%swap3A_1116, %swap3A_1117], %swap3A_1120 {strides = array<i32>} : memref<200x128xi32, #tpu.memory_space<vmem>>, vector<1x16xi32>,
        %get3A_1121 = arith.index_cast %add3A_1012 : i32 to index
        %get3A_1122 = arith.constant 64 : index
        %get3A_1123 = tpu.vector_load %arg5[%get3A_1121, %get3A_1122] {strides = array<i32>} : memref<200x128xi32, #tpu.memory_space<vmem>>, vector<1x16xi32>,
        %get3A_1124 = vector.shape_cast %get3A_1123 : vector<1x16xi32> to vector<16xi32>
        %eq3A_1125 = arith.constant -1 : i32
        %eq3A_1126 = vector.broadcast %eq3A_1125 : i32 to vector<16xi32>
        %eq3A_1127 = arith.cmpi eq, %get3A_1124, %eq3A_1126 : vector<16xi32>
        %jit3A_1128 = arith.constant 99998 : i32
        %broadcast_in_dim3A_1129 = vector.broadcast %jit3A_1128 : i32 to vector<16xi32>
        %select_n3A_1130 = arith.select %eq3A_1127, %broadcast_in_dim3A_1129, %get3A_1124 : vector<16xi1>, vector<16xi32>
        %eq3A_1131 = arith.constant -2 : i32
        %eq3A_1132 = vector.broadcast %eq3A_1131 : i32 to vector<16xi32>
        %eq3A_1133 = arith.cmpi eq, %select_n3A_1130, %eq3A_1132 : vector<16xi32>
        %jit3A_1134 = arith.constant 99999 : i32
        %broadcast_in_dim3A_1135 = vector.broadcast %jit3A_1134 : i32 to vector<16xi32>
        %select_n3A_1136 = arith.select %eq3A_1133, %broadcast_in_dim3A_1135, %select_n3A_1130 : vector<16xi1>, vector<16xi32>
        %jit3A_1137 = arith.constant 0 : i32
        %jit3A_1138 = arith.constant 99999 : i32
        %max3A_1139 = vector.broadcast %jit3A_1137 : i32 to vector<16xi32>
        %max3A_1140 = arith.maxsi %max3A_1139, %select_n3A_1136 : vector<16xi32>
        %min3A_1141 = vector.broadcast %jit3A_1138 : i32 to vector<16xi32>
        %min3A_1142 = arith.minsi %min3A_1141, %max3A_1140 : vector<16xi32>
        %swap3A_1143 = arith.index_cast %add3A_1012 : i32 to index
        %swap3A_1144 = arith.constant 64 : index
        %swap3A_1145 = tpu.vector_load %arg5[%swap3A_1143, %swap3A_1144] {strides = array<i32>} : memref<200x128xi32, #tpu.memory_space<vmem>>, vector<1x16xi32>,
        %swap3A_1146 = vector.shape_cast %swap3A_1145 : vector<1x16xi32> to vector<16xi32>
        %swap3A_1147 = vector.shape_cast %min3A_1142 : vector<16xi32> to vector<1x16xi32>
        tpu.vector_store %arg5[%swap3A_1143, %swap3A_1144], %swap3A_1147 {strides = array<i32>} : memref<200x128xi32, #tpu.memory_space<vmem>>, vector<1x16xi32>,
        %get3A_1148 = arith.index_cast %add3A_1012 : i32 to index
        %get3A_1149 = arith.constant 80 : index
        %get3A_1150 = tpu.vector_load %arg5[%get3A_1148, %get3A_1149] {strides = array<i32>} : memref<200x128xi32, #tpu.memory_space<vmem>>, vector<1x16xi32>,
        %get3A_1151 = vector.shape_cast %get3A_1150 : vector<1x16xi32> to vector<16xi32>
        %eq3A_1152 = arith.constant -1 : i32
        %eq3A_1153 = vector.broadcast %eq3A_1152 : i32 to vector<16xi32>
        %eq3A_1154 = arith.cmpi eq, %get3A_1151, %eq3A_1153 : vector<16xi32>
        %jit3A_1155 = arith.constant 99998 : i32
        %broadcast_in_dim3A_1156 = vector.broadcast %jit3A_1155 : i32 to vector<16xi32>
        %select_n3A_1157 = arith.select %eq3A_1154, %broadcast_in_dim3A_1156, %get3A_1151 : vector<16xi1>, vector<16xi32>
        %eq3A_1158 = arith.constant -2 : i32
        %eq3A_1159 = vector.broadcast %eq3A_1158 : i32 to vector<16xi32>
        %eq3A_1160 = arith.cmpi eq, %select_n3A_1157, %eq3A_1159 : vector<16xi32>
        %jit3A_1161 = arith.constant 99999 : i32
        %broadcast_in_dim3A_1162 = vector.broadcast %jit3A_1161 : i32 to vector<16xi32>
        %select_n3A_1163 = arith.select %eq3A_1160, %broadcast_in_dim3A_1162, %select_n3A_1157 : vector<16xi1>, vector<16xi32>
        %jit3A_1164 = arith.constant 0 : i32
        %jit3A_1165 = arith.constant 99999 : i32
        %max3A_1166 = vector.broadcast %jit3A_1164 : i32 to vector<16xi32>
        %max3A_1167 = arith.maxsi %max3A_1166, %select_n3A_1163 : vector<16xi32>
        %min3A_1168 = vector.broadcast %jit3A_1165 : i32 to vector<16xi32>
        %min3A_1169 = arith.minsi %min3A_1168, %max3A_1167 : vector<16xi32>
        %swap3A_1170 = arith.index_cast %add3A_1012 : i32 to index
        %swap3A_1171 = arith.constant 80 : index
        %swap3A_1172 = tpu.vector_load %arg5[%swap3A_1170, %swap3A_1171] {strides = array<i32>} : memref<200x128xi32, #tpu.memory_space<vmem>>, vector<1x16xi32>,
        %swap3A_1173 = vector.shape_cast %swap3A_1172 : vector<1x16xi32> to vector<16xi32>
        %swap3A_1174 = vector.shape_cast %min3A_1169 : vector<16xi32> to vector<1x16xi32>
        tpu.vector_store %arg5[%swap3A_1170, %swap3A_1171], %swap3A_1174 {strides = array<i32>} : memref<200x128xi32, #tpu.memory_space<vmem>>, vector<1x16xi32>,
        %get3A_1175 = arith.index_cast %add3A_1012 : i32 to index
        %get3A_1176 = arith.constant 96 : index
        %get3A_1177 = tpu.vector_load %arg5[%get3A_1175, %get3A_1176] {strides = array<i32>} : memref<200x128xi32, #tpu.memory_space<vmem>>, vector<1x16xi32>,
        %get3A_1178 = vector.shape_cast %get3A_1177 : vector<1x16xi32> to vector<16xi32>
        %eq3A_1179 = arith.constant -1 : i32
        %eq3A_1180 = vector.broadcast %eq3A_1179 : i32 to vector<16xi32>
        %eq3A_1181 = arith.cmpi eq, %get3A_1178, %eq3A_1180 : vector<16xi32>
        %jit3A_1182 = arith.constant 99998 : i32
        %broadcast_in_dim3A_1183 = vector.broadcast %jit3A_1182 : i32 to vector<16xi32>
        %select_n3A_1184 = arith.select %eq3A_1181, %broadcast_in_dim3A_1183, %get3A_1178 : vector<16xi1>, vector<16xi32>
        %eq3A_1185 = arith.constant -2 : i32
        %eq3A_1186 = vector.broadcast %eq3A_1185 : i32 to vector<16xi32>
        %eq3A_1187 = arith.cmpi eq, %select_n3A_1184, %eq3A_1186 : vector<16xi32>
        %jit3A_1188 = arith.constant 99999 : i32
        %broadcast_in_dim3A_1189 = vector.broadcast %jit3A_1188 : i32 to vector<16xi32>
        %select_n3A_1190 = arith.select %eq3A_1187, %broadcast_in_dim3A_1189, %select_n3A_1184 : vector<16xi1>, vector<16xi32>
        %jit3A_1191 = arith.constant 0 : i32
        %jit3A_1192 = arith.constant 99999 : i32
        %max3A_1193 = vector.broadcast %jit3A_1191 : i32 to vector<16xi32>
        %max3A_1194 = arith.maxsi %max3A_1193, %select_n3A_1190 : vector<16xi32>
        %min3A_1195 = vector.broadcast %jit3A_1192 : i32 to vector<16xi32>
        %min3A_1196 = arith.minsi %min3A_1195, %max3A_1194 : vector<16xi32>
        %swap3A_1197 = arith.index_cast %add3A_1012 : i32 to index
        %swap3A_1198 = arith.constant 96 : index
        %swap3A_1199 = tpu.vector_load %arg5[%swap3A_1197, %swap3A_1198] {strides = array<i32>} : memref<200x128xi32, #tpu.memory_space<vmem>>, vector<1x16xi32>,
        %swap3A_1200 = vector.shape_cast %swap3A_1199 : vector<1x16xi32> to vector<16xi32>
        %swap3A_1201 = vector.shape_cast %min3A_1196 : vector<16xi32> to vector<1x16xi32>
        tpu.vector_store %arg5[%swap3A_1197, %swap3A_1198], %swap3A_1201 {strides = array<i32>} : memref<200x128xi32, #tpu.memory_space<vmem>>, vector<1x16xi32>,
        %get3A_1202 = arith.index_cast %add3A_1012 : i32 to index
        %get3A_1203 = arith.constant 112 : index
        %get3A_1204 = tpu.vector_load %arg5[%get3A_1202, %get3A_1203] {strides = array<i32>} : memref<200x128xi32, #tpu.memory_space<vmem>>, vector<1x16xi32>,
        %get3A_1205 = vector.shape_cast %get3A_1204 : vector<1x16xi32> to vector<16xi32>
        %eq3A_1206 = arith.constant -1 : i32
        %eq3A_1207 = vector.broadcast %eq3A_1206 : i32 to vector<16xi32>
        %eq3A_1208 = arith.cmpi eq, %get3A_1205, %eq3A_1207 : vector<16xi32>
        %jit3A_1209 = arith.constant 99998 : i32
        %broadcast_in_dim3A_1210 = vector.broadcast %jit3A_1209 : i32 to vector<16xi32>
        %select_n3A_1211 = arith.select %eq3A_1208, %broadcast_in_dim3A_1210, %get3A_1205 : vector<16xi1>, vector<16xi32>
        %eq3A_1212 = arith.constant -2 : i32
        %eq3A_1213 = vector.broadcast %eq3A_1212 : i32 to vector<16xi32>
        %eq3A_1214 = arith.cmpi eq, %select_n3A_1211, %eq3A_1213 : vector<16xi32>
        %jit3A_1215 = arith.constant 99999 : i32
        %broadcast_in_dim3A_1216 = vector.broadcast %jit3A_1215 : i32 to vector<16xi32>
        %select_n3A_1217 = arith.select %eq3A_1214, %broadcast_in_dim3A_1216, %select_n3A_1211 : vector<16xi1>, vector<16xi32>
        %jit3A_1218 = arith.constant 0 : i32
        %jit3A_1219 = arith.constant 99999 : i32
        %max3A_1220 = vector.broadcast %jit3A_1218 : i32 to vector<16xi32>
        %max3A_1221 = arith.maxsi %max3A_1220, %select_n3A_1217 : vector<16xi32>
        %min3A_1222 = vector.broadcast %jit3A_1219 : i32 to vector<16xi32>
        %min3A_1223 = arith.minsi %min3A_1222, %max3A_1221 : vector<16xi32>
        %swap3A_1224 = arith.index_cast %add3A_1012 : i32 to index
        %swap3A_1225 = arith.constant 112 : index
        %swap3A_1226 = tpu.vector_load %arg5[%swap3A_1224, %swap3A_1225] {strides = array<i32>} : memref<200x128xi32, #tpu.memory_space<vmem>>, vector<1x16xi32>,
        %swap3A_1227 = vector.shape_cast %swap3A_1226 : vector<1x16xi32> to vector<16xi32>
        %swap3A_1228 = vector.shape_cast %min3A_1223 : vector<16xi32> to vector<1x16xi32>
        tpu.vector_store %arg5[%swap3A_1224, %swap3A_1225], %swap3A_1228 {strides = array<i32>} : memref<200x128xi32, #tpu.memory_space<vmem>>, vector<1x16xi32>,
      } else {
      }
      %dma_wait3A_773 = arith.constant 0 : i32
      %dma_wait3A_774 = arith.constant 0 : i32
      %dma_wait3A_775 = arith.constant 0 : i32
      %dma_wait3A_776 = tpu.memref_slice %arg6[%dma_wait3A_773, %dma_wait3A_774, %dma_wait3A_775] : memref<5x128x128xf32, #tpu.memory_space<vmem>> -> memref<1x128x128xf32, #tpu.memory_space<vmem>>
      %dma_wait3A_777 = tpu.memref_squeeze %dma_wait3A_776 : memref<1x128x128xf32, #tpu.memory_space<vmem>> -> memref<128x128xf32, #tpu.memory_space<vmem>>
      %dma_wait3A_778 = arith.constant 0 : i32
      %dma_wait3A_779 = tpu.memref_slice %arg5[%add3A_768, %dma_wait3A_778] : memref<200x128xi32, #tpu.memory_space<vmem>> -> memref<1x128xi32, #tpu.memory_space<vmem>>
      %dma_wait3A_780 = tpu.memref_squeeze %dma_wait3A_779 : memref<1x128xi32, #tpu.memory_space<vmem>> -> memref<128xi32, #tpu.memory_space<vmem>>
      %dma_wait3A_781 = arith.constant 0 : i32
      %dma_wait3A_782 = arith.constant 0 : i32
      %dma_wait3A_783 = tpu.memref_slice %arg2[%dma_wait3A_781, %dma_wait3A_782] : memref<100000x128xf32, #tpu.memory_space<hbm>> -> memref<100000x128xf32, #tpu.memory_space<hbm>>
      tpu.wait_indirect_dma semaphore(%arg7 : memref<!tpu.dma_semaphore, #tpu.memory_space<semaphore_mem>>) src(%dma_wait3A_783 : memref<100000x128xf32, #tpu.memory_space<hbm>>) dst(%dma_wait3A_777 : memref<128x128xf32, #tpu.memory_space<vmem>>)
      %ge3A = arith.constant 2 : i32
      %ge3A_784 = arith.cmpi sge, %add3A_768, %ge3A : i32
      %convert_element_type3A_785 = arith.extui %ge3A_784 : i1 to i32
      %cond3A_786 = arith.constant 0 : i32
      %cond3A_787 = arith.cmpi ne, %convert_element_type3A_785, %cond3A_786 : i32
      scf.if %cond3A_787 {
        %add3A_1011 = arith.addi %mul3A_2, %add3A_768 : i32
        %mul3A_1012 = arith.constant 128 : i32
        %mul3A_1013 = arith.muli %add3A_1011, %mul3A_1012 : i32
        %dma_wait3A_1014 = arith.constant 3 : i32
        %dma_wait3A_1015 = arith.constant 0 : i32
        %dma_wait3A_1016 = arith.constant 0 : i32
        %dma_wait3A_1017 = tpu.memref_slice %arg6[%dma_wait3A_1014, %dma_wait3A_1015, %dma_wait3A_1016] : memref<5x128x128xf32, #tpu.memory_space<vmem>> -> memref<1x128x128xf32, #tpu.memory_space<vmem>>
        %dma_wait3A_1018 = tpu.memref_squeeze %dma_wait3A_1017 : memref<1x128x128xf32, #tpu.memory_space<vmem>> -> memref<128x128xf32, #tpu.memory_space<vmem>>
        %dma_wait3A_1019 = arith.constant 0 : i32
        %dma_wait3A_1020 = tpu.memref_slice %arg4[%mul3A_1013, %dma_wait3A_1019] : memref<819200x128xf32, #tpu.memory_space<hbm>> -> memref<128x128xf32, #tpu.memory_space<hbm>>
        %dma_wait3A_1021 = arith.constant 0 : i32
        %dma_wait3A_1022 = tpu.memref_slice %arg4[%mul3A_1013, %dma_wait3A_1021] : memref<819200x128xf32, #tpu.memory_space<hbm>> -> memref<128x128xf32, #tpu.memory_space<hbm>>
        %dma_wait3A_1023 = arith.constant 0 : i32
        %dma_wait3A_1024 = arith.constant 0 : i32
        %dma_wait3A_1025 = tpu.memref_slice %arg6[%dma_wait3A_1014, %dma_wait3A_1023, %dma_wait3A_1024] : memref<5x128x128xf32, #tpu.memory_space<vmem>> -> memref<1x128x128xf32, #tpu.memory_space<vmem>>
        %dma_wait3A_1026 = tpu.memref_squeeze %dma_wait3A_1025 : memref<1x128x128xf32, #tpu.memory_space<vmem>> -> memref<128x128xf32, #tpu.memory_space<vmem>>
        tpu.wait_dma2 semaphore(%arg8 : memref<!tpu.dma_semaphore, #tpu.memory_space<semaphore_mem>>) src(%dma_wait3A_1026 : memref<128x128xf32, #tpu.memory_space<vmem>>) dst(%dma_wait3A_1022 : memref<128x128xf32, #tpu.memory_space<hbm>>)
      } else {
      }
      %add3A_788 = arith.constant 3 : i32
      %add3A_789 = arith.addi %add3A_768, %add3A_788 : i32
      %lt3A_790 = arith.constant 200 : i32
      %lt3A_791 = arith.cmpi slt, %add3A_789, %lt3A_790 : i32
      %convert_element_type3A_792 = arith.extui %lt3A_791 : i1 to i32
      %cond3A_793 = arith.constant 0 : i32
      %cond3A_794 = arith.cmpi ne, %convert_element_type3A_792, %cond3A_793 : i32
      scf.if %cond3A_794 {
        %add3A_1011 = arith.constant 3 : i32
        %add3A_1012 = arith.addi %add3A_768, %add3A_1011 : i32
        %dma_start3A_1013 = arith.constant 3 : i32
        %dma_start3A_1014 = arith.constant 0 : i32
        %dma_start3A_1015 = arith.constant 0 : i32
        %dma_start3A_1016 = tpu.memref_slice %arg6[%dma_start3A_1013, %dma_start3A_1014, %dma_start3A_1015] : memref<5x128x128xf32, #tpu.memory_space<vmem>> -> memref<1x128x128xf32, #tpu.memory_space<vmem>>
        %dma_start3A_1017 = tpu.memref_squeeze %dma_start3A_1016 : memref<1x128x128xf32, #tpu.memory_space<vmem>> -> memref<128x128xf32, #tpu.memory_space<vmem>>
        %dma_start3A_1018 = arith.constant 0 : i32
        %dma_start3A_1019 = tpu.memref_slice %arg5[%add3A_1012, %dma_start3A_1018] : memref<200x128xi32, #tpu.memory_space<vmem>> -> memref<1x128xi32, #tpu.memory_space<vmem>>
        %dma_start3A_1020 = tpu.memref_squeeze %dma_start3A_1019 : memref<1x128xi32, #tpu.memory_space<vmem>> -> memref<128xi32, #tpu.memory_space<vmem>>
        %dma_start3A_1021 = arith.constant 0 : i32
        %dma_start3A_1022 = arith.constant 0 : i32
        %dma_start3A_1023 = tpu.memref_slice %arg2[%dma_start3A_1021, %dma_start3A_1022] : memref<100000x128xf32, #tpu.memory_space<hbm>> -> memref<100000x128xf32, #tpu.memory_space<hbm>>
        tpu.enqueue_indirect_dma source(%dma_start3A_1023 : memref<100000x128xf32, #tpu.memory_space<hbm>>) target(%dma_start3A_1017 : memref<128x128xf32, #tpu.memory_space<vmem>>) offsets(%dma_start3A_1020 : memref<128xi32, #tpu.memory_space<vmem>>) semaphore(%arg7 : memref<!tpu.dma_semaphore, #tpu.memory_space<semaphore_mem>>)
      } else {
      }
      %add3A_795 = arith.addi %mul3A_2, %add3A_768 : i32
      %mul3A_796 = arith.constant 128 : i32
      %mul3A_797 = arith.muli %add3A_795, %mul3A_796 : i32
      %dma_start3A_798 = arith.constant 0 : i32
      %dma_start3A_799 = arith.constant 0 : i32
      %dma_start3A_800 = arith.constant 0 : i32
      %dma_start3A_801 = tpu.memref_slice %arg6[%dma_start3A_798, %dma_start3A_799, %dma_start3A_800] : memref<5x128x128xf32, #tpu.memory_space<vmem>> -> memref<1x128x128xf32, #tpu.memory_space<vmem>>
      %dma_start3A_802 = tpu.memref_squeeze %dma_start3A_801 : memref<1x128x128xf32, #tpu.memory_space<vmem>> -> memref<128x128xf32, #tpu.memory_space<vmem>>
      %dma_start3A_803 = arith.constant 0 : i32
      %dma_start3A_804 = tpu.memref_slice %arg4[%mul3A_797, %dma_start3A_803] : memref<819200x128xf32, #tpu.memory_space<hbm>> -> memref<128x128xf32, #tpu.memory_space<hbm>>
      %dma_start3A_805 = arith.constant 0 : i32
      %dma_start3A_806 = tpu.memref_slice %arg4[%mul3A_797, %dma_start3A_805] : memref<819200x128xf32, #tpu.memory_space<hbm>> -> memref<128x128xf32, #tpu.memory_space<hbm>>
      %dma_start3A_807 = arith.constant 0 : i32
      %dma_start3A_808 = arith.constant 0 : i32
      %dma_start3A_809 = tpu.memref_slice %arg6[%dma_start3A_798, %dma_start3A_807, %dma_start3A_808] : memref<5x128x128xf32, #tpu.memory_space<vmem>> -> memref<1x128x128xf32, #tpu.memory_space<vmem>>
      %dma_start3A_810 = tpu.memref_squeeze %dma_start3A_809 : memref<1x128x128xf32, #tpu.memory_space<vmem>> -> memref<128x128xf32, #tpu.memory_space<vmem>>
      tpu.enqueue_dma source(%dma_start3A_810 : memref<128x128xf32, #tpu.memory_space<vmem>>) target(%dma_start3A_806 : memref<128x128xf32, #tpu.memory_space<hbm>>) target_semaphore(%arg8 : memref<!tpu.dma_semaphore, #tpu.memory_space<semaphore_mem>>)
      %mul3A_811 = arith.constant 5 : i32
      %mul3A_812 = arith.muli %scan3A_764, %mul3A_811 : i32
      %add3A_813 = arith.constant 1 : i32
      %add3A_814 = arith.addi %mul3A_812, %add3A_813 : i32
      %add3A_815 = arith.constant 3 : i32
      %add3A_816 = arith.addi %add3A_814, %add3A_815 : i32
      %lt3A_817 = arith.constant 200 : i32
      %lt3A_818 = arith.cmpi slt, %add3A_816, %lt3A_817 : i32
      %convert_element_type3A_819 = arith.extui %lt3A_818 : i1 to i32
      %cond3A_820 = arith.constant 0 : i32
      %cond3A_821 = arith.cmpi ne, %convert_element_type3A_819, %cond3A_820 : i32
      scf.if %cond3A_821 {
        %add3A_1011 = arith.constant 3 : i32
        %add3A_1012 = arith.addi %add3A_814, %add3A_1011 : i32
        %get3A_1013 = arith.index_cast %add3A_1012 : i32 to index
        %get3A_1014 = arith.constant 0 : index
        %get3A_1015 = tpu.vector_load %arg5[%get3A_1013, %get3A_1014] {strides = array<i32>} : memref<200x128xi32, #tpu.memory_space<vmem>>, vector<1x16xi32>,
        %get3A_1016 = vector.shape_cast %get3A_1015 : vector<1x16xi32> to vector<16xi32>
        %eq3A_1017 = arith.constant -1 : i32
        %eq3A_1018 = vector.broadcast %eq3A_1017 : i32 to vector<16xi32>
        %eq3A_1019 = arith.cmpi eq, %get3A_1016, %eq3A_1018 : vector<16xi32>
        %jit3A_1020 = arith.constant 99998 : i32
        %broadcast_in_dim3A_1021 = vector.broadcast %jit3A_1020 : i32 to vector<16xi32>
        %select_n3A_1022 = arith.select %eq3A_1019, %broadcast_in_dim3A_1021, %get3A_1016 : vector<16xi1>, vector<16xi32>
        %eq3A_1023 = arith.constant -2 : i32
        %eq3A_1024 = vector.broadcast %eq3A_1023 : i32 to vector<16xi32>
        %eq3A_1025 = arith.cmpi eq, %select_n3A_1022, %eq3A_1024 : vector<16xi32>
        %jit3A_1026 = arith.constant 99999 : i32
        %broadcast_in_dim3A_1027 = vector.broadcast %jit3A_1026 : i32 to vector<16xi32>
        %select_n3A_1028 = arith.select %eq3A_1025, %broadcast_in_dim3A_1027, %select_n3A_1022 : vector<16xi1>, vector<16xi32>
        %jit3A_1029 = arith.constant 0 : i32
        %jit3A_1030 = arith.constant 99999 : i32
        %max3A_1031 = vector.broadcast %jit3A_1029 : i32 to vector<16xi32>
        %max3A_1032 = arith.maxsi %max3A_1031, %select_n3A_1028 : vector<16xi32>
        %min3A_1033 = vector.broadcast %jit3A_1030 : i32 to vector<16xi32>
        %min3A_1034 = arith.minsi %min3A_1033, %max3A_1032 : vector<16xi32>
        %swap3A_1035 = arith.index_cast %add3A_1012 : i32 to index
        %swap3A_1036 = arith.constant 0 : index
        %swap3A_1037 = tpu.vector_load %arg5[%swap3A_1035, %swap3A_1036] {strides = array<i32>} : memref<200x128xi32, #tpu.memory_space<vmem>>, vector<1x16xi32>,
        %swap3A_1038 = vector.shape_cast %swap3A_1037 : vector<1x16xi32> to vector<16xi32>
        %swap3A_1039 = vector.shape_cast %min3A_1034 : vector<16xi32> to vector<1x16xi32>
        tpu.vector_store %arg5[%swap3A_1035, %swap3A_1036], %swap3A_1039 {strides = array<i32>} : memref<200x128xi32, #tpu.memory_space<vmem>>, vector<1x16xi32>,
        %get3A_1040 = arith.index_cast %add3A_1012 : i32 to index
        %get3A_1041 = arith.constant 16 : index
        %get3A_1042 = tpu.vector_load %arg5[%get3A_1040, %get3A_1041] {strides = array<i32>} : memref<200x128xi32, #tpu.memory_space<vmem>>, vector<1x16xi32>,
        %get3A_1043 = vector.shape_cast %get3A_1042 : vector<1x16xi32> to vector<16xi32>
        %eq3A_1044 = arith.constant -1 : i32
        %eq3A_1045 = vector.broadcast %eq3A_1044 : i32 to vector<16xi32>
        %eq3A_1046 = arith.cmpi eq, %get3A_1043, %eq3A_1045 : vector<16xi32>
        %jit3A_1047 = arith.constant 99998 : i32
        %broadcast_in_dim3A_1048 = vector.broadcast %jit3A_1047 : i32 to vector<16xi32>
        %select_n3A_1049 = arith.select %eq3A_1046, %broadcast_in_dim3A_1048, %get3A_1043 : vector<16xi1>, vector<16xi32>
        %eq3A_1050 = arith.constant -2 : i32
        %eq3A_1051 = vector.broadcast %eq3A_1050 : i32 to vector<16xi32>
        %eq3A_1052 = arith.cmpi eq, %select_n3A_1049, %eq3A_1051 : vector<16xi32>
        %jit3A_1053 = arith.constant 99999 : i32
        %broadcast_in_dim3A_1054 = vector.broadcast %jit3A_1053 : i32 to vector<16xi32>
        %select_n3A_1055 = arith.select %eq3A_1052, %broadcast_in_dim3A_1054, %select_n3A_1049 : vector<16xi1>, vector<16xi32>
        %jit3A_1056 = arith.constant 0 : i32
        %jit3A_1057 = arith.constant 99999 : i32
        %max3A_1058 = vector.broadcast %jit3A_1056 : i32 to vector<16xi32>
        %max3A_1059 = arith.maxsi %max3A_1058, %select_n3A_1055 : vector<16xi32>
        %min3A_1060 = vector.broadcast %jit3A_1057 : i32 to vector<16xi32>
        %min3A_1061 = arith.minsi %min3A_1060, %max3A_1059 : vector<16xi32>
        %swap3A_1062 = arith.index_cast %add3A_1012 : i32 to index
        %swap3A_1063 = arith.constant 16 : index
        %swap3A_1064 = tpu.vector_load %arg5[%swap3A_1062, %swap3A_1063] {strides = array<i32>} : memref<200x128xi32, #tpu.memory_space<vmem>>, vector<1x16xi32>,
        %swap3A_1065 = vector.shape_cast %swap3A_1064 : vector<1x16xi32> to vector<16xi32>
        %swap3A_1066 = vector.shape_cast %min3A_1061 : vector<16xi32> to vector<1x16xi32>
        tpu.vector_store %arg5[%swap3A_1062, %swap3A_1063], %swap3A_1066 {strides = array<i32>} : memref<200x128xi32, #tpu.memory_space<vmem>>, vector<1x16xi32>,
        %get3A_1067 = arith.index_cast %add3A_1012 : i32 to index
        %get3A_1068 = arith.constant 32 : index
        %get3A_1069 = tpu.vector_load %arg5[%get3A_1067, %get3A_1068] {strides = array<i32>} : memref<200x128xi32, #tpu.memory_space<vmem>>, vector<1x16xi32>,
        %get3A_1070 = vector.shape_cast %get3A_1069 : vector<1x16xi32> to vector<16xi32>
        %eq3A_1071 = arith.constant -1 : i32
        %eq3A_1072 = vector.broadcast %eq3A_1071 : i32 to vector<16xi32>
        %eq3A_1073 = arith.cmpi eq, %get3A_1070, %eq3A_1072 : vector<16xi32>
        %jit3A_1074 = arith.constant 99998 : i32
        %broadcast_in_dim3A_1075 = vector.broadcast %jit3A_1074 : i32 to vector<16xi32>
        %select_n3A_1076 = arith.select %eq3A_1073, %broadcast_in_dim3A_1075, %get3A_1070 : vector<16xi1>, vector<16xi32>
        %eq3A_1077 = arith.constant -2 : i32
        %eq3A_1078 = vector.broadcast %eq3A_1077 : i32 to vector<16xi32>
        %eq3A_1079 = arith.cmpi eq, %select_n3A_1076, %eq3A_1078 : vector<16xi32>
        %jit3A_1080 = arith.constant 99999 : i32
        %broadcast_in_dim3A_1081 = vector.broadcast %jit3A_1080 : i32 to vector<16xi32>
        %select_n3A_1082 = arith.select %eq3A_1079, %broadcast_in_dim3A_1081, %select_n3A_1076 : vector<16xi1>, vector<16xi32>
        %jit3A_1083 = arith.constant 0 : i32
        %jit3A_1084 = arith.constant 99999 : i32
        %max3A_1085 = vector.broadcast %jit3A_1083 : i32 to vector<16xi32>
        %max3A_1086 = arith.maxsi %max3A_1085, %select_n3A_1082 : vector<16xi32>
        %min3A_1087 = vector.broadcast %jit3A_1084 : i32 to vector<16xi32>
        %min3A_1088 = arith.minsi %min3A_1087, %max3A_1086 : vector<16xi32>
        %swap3A_1089 = arith.index_cast %add3A_1012 : i32 to index
        %swap3A_1090 = arith.constant 32 : index
        %swap3A_1091 = tpu.vector_load %arg5[%swap3A_1089, %swap3A_1090] {strides = array<i32>} : memref<200x128xi32, #tpu.memory_space<vmem>>, vector<1x16xi32>,
        %swap3A_1092 = vector.shape_cast %swap3A_1091 : vector<1x16xi32> to vector<16xi32>
        %swap3A_1093 = vector.shape_cast %min3A_1088 : vector<16xi32> to vector<1x16xi32>
        tpu.vector_store %arg5[%swap3A_1089, %swap3A_1090], %swap3A_1093 {strides = array<i32>} : memref<200x128xi32, #tpu.memory_space<vmem>>, vector<1x16xi32>,
        %get3A_1094 = arith.index_cast %add3A_1012 : i32 to index
        %get3A_1095 = arith.constant 48 : index
        %get3A_1096 = tpu.vector_load %arg5[%get3A_1094, %get3A_1095] {strides = array<i32>} : memref<200x128xi32, #tpu.memory_space<vmem>>, vector<1x16xi32>,
        %get3A_1097 = vector.shape_cast %get3A_1096 : vector<1x16xi32> to vector<16xi32>
        %eq3A_1098 = arith.constant -1 : i32
        %eq3A_1099 = vector.broadcast %eq3A_1098 : i32 to vector<16xi32>
        %eq3A_1100 = arith.cmpi eq, %get3A_1097, %eq3A_1099 : vector<16xi32>
        %jit3A_1101 = arith.constant 99998 : i32
        %broadcast_in_dim3A_1102 = vector.broadcast %jit3A_1101 : i32 to vector<16xi32>
        %select_n3A_1103 = arith.select %eq3A_1100, %broadcast_in_dim3A_1102, %get3A_1097 : vector<16xi1>, vector<16xi32>
        %eq3A_1104 = arith.constant -2 : i32
        %eq3A_1105 = vector.broadcast %eq3A_1104 : i32 to vector<16xi32>
        %eq3A_1106 = arith.cmpi eq, %select_n3A_1103, %eq3A_1105 : vector<16xi32>
        %jit3A_1107 = arith.constant 99999 : i32
        %broadcast_in_dim3A_1108 = vector.broadcast %jit3A_1107 : i32 to vector<16xi32>
        %select_n3A_1109 = arith.select %eq3A_1106, %broadcast_in_dim3A_1108, %select_n3A_1103 : vector<16xi1>, vector<16xi32>
        %jit3A_1110 = arith.constant 0 : i32
        %jit3A_1111 = arith.constant 99999 : i32
        %max3A_1112 = vector.broadcast %jit3A_1110 : i32 to vector<16xi32>
        %max3A_1113 = arith.maxsi %max3A_1112, %select_n3A_1109 : vector<16xi32>
        %min3A_1114 = vector.broadcast %jit3A_1111 : i32 to vector<16xi32>
        %min3A_1115 = arith.minsi %min3A_1114, %max3A_1113 : vector<16xi32>
        %swap3A_1116 = arith.index_cast %add3A_1012 : i32 to index
        %swap3A_1117 = arith.constant 48 : index
        %swap3A_1118 = tpu.vector_load %arg5[%swap3A_1116, %swap3A_1117] {strides = array<i32>} : memref<200x128xi32, #tpu.memory_space<vmem>>, vector<1x16xi32>,
        %swap3A_1119 = vector.shape_cast %swap3A_1118 : vector<1x16xi32> to vector<16xi32>
        %swap3A_1120 = vector.shape_cast %min3A_1115 : vector<16xi32> to vector<1x16xi32>
        tpu.vector_store %arg5[%swap3A_1116, %swap3A_1117], %swap3A_1120 {strides = array<i32>} : memref<200x128xi32, #tpu.memory_space<vmem>>, vector<1x16xi32>,
        %get3A_1121 = arith.index_cast %add3A_1012 : i32 to index
        %get3A_1122 = arith.constant 64 : index
        %get3A_1123 = tpu.vector_load %arg5[%get3A_1121, %get3A_1122] {strides = array<i32>} : memref<200x128xi32, #tpu.memory_space<vmem>>, vector<1x16xi32>,
        %get3A_1124 = vector.shape_cast %get3A_1123 : vector<1x16xi32> to vector<16xi32>
        %eq3A_1125 = arith.constant -1 : i32
        %eq3A_1126 = vector.broadcast %eq3A_1125 : i32 to vector<16xi32>
        %eq3A_1127 = arith.cmpi eq, %get3A_1124, %eq3A_1126 : vector<16xi32>
        %jit3A_1128 = arith.constant 99998 : i32
        %broadcast_in_dim3A_1129 = vector.broadcast %jit3A_1128 : i32 to vector<16xi32>
        %select_n3A_1130 = arith.select %eq3A_1127, %broadcast_in_dim3A_1129, %get3A_1124 : vector<16xi1>, vector<16xi32>
        %eq3A_1131 = arith.constant -2 : i32
        %eq3A_1132 = vector.broadcast %eq3A_1131 : i32 to vector<16xi32>
        %eq3A_1133 = arith.cmpi eq, %select_n3A_1130, %eq3A_1132 : vector<16xi32>
        %jit3A_1134 = arith.constant 99999 : i32
        %broadcast_in_dim3A_1135 = vector.broadcast %jit3A_1134 : i32 to vector<16xi32>
        %select_n3A_1136 = arith.select %eq3A_1133, %broadcast_in_dim3A_1135, %select_n3A_1130 : vector<16xi1>, vector<16xi32>
        %jit3A_1137 = arith.constant 0 : i32
        %jit3A_1138 = arith.constant 99999 : i32
        %max3A_1139 = vector.broadcast %jit3A_1137 : i32 to vector<16xi32>
        %max3A_1140 = arith.maxsi %max3A_1139, %select_n3A_1136 : vector<16xi32>
        %min3A_1141 = vector.broadcast %jit3A_1138 : i32 to vector<16xi32>
        %min3A_1142 = arith.minsi %min3A_1141, %max3A_1140 : vector<16xi32>
        %swap3A_1143 = arith.index_cast %add3A_1012 : i32 to index
        %swap3A_1144 = arith.constant 64 : index
        %swap3A_1145 = tpu.vector_load %arg5[%swap3A_1143, %swap3A_1144] {strides = array<i32>} : memref<200x128xi32, #tpu.memory_space<vmem>>, vector<1x16xi32>,
        %swap3A_1146 = vector.shape_cast %swap3A_1145 : vector<1x16xi32> to vector<16xi32>
        %swap3A_1147 = vector.shape_cast %min3A_1142 : vector<16xi32> to vector<1x16xi32>
        tpu.vector_store %arg5[%swap3A_1143, %swap3A_1144], %swap3A_1147 {strides = array<i32>} : memref<200x128xi32, #tpu.memory_space<vmem>>, vector<1x16xi32>,
        %get3A_1148 = arith.index_cast %add3A_1012 : i32 to index
        %get3A_1149 = arith.constant 80 : index
        %get3A_1150 = tpu.vector_load %arg5[%get3A_1148, %get3A_1149] {strides = array<i32>} : memref<200x128xi32, #tpu.memory_space<vmem>>, vector<1x16xi32>,
        %get3A_1151 = vector.shape_cast %get3A_1150 : vector<1x16xi32> to vector<16xi32>
        %eq3A_1152 = arith.constant -1 : i32
        %eq3A_1153 = vector.broadcast %eq3A_1152 : i32 to vector<16xi32>
        %eq3A_1154 = arith.cmpi eq, %get3A_1151, %eq3A_1153 : vector<16xi32>
        %jit3A_1155 = arith.constant 99998 : i32
        %broadcast_in_dim3A_1156 = vector.broadcast %jit3A_1155 : i32 to vector<16xi32>
        %select_n3A_1157 = arith.select %eq3A_1154, %broadcast_in_dim3A_1156, %get3A_1151 : vector<16xi1>, vector<16xi32>
        %eq3A_1158 = arith.constant -2 : i32
        %eq3A_1159 = vector.broadcast %eq3A_1158 : i32 to vector<16xi32>
        %eq3A_1160 = arith.cmpi eq, %select_n3A_1157, %eq3A_1159 : vector<16xi32>
        %jit3A_1161 = arith.constant 99999 : i32
        %broadcast_in_dim3A_1162 = vector.broadcast %jit3A_1161 : i32 to vector<16xi32>
        %select_n3A_1163 = arith.select %eq3A_1160, %broadcast_in_dim3A_1162, %select_n3A_1157 : vector<16xi1>, vector<16xi32>
        %jit3A_1164 = arith.constant 0 : i32
        %jit3A_1165 = arith.constant 99999 : i32
        %max3A_1166 = vector.broadcast %jit3A_1164 : i32 to vector<16xi32>
        %max3A_1167 = arith.maxsi %max3A_1166, %select_n3A_1163 : vector<16xi32>
        %min3A_1168 = vector.broadcast %jit3A_1165 : i32 to vector<16xi32>
        %min3A_1169 = arith.minsi %min3A_1168, %max3A_1167 : vector<16xi32>
        %swap3A_1170 = arith.index_cast %add3A_1012 : i32 to index
        %swap3A_1171 = arith.constant 80 : index
        %swap3A_1172 = tpu.vector_load %arg5[%swap3A_1170, %swap3A_1171] {strides = array<i32>} : memref<200x128xi32, #tpu.memory_space<vmem>>, vector<1x16xi32>,
        %swap3A_1173 = vector.shape_cast %swap3A_1172 : vector<1x16xi32> to vector<16xi32>
        %swap3A_1174 = vector.shape_cast %min3A_1169 : vector<16xi32> to vector<1x16xi32>
        tpu.vector_store %arg5[%swap3A_1170, %swap3A_1171], %swap3A_1174 {strides = array<i32>} : memref<200x128xi32, #tpu.memory_space<vmem>>, vector<1x16xi32>,
        %get3A_1175 = arith.index_cast %add3A_1012 : i32 to index
        %get3A_1176 = arith.constant 96 : index
        %get3A_1177 = tpu.vector_load %arg5[%get3A_1175, %get3A_1176] {strides = array<i32>} : memref<200x128xi32, #tpu.memory_space<vmem>>, vector<1x16xi32>,
        %get3A_1178 = vector.shape_cast %get3A_1177 : vector<1x16xi32> to vector<16xi32>
        %eq3A_1179 = arith.constant -1 : i32
        %eq3A_1180 = vector.broadcast %eq3A_1179 : i32 to vector<16xi32>
        %eq3A_1181 = arith.cmpi eq, %get3A_1178, %eq3A_1180 : vector<16xi32>
        %jit3A_1182 = arith.constant 99998 : i32
        %broadcast_in_dim3A_1183 = vector.broadcast %jit3A_1182 : i32 to vector<16xi32>
        %select_n3A_1184 = arith.select %eq3A_1181, %broadcast_in_dim3A_1183, %get3A_1178 : vector<16xi1>, vector<16xi32>
        %eq3A_1185 = arith.constant -2 : i32
        %eq3A_1186 = vector.broadcast %eq3A_1185 : i32 to vector<16xi32>
        %eq3A_1187 = arith.cmpi eq, %select_n3A_1184, %eq3A_1186 : vector<16xi32>
        %jit3A_1188 = arith.constant 99999 : i32
        %broadcast_in_dim3A_1189 = vector.broadcast %jit3A_1188 : i32 to vector<16xi32>
        %select_n3A_1190 = arith.select %eq3A_1187, %broadcast_in_dim3A_1189, %select_n3A_1184 : vector<16xi1>, vector<16xi32>
        %jit3A_1191 = arith.constant 0 : i32
        %jit3A_1192 = arith.constant 99999 : i32
        %max3A_1193 = vector.broadcast %jit3A_1191 : i32 to vector<16xi32>
        %max3A_1194 = arith.maxsi %max3A_1193, %select_n3A_1190 : vector<16xi32>
        %min3A_1195 = vector.broadcast %jit3A_1192 : i32 to vector<16xi32>
        %min3A_1196 = arith.minsi %min3A_1195, %max3A_1194 : vector<16xi32>
        %swap3A_1197 = arith.index_cast %add3A_1012 : i32 to index
        %swap3A_1198 = arith.constant 96 : index
        %swap3A_1199 = tpu.vector_load %arg5[%swap3A_1197, %swap3A_1198] {strides = array<i32>} : memref<200x128xi32, #tpu.memory_space<vmem>>, vector<1x16xi32>,
        %swap3A_1200 = vector.shape_cast %swap3A_1199 : vector<1x16xi32> to vector<16xi32>
        %swap3A_1201 = vector.shape_cast %min3A_1196 : vector<16xi32> to vector<1x16xi32>
        tpu.vector_store %arg5[%swap3A_1197, %swap3A_1198], %swap3A_1201 {strides = array<i32>} : memref<200x128xi32, #tpu.memory_space<vmem>>, vector<1x16xi32>,
        %get3A_1202 = arith.index_cast %add3A_1012 : i32 to index
        %get3A_1203 = arith.constant 112 : index
        %get3A_1204 = tpu.vector_load %arg5[%get3A_1202, %get3A_1203] {strides = array<i32>} : memref<200x128xi32, #tpu.memory_space<vmem>>, vector<1x16xi32>,
        %get3A_1205 = vector.shape_cast %get3A_1204 : vector<1x16xi32> to vector<16xi32>
        %eq3A_1206 = arith.constant -1 : i32
        %eq3A_1207 = vector.broadcast %eq3A_1206 : i32 to vector<16xi32>
        %eq3A_1208 = arith.cmpi eq, %get3A_1205, %eq3A_1207 : vector<16xi32>
        %jit3A_1209 = arith.constant 99998 : i32
        %broadcast_in_dim3A_1210 = vector.broadcast %jit3A_1209 : i32 to vector<16xi32>
        %select_n3A_1211 = arith.select %eq3A_1208, %broadcast_in_dim3A_1210, %get3A_1205 : vector<16xi1>, vector<16xi32>
        %eq3A_1212 = arith.constant -2 : i32
        %eq3A_1213 = vector.broadcast %eq3A_1212 : i32 to vector<16xi32>
        %eq3A_1214 = arith.cmpi eq, %select_n3A_1211, %eq3A_1213 : vector<16xi32>
        %jit3A_1215 = arith.constant 99999 : i32
        %broadcast_in_dim3A_1216 = vector.broadcast %jit3A_1215 : i32 to vector<16xi32>
        %select_n3A_1217 = arith.select %eq3A_1214, %broadcast_in_dim3A_1216, %select_n3A_1211 : vector<16xi1>, vector<16xi32>
        %jit3A_1218 = arith.constant 0 : i32
        %jit3A_1219 = arith.constant 99999 : i32
        %max3A_1220 = vector.broadcast %jit3A_1218 : i32 to vector<16xi32>
        %max3A_1221 = arith.maxsi %max3A_1220, %select_n3A_1217 : vector<16xi32>
        %min3A_1222 = vector.broadcast %jit3A_1219 : i32 to vector<16xi32>
        %min3A_1223 = arith.minsi %min3A_1222, %max3A_1221 : vector<16xi32>
        %swap3A_1224 = arith.index_cast %add3A_1012 : i32 to index
        %swap3A_1225 = arith.constant 112 : index
        %swap3A_1226 = tpu.vector_load %arg5[%swap3A_1224, %swap3A_1225] {strides = array<i32>} : memref<200x128xi32, #tpu.memory_space<vmem>>, vector<1x16xi32>,
        %swap3A_1227 = vector.shape_cast %swap3A_1226 : vector<1x16xi32> to vector<16xi32>
        %swap3A_1228 = vector.shape_cast %min3A_1223 : vector<16xi32> to vector<1x16xi32>
        tpu.vector_store %arg5[%swap3A_1224, %swap3A_1225], %swap3A_1228 {strides = array<i32>} : memref<200x128xi32, #tpu.memory_space<vmem>>, vector<1x16xi32>,
      } else {
      }
      %dma_wait3A_822 = arith.constant 1 : i32
      %dma_wait3A_823 = arith.constant 0 : i32
      %dma_wait3A_824 = arith.constant 0 : i32
      %dma_wait3A_825 = tpu.memref_slice %arg6[%dma_wait3A_822, %dma_wait3A_823, %dma_wait3A_824] : memref<5x128x128xf32, #tpu.memory_space<vmem>> -> memref<1x128x128xf32, #tpu.memory_space<vmem>>
      %dma_wait3A_826 = tpu.memref_squeeze %dma_wait3A_825 : memref<1x128x128xf32, #tpu.memory_space<vmem>> -> memref<128x128xf32, #tpu.memory_space<vmem>>
      %dma_wait3A_827 = arith.constant 0 : i32
      %dma_wait3A_828 = tpu.memref_slice %arg5[%add3A_814, %dma_wait3A_827] : memref<200x128xi32, #tpu.memory_space<vmem>> -> memref<1x128xi32, #tpu.memory_space<vmem>>
      %dma_wait3A_829 = tpu.memref_squeeze %dma_wait3A_828 : memref<1x128xi32, #tpu.memory_space<vmem>> -> memref<128xi32, #tpu.memory_space<vmem>>
      %dma_wait3A_830 = arith.constant 0 : i32
      %dma_wait3A_831 = arith.constant 0 : i32
      %dma_wait3A_832 = tpu.memref_slice %arg2[%dma_wait3A_830, %dma_wait3A_831] : memref<100000x128xf32, #tpu.memory_space<hbm>> -> memref<100000x128xf32, #tpu.memory_space<hbm>>
      tpu.wait_indirect_dma semaphore(%arg7 : memref<!tpu.dma_semaphore, #tpu.memory_space<semaphore_mem>>) src(%dma_wait3A_832 : memref<100000x128xf32, #tpu.memory_space<hbm>>) dst(%dma_wait3A_826 : memref<128x128xf32, #tpu.memory_space<vmem>>)
      %ge3A_833 = arith.constant 2 : i32
      %ge3A_834 = arith.cmpi sge, %add3A_814, %ge3A_833 : i32
      %convert_element_type3A_835 = arith.extui %ge3A_834 : i1 to i32
      %cond3A_836 = arith.constant 0 : i32
      %cond3A_837 = arith.cmpi ne, %convert_element_type3A_835, %cond3A_836 : i32
      scf.if %cond3A_837 {
        %add3A_1011 = arith.addi %mul3A_2, %add3A_814 : i32
        %mul3A_1012 = arith.constant 128 : i32
        %mul3A_1013 = arith.muli %add3A_1011, %mul3A_1012 : i32
        %dma_wait3A_1014 = arith.constant 4 : i32
        %dma_wait3A_1015 = arith.constant 0 : i32
        %dma_wait3A_1016 = arith.constant 0 : i32
        %dma_wait3A_1017 = tpu.memref_slice %arg6[%dma_wait3A_1014, %dma_wait3A_1015, %dma_wait3A_1016] : memref<5x128x128xf32, #tpu.memory_space<vmem>> -> memref<1x128x128xf32, #tpu.memory_space<vmem>>
        %dma_wait3A_1018 = tpu.memref_squeeze %dma_wait3A_1017 : memref<1x128x128xf32, #tpu.memory_space<vmem>> -> memref<128x128xf32, #tpu.memory_space<vmem>>
        %dma_wait3A_1019 = arith.constant 0 : i32
        %dma_wait3A_1020 = tpu.memref_slice %arg4[%mul3A_1013, %dma_wait3A_1019] : memref<819200x128xf32, #tpu.memory_space<hbm>> -> memref<128x128xf32, #tpu.memory_space<hbm>>
        %dma_wait3A_1021 = arith.constant 0 : i32
        %dma_wait3A_1022 = tpu.memref_slice %arg4[%mul3A_1013, %dma_wait3A_1021] : memref<819200x128xf32, #tpu.memory_space<hbm>> -> memref<128x128xf32, #tpu.memory_space<hbm>>
        %dma_wait3A_1023 = arith.constant 0 : i32
        %dma_wait3A_1024 = arith.constant 0 : i32
        %dma_wait3A_1025 = tpu.memref_slice %arg6[%dma_wait3A_1014, %dma_wait3A_1023, %dma_wait3A_1024] : memref<5x128x128xf32, #tpu.memory_space<vmem>> -> memref<1x128x128xf32, #tpu.memory_space<vmem>>
        %dma_wait3A_1026 = tpu.memref_squeeze %dma_wait3A_1025 : memref<1x128x128xf32, #tpu.memory_space<vmem>> -> memref<128x128xf32, #tpu.memory_space<vmem>>
        tpu.wait_dma2 semaphore(%arg8 : memref<!tpu.dma_semaphore, #tpu.memory_space<semaphore_mem>>) src(%dma_wait3A_1026 : memref<128x128xf32, #tpu.memory_space<vmem>>) dst(%dma_wait3A_1022 : memref<128x128xf32, #tpu.memory_space<hbm>>)
      } else {
      }
      %add3A_838 = arith.constant 3 : i32
      %add3A_839 = arith.addi %add3A_814, %add3A_838 : i32
      %lt3A_840 = arith.constant 200 : i32
      %lt3A_841 = arith.cmpi slt, %add3A_839, %lt3A_840 : i32
      %convert_element_type3A_842 = arith.extui %lt3A_841 : i1 to i32
      %cond3A_843 = arith.constant 0 : i32
      %cond3A_844 = arith.cmpi ne, %convert_element_type3A_842, %cond3A_843 : i32
      scf.if %cond3A_844 {
        %add3A_1011 = arith.constant 3 : i32
        %add3A_1012 = arith.addi %add3A_814, %add3A_1011 : i32
        %dma_start3A_1013 = arith.constant 4 : i32
        %dma_start3A_1014 = arith.constant 0 : i32
        %dma_start3A_1015 = arith.constant 0 : i32
        %dma_start3A_1016 = tpu.memref_slice %arg6[%dma_start3A_1013, %dma_start3A_1014, %dma_start3A_1015] : memref<5x128x128xf32, #tpu.memory_space<vmem>> -> memref<1x128x128xf32, #tpu.memory_space<vmem>>
        %dma_start3A_1017 = tpu.memref_squeeze %dma_start3A_1016 : memref<1x128x128xf32, #tpu.memory_space<vmem>> -> memref<128x128xf32, #tpu.memory_space<vmem>>
        %dma_start3A_1018 = arith.constant 0 : i32
        %dma_start3A_1019 = tpu.memref_slice %arg5[%add3A_1012, %dma_start3A_1018] : memref<200x128xi32, #tpu.memory_space<vmem>> -> memref<1x128xi32, #tpu.memory_space<vmem>>
        %dma_start3A_1020 = tpu.memref_squeeze %dma_start3A_1019 : memref<1x128xi32, #tpu.memory_space<vmem>> -> memref<128xi32, #tpu.memory_space<vmem>>
        %dma_start3A_1021 = arith.constant 0 : i32
        %dma_start3A_1022 = arith.constant 0 : i32
        %dma_start3A_1023 = tpu.memref_slice %arg2[%dma_start3A_1021, %dma_start3A_1022] : memref<100000x128xf32, #tpu.memory_space<hbm>> -> memref<100000x128xf32, #tpu.memory_space<hbm>>
        tpu.enqueue_indirect_dma source(%dma_start3A_1023 : memref<100000x128xf32, #tpu.memory_space<hbm>>) target(%dma_start3A_1017 : memref<128x128xf32, #tpu.memory_space<vmem>>) offsets(%dma_start3A_1020 : memref<128xi32, #tpu.memory_space<vmem>>) semaphore(%arg7 : memref<!tpu.dma_semaphore, #tpu.memory_space<semaphore_mem>>)
      } else {
      }
      %add3A_845 = arith.addi %mul3A_2, %add3A_814 : i32
      %mul3A_846 = arith.constant 128 : i32
      %mul3A_847 = arith.muli %add3A_845, %mul3A_846 : i32
      %dma_start3A_848 = arith.constant 1 : i32
      %dma_start3A_849 = arith.constant 0 : i32
      %dma_start3A_850 = arith.constant 0 : i32
      %dma_start3A_851 = tpu.memref_slice %arg6[%dma_start3A_848, %dma_start3A_849, %dma_start3A_850] : memref<5x128x128xf32, #tpu.memory_space<vmem>> -> memref<1x128x128xf32, #tpu.memory_space<vmem>>
      %dma_start3A_852 = tpu.memref_squeeze %dma_start3A_851 : memref<1x128x128xf32, #tpu.memory_space<vmem>> -> memref<128x128xf32, #tpu.memory_space<vmem>>
      %dma_start3A_853 = arith.constant 0 : i32
      %dma_start3A_854 = tpu.memref_slice %arg4[%mul3A_847, %dma_start3A_853] : memref<819200x128xf32, #tpu.memory_space<hbm>> -> memref<128x128xf32, #tpu.memory_space<hbm>>
      %dma_start3A_855 = arith.constant 0 : i32
      %dma_start3A_856 = tpu.memref_slice %arg4[%mul3A_847, %dma_start3A_855] : memref<819200x128xf32, #tpu.memory_space<hbm>> -> memref<128x128xf32, #tpu.memory_space<hbm>>
      %dma_start3A_857 = arith.constant 0 : i32
      %dma_start3A_858 = arith.constant 0 : i32
      %dma_start3A_859 = tpu.memref_slice %arg6[%dma_start3A_848, %dma_start3A_857, %dma_start3A_858] : memref<5x128x128xf32, #tpu.memory_space<vmem>> -> memref<1x128x128xf32, #tpu.memory_space<vmem>>
      %dma_start3A_860 = tpu.memref_squeeze %dma_start3A_859 : memref<1x128x128xf32, #tpu.memory_space<vmem>> -> memref<128x128xf32, #tpu.memory_space<vmem>>
      tpu.enqueue_dma source(%dma_start3A_860 : memref<128x128xf32, #tpu.memory_space<vmem>>) target(%dma_start3A_856 : memref<128x128xf32, #tpu.memory_space<hbm>>) target_semaphore(%arg8 : memref<!tpu.dma_semaphore, #tpu.memory_space<semaphore_mem>>)
      %mul3A_861 = arith.constant 5 : i32
      %mul3A_862 = arith.muli %scan3A_764, %mul3A_861 : i32
      %add3A_863 = arith.constant 2 : i32
      %add3A_864 = arith.addi %mul3A_862, %add3A_863 : i32
      %add3A_865 = arith.constant 3 : i32
      %add3A_866 = arith.addi %add3A_864, %add3A_865 : i32
      %lt3A_867 = arith.constant 200 : i32
      %lt3A_868 = arith.cmpi slt, %add3A_866, %lt3A_867 : i32
      %convert_element_type3A_869 = arith.extui %lt3A_868 : i1 to i32
      %cond3A_870 = arith.constant 0 : i32
      %cond3A_871 = arith.cmpi ne, %convert_element_type3A_869, %cond3A_870 : i32
      scf.if %cond3A_871 {
        %add3A_1011 = arith.constant 3 : i32
        %add3A_1012 = arith.addi %add3A_864, %add3A_1011 : i32
        %get3A_1013 = arith.index_cast %add3A_1012 : i32 to index
        %get3A_1014 = arith.constant 0 : index
        %get3A_1015 = tpu.vector_load %arg5[%get3A_1013, %get3A_1014] {strides = array<i32>} : memref<200x128xi32, #tpu.memory_space<vmem>>, vector<1x16xi32>,
        %get3A_1016 = vector.shape_cast %get3A_1015 : vector<1x16xi32> to vector<16xi32>
        %eq3A_1017 = arith.constant -1 : i32
        %eq3A_1018 = vector.broadcast %eq3A_1017 : i32 to vector<16xi32>
        %eq3A_1019 = arith.cmpi eq, %get3A_1016, %eq3A_1018 : vector<16xi32>
        %jit3A_1020 = arith.constant 99998 : i32
        %broadcast_in_dim3A_1021 = vector.broadcast %jit3A_1020 : i32 to vector<16xi32>
        %select_n3A_1022 = arith.select %eq3A_1019, %broadcast_in_dim3A_1021, %get3A_1016 : vector<16xi1>, vector<16xi32>
        %eq3A_1023 = arith.constant -2 : i32
        %eq3A_1024 = vector.broadcast %eq3A_1023 : i32 to vector<16xi32>
        %eq3A_1025 = arith.cmpi eq, %select_n3A_1022, %eq3A_1024 : vector<16xi32>
        %jit3A_1026 = arith.constant 99999 : i32
        %broadcast_in_dim3A_1027 = vector.broadcast %jit3A_1026 : i32 to vector<16xi32>
        %select_n3A_1028 = arith.select %eq3A_1025, %broadcast_in_dim3A_1027, %select_n3A_1022 : vector<16xi1>, vector<16xi32>
        %jit3A_1029 = arith.constant 0 : i32
        %jit3A_1030 = arith.constant 99999 : i32
        %max3A_1031 = vector.broadcast %jit3A_1029 : i32 to vector<16xi32>
        %max3A_1032 = arith.maxsi %max3A_1031, %select_n3A_1028 : vector<16xi32>
        %min3A_1033 = vector.broadcast %jit3A_1030 : i32 to vector<16xi32>
        %min3A_1034 = arith.minsi %min3A_1033, %max3A_1032 : vector<16xi32>
        %swap3A_1035 = arith.index_cast %add3A_1012 : i32 to index
        %swap3A_1036 = arith.constant 0 : index
        %swap3A_1037 = tpu.vector_load %arg5[%swap3A_1035, %swap3A_1036] {strides = array<i32>} : memref<200x128xi32, #tpu.memory_space<vmem>>, vector<1x16xi32>,
        %swap3A_1038 = vector.shape_cast %swap3A_1037 : vector<1x16xi32> to vector<16xi32>
        %swap3A_1039 = vector.shape_cast %min3A_1034 : vector<16xi32> to vector<1x16xi32>
        tpu.vector_store %arg5[%swap3A_1035, %swap3A_1036], %swap3A_1039 {strides = array<i32>} : memref<200x128xi32, #tpu.memory_space<vmem>>, vector<1x16xi32>,
        %get3A_1040 = arith.index_cast %add3A_1012 : i32 to index
        %get3A_1041 = arith.constant 16 : index
        %get3A_1042 = tpu.vector_load %arg5[%get3A_1040, %get3A_1041] {strides = array<i32>} : memref<200x128xi32, #tpu.memory_space<vmem>>, vector<1x16xi32>,
        %get3A_1043 = vector.shape_cast %get3A_1042 : vector<1x16xi32> to vector<16xi32>
        %eq3A_1044 = arith.constant -1 : i32
        %eq3A_1045 = vector.broadcast %eq3A_1044 : i32 to vector<16xi32>
        %eq3A_1046 = arith.cmpi eq, %get3A_1043, %eq3A_1045 : vector<16xi32>
        %jit3A_1047 = arith.constant 99998 : i32
        %broadcast_in_dim3A_1048 = vector.broadcast %jit3A_1047 : i32 to vector<16xi32>
        %select_n3A_1049 = arith.select %eq3A_1046, %broadcast_in_dim3A_1048, %get3A_1043 : vector<16xi1>, vector<16xi32>
        %eq3A_1050 = arith.constant -2 : i32
        %eq3A_1051 = vector.broadcast %eq3A_1050 : i32 to vector<16xi32>
        %eq3A_1052 = arith.cmpi eq, %select_n3A_1049, %eq3A_1051 : vector<16xi32>
        %jit3A_1053 = arith.constant 99999 : i32
        %broadcast_in_dim3A_1054 = vector.broadcast %jit3A_1053 : i32 to vector<16xi32>
        %select_n3A_1055 = arith.select %eq3A_1052, %broadcast_in_dim3A_1054, %select_n3A_1049 : vector<16xi1>, vector<16xi32>
        %jit3A_1056 = arith.constant 0 : i32
        %jit3A_1057 = arith.constant 99999 : i32
        %max3A_1058 = vector.broadcast %jit3A_1056 : i32 to vector<16xi32>
        %max3A_1059 = arith.maxsi %max3A_1058, %select_n3A_1055 : vector<16xi32>
        %min3A_1060 = vector.broadcast %jit3A_1057 : i32 to vector<16xi32>
        %min3A_1061 = arith.minsi %min3A_1060, %max3A_1059 : vector<16xi32>
        %swap3A_1062 = arith.index_cast %add3A_1012 : i32 to index
        %swap3A_1063 = arith.constant 16 : index
        %swap3A_1064 = tpu.vector_load %arg5[%swap3A_1062, %swap3A_1063] {strides = array<i32>} : memref<200x128xi32, #tpu.memory_space<vmem>>, vector<1x16xi32>,
        %swap3A_1065 = vector.shape_cast %swap3A_1064 : vector<1x16xi32> to vector<16xi32>
        %swap3A_1066 = vector.shape_cast %min3A_1061 : vector<16xi32> to vector<1x16xi32>
        tpu.vector_store %arg5[%swap3A_1062, %swap3A_1063], %swap3A_1066 {strides = array<i32>} : memref<200x128xi32, #tpu.memory_space<vmem>>, vector<1x16xi32>,
        %get3A_1067 = arith.index_cast %add3A_1012 : i32 to index
        %get3A_1068 = arith.constant 32 : index
        %get3A_1069 = tpu.vector_load %arg5[%get3A_1067, %get3A_1068] {strides = array<i32>} : memref<200x128xi32, #tpu.memory_space<vmem>>, vector<1x16xi32>,
        %get3A_1070 = vector.shape_cast %get3A_1069 : vector<1x16xi32> to vector<16xi32>
        %eq3A_1071 = arith.constant -1 : i32
        %eq3A_1072 = vector.broadcast %eq3A_1071 : i32 to vector<16xi32>
        %eq3A_1073 = arith.cmpi eq, %get3A_1070, %eq3A_1072 : vector<16xi32>
        %jit3A_1074 = arith.constant 99998 : i32
        %broadcast_in_dim3A_1075 = vector.broadcast %jit3A_1074 : i32 to vector<16xi32>
        %select_n3A_1076 = arith.select %eq3A_1073, %broadcast_in_dim3A_1075, %get3A_1070 : vector<16xi1>, vector<16xi32>
        %eq3A_1077 = arith.constant -2 : i32
        %eq3A_1078 = vector.broadcast %eq3A_1077 : i32 to vector<16xi32>
        %eq3A_1079 = arith.cmpi eq, %select_n3A_1076, %eq3A_1078 : vector<16xi32>
        %jit3A_1080 = arith.constant 99999 : i32
        %broadcast_in_dim3A_1081 = vector.broadcast %jit3A_1080 : i32 to vector<16xi32>
        %select_n3A_1082 = arith.select %eq3A_1079, %broadcast_in_dim3A_1081, %select_n3A_1076 : vector<16xi1>, vector<16xi32>
        %jit3A_1083 = arith.constant 0 : i32
        %jit3A_1084 = arith.constant 99999 : i32
        %max3A_1085 = vector.broadcast %jit3A_1083 : i32 to vector<16xi32>
        %max3A_1086 = arith.maxsi %max3A_1085, %select_n3A_1082 : vector<16xi32>
        %min3A_1087 = vector.broadcast %jit3A_1084 : i32 to vector<16xi32>
        %min3A_1088 = arith.minsi %min3A_1087, %max3A_1086 : vector<16xi32>
        %swap3A_1089 = arith.index_cast %add3A_1012 : i32 to index
        %swap3A_1090 = arith.constant 32 : index
        %swap3A_1091 = tpu.vector_load %arg5[%swap3A_1089, %swap3A_1090] {strides = array<i32>} : memref<200x128xi32, #tpu.memory_space<vmem>>, vector<1x16xi32>,
        %swap3A_1092 = vector.shape_cast %swap3A_1091 : vector<1x16xi32> to vector<16xi32>
        %swap3A_1093 = vector.shape_cast %min3A_1088 : vector<16xi32> to vector<1x16xi32>
        tpu.vector_store %arg5[%swap3A_1089, %swap3A_1090], %swap3A_1093 {strides = array<i32>} : memref<200x128xi32, #tpu.memory_space<vmem>>, vector<1x16xi32>,
        %get3A_1094 = arith.index_cast %add3A_1012 : i32 to index
        %get3A_1095 = arith.constant 48 : index
        %get3A_1096 = tpu.vector_load %arg5[%get3A_1094, %get3A_1095] {strides = array<i32>} : memref<200x128xi32, #tpu.memory_space<vmem>>, vector<1x16xi32>,
        %get3A_1097 = vector.shape_cast %get3A_1096 : vector<1x16xi32> to vector<16xi32>
        %eq3A_1098 = arith.constant -1 : i32
        %eq3A_1099 = vector.broadcast %eq3A_1098 : i32 to vector<16xi32>
        %eq3A_1100 = arith.cmpi eq, %get3A_1097, %eq3A_1099 : vector<16xi32>
        %jit3A_1101 = arith.constant 99998 : i32
        %broadcast_in_dim3A_1102 = vector.broadcast %jit3A_1101 : i32 to vector<16xi32>
        %select_n3A_1103 = arith.select %eq3A_1100, %broadcast_in_dim3A_1102, %get3A_1097 : vector<16xi1>, vector<16xi32>
        %eq3A_1104 = arith.constant -2 : i32
        %eq3A_1105 = vector.broadcast %eq3A_1104 : i32 to vector<16xi32>
        %eq3A_1106 = arith.cmpi eq, %select_n3A_1103, %eq3A_1105 : vector<16xi32>
        %jit3A_1107 = arith.constant 99999 : i32
        %broadcast_in_dim3A_1108 = vector.broadcast %jit3A_1107 : i32 to vector<16xi32>
        %select_n3A_1109 = arith.select %eq3A_1106, %broadcast_in_dim3A_1108, %select_n3A_1103 : vector<16xi1>, vector<16xi32>
        %jit3A_1110 = arith.constant 0 : i32
        %jit3A_1111 = arith.constant 99999 : i32
        %max3A_1112 = vector.broadcast %jit3A_1110 : i32 to vector<16xi32>
        %max3A_1113 = arith.maxsi %max3A_1112, %select_n3A_1109 : vector<16xi32>
        %min3A_1114 = vector.broadcast %jit3A_1111 : i32 to vector<16xi32>
        %min3A_1115 = arith.minsi %min3A_1114, %max3A_1113 : vector<16xi32>
        %swap3A_1116 = arith.index_cast %add3A_1012 : i32 to index
        %swap3A_1117 = arith.constant 48 : index
        %swap3A_1118 = tpu.vector_load %arg5[%swap3A_1116, %swap3A_1117] {strides = array<i32>} : memref<200x128xi32, #tpu.memory_space<vmem>>, vector<1x16xi32>,
        %swap3A_1119 = vector.shape_cast %swap3A_1118 : vector<1x16xi32> to vector<16xi32>
        %swap3A_1120 = vector.shape_cast %min3A_1115 : vector<16xi32> to vector<1x16xi32>
        tpu.vector_store %arg5[%swap3A_1116, %swap3A_1117], %swap3A_1120 {strides = array<i32>} : memref<200x128xi32, #tpu.memory_space<vmem>>, vector<1x16xi32>,
        %get3A_1121 = arith.index_cast %add3A_1012 : i32 to index
        %get3A_1122 = arith.constant 64 : index
        %get3A_1123 = tpu.vector_load %arg5[%get3A_1121, %get3A_1122] {strides = array<i32>} : memref<200x128xi32, #tpu.memory_space<vmem>>, vector<1x16xi32>,
        %get3A_1124 = vector.shape_cast %get3A_1123 : vector<1x16xi32> to vector<16xi32>
        %eq3A_1125 = arith.constant -1 : i32
        %eq3A_1126 = vector.broadcast %eq3A_1125 : i32 to vector<16xi32>
        %eq3A_1127 = arith.cmpi eq, %get3A_1124, %eq3A_1126 : vector<16xi32>
        %jit3A_1128 = arith.constant 99998 : i32
        %broadcast_in_dim3A_1129 = vector.broadcast %jit3A_1128 : i32 to vector<16xi32>
        %select_n3A_1130 = arith.select %eq3A_1127, %broadcast_in_dim3A_1129, %get3A_1124 : vector<16xi1>, vector<16xi32>
        %eq3A_1131 = arith.constant -2 : i32
        %eq3A_1132 = vector.broadcast %eq3A_1131 : i32 to vector<16xi32>
        %eq3A_1133 = arith.cmpi eq, %select_n3A_1130, %eq3A_1132 : vector<16xi32>
        %jit3A_1134 = arith.constant 99999 : i32
        %broadcast_in_dim3A_1135 = vector.broadcast %jit3A_1134 : i32 to vector<16xi32>
        %select_n3A_1136 = arith.select %eq3A_1133, %broadcast_in_dim3A_1135, %select_n3A_1130 : vector<16xi1>, vector<16xi32>
        %jit3A_1137 = arith.constant 0 : i32
        %jit3A_1138 = arith.constant 99999 : i32
        %max3A_1139 = vector.broadcast %jit3A_1137 : i32 to vector<16xi32>
        %max3A_1140 = arith.maxsi %max3A_1139, %select_n3A_1136 : vector<16xi32>
        %min3A_1141 = vector.broadcast %jit3A_1138 : i32 to vector<16xi32>
        %min3A_1142 = arith.minsi %min3A_1141, %max3A_1140 : vector<16xi32>
        %swap3A_1143 = arith.index_cast %add3A_1012 : i32 to index
        %swap3A_1144 = arith.constant 64 : index
        %swap3A_1145 = tpu.vector_load %arg5[%swap3A_1143, %swap3A_1144] {strides = array<i32>} : memref<200x128xi32, #tpu.memory_space<vmem>>, vector<1x16xi32>,
        %swap3A_1146 = vector.shape_cast %swap3A_1145 : vector<1x16xi32> to vector<16xi32>
        %swap3A_1147 = vector.shape_cast %min3A_1142 : vector<16xi32> to vector<1x16xi32>
        tpu.vector_store %arg5[%swap3A_1143, %swap3A_1144], %swap3A_1147 {strides = array<i32>} : memref<200x128xi32, #tpu.memory_space<vmem>>, vector<1x16xi32>,
        %get3A_1148 = arith.index_cast %add3A_1012 : i32 to index
        %get3A_1149 = arith.constant 80 : index
        %get3A_1150 = tpu.vector_load %arg5[%get3A_1148, %get3A_1149] {strides = array<i32>} : memref<200x128xi32, #tpu.memory_space<vmem>>, vector<1x16xi32>,
        %get3A_1151 = vector.shape_cast %get3A_1150 : vector<1x16xi32> to vector<16xi32>
        %eq3A_1152 = arith.constant -1 : i32
        %eq3A_1153 = vector.broadcast %eq3A_1152 : i32 to vector<16xi32>
        %eq3A_1154 = arith.cmpi eq, %get3A_1151, %eq3A_1153 : vector<16xi32>
        %jit3A_1155 = arith.constant 99998 : i32
        %broadcast_in_dim3A_1156 = vector.broadcast %jit3A_1155 : i32 to vector<16xi32>
        %select_n3A_1157 = arith.select %eq3A_1154, %broadcast_in_dim3A_1156, %get3A_1151 : vector<16xi1>, vector<16xi32>
        %eq3A_1158 = arith.constant -2 : i32
        %eq3A_1159 = vector.broadcast %eq3A_1158 : i32 to vector<16xi32>
        %eq3A_1160 = arith.cmpi eq, %select_n3A_1157, %eq3A_1159 : vector<16xi32>
        %jit3A_1161 = arith.constant 99999 : i32
        %broadcast_in_dim3A_1162 = vector.broadcast %jit3A_1161 : i32 to vector<16xi32>
        %select_n3A_1163 = arith.select %eq3A_1160, %broadcast_in_dim3A_1162, %select_n3A_1157 : vector<16xi1>, vector<16xi32>
        %jit3A_1164 = arith.constant 0 : i32
        %jit3A_1165 = arith.constant 99999 : i32
        %max3A_1166 = vector.broadcast %jit3A_1164 : i32 to vector<16xi32>
        %max3A_1167 = arith.maxsi %max3A_1166, %select_n3A_1163 : vector<16xi32>
        %min3A_1168 = vector.broadcast %jit3A_1165 : i32 to vector<16xi32>
        %min3A_1169 = arith.minsi %min3A_1168, %max3A_1167 : vector<16xi32>
        %swap3A_1170 = arith.index_cast %add3A_1012 : i32 to index
        %swap3A_1171 = arith.constant 80 : index
        %swap3A_1172 = tpu.vector_load %arg5[%swap3A_1170, %swap3A_1171] {strides = array<i32>} : memref<200x128xi32, #tpu.memory_space<vmem>>, vector<1x16xi32>,
        %swap3A_1173 = vector.shape_cast %swap3A_1172 : vector<1x16xi32> to vector<16xi32>
        %swap3A_1174 = vector.shape_cast %min3A_1169 : vector<16xi32> to vector<1x16xi32>
        tpu.vector_store %arg5[%swap3A_1170, %swap3A_1171], %swap3A_1174 {strides = array<i32>} : memref<200x128xi32, #tpu.memory_space<vmem>>, vector<1x16xi32>,
        %get3A_1175 = arith.index_cast %add3A_1012 : i32 to index
        %get3A_1176 = arith.constant 96 : index
        %get3A_1177 = tpu.vector_load %arg5[%get3A_1175, %get3A_1176] {strides = array<i32>} : memref<200x128xi32, #tpu.memory_space<vmem>>, vector<1x16xi32>,
        %get3A_1178 = vector.shape_cast %get3A_1177 : vector<1x16xi32> to vector<16xi32>
        %eq3A_1179 = arith.constant -1 : i32
        %eq3A_1180 = vector.broadcast %eq3A_1179 : i32 to vector<16xi32>
        %eq3A_1181 = arith.cmpi eq, %get3A_1178, %eq3A_1180 : vector<16xi32>
        %jit3A_1182 = arith.constant 99998 : i32
        %broadcast_in_dim3A_1183 = vector.broadcast %jit3A_1182 : i32 to vector<16xi32>
        %select_n3A_1184 = arith.select %eq3A_1181, %broadcast_in_dim3A_1183, %get3A_1178 : vector<16xi1>, vector<16xi32>
        %eq3A_1185 = arith.constant -2 : i32
        %eq3A_1186 = vector.broadcast %eq3A_1185 : i32 to vector<16xi32>
        %eq3A_1187 = arith.cmpi eq, %select_n3A_1184, %eq3A_1186 : vector<16xi32>
        %jit3A_1188 = arith.constant 99999 : i32
        %broadcast_in_dim3A_1189 = vector.broadcast %jit3A_1188 : i32 to vector<16xi32>
        %select_n3A_1190 = arith.select %eq3A_1187, %broadcast_in_dim3A_1189, %select_n3A_1184 : vector<16xi1>, vector<16xi32>
        %jit3A_1191 = arith.constant 0 : i32
        %jit3A_1192 = arith.constant 99999 : i32
        %max3A_1193 = vector.broadcast %jit3A_1191 : i32 to vector<16xi32>
        %max3A_1194 = arith.maxsi %max3A_1193, %select_n3A_1190 : vector<16xi32>
        %min3A_1195 = vector.broadcast %jit3A_1192 : i32 to vector<16xi32>
        %min3A_1196 = arith.minsi %min3A_1195, %max3A_1194 : vector<16xi32>
        %swap3A_1197 = arith.index_cast %add3A_1012 : i32 to index
        %swap3A_1198 = arith.constant 96 : index
        %swap3A_1199 = tpu.vector_load %arg5[%swap3A_1197, %swap3A_1198] {strides = array<i32>} : memref<200x128xi32, #tpu.memory_space<vmem>>, vector<1x16xi32>,
        %swap3A_1200 = vector.shape_cast %swap3A_1199 : vector<1x16xi32> to vector<16xi32>
        %swap3A_1201 = vector.shape_cast %min3A_1196 : vector<16xi32> to vector<1x16xi32>
        tpu.vector_store %arg5[%swap3A_1197, %swap3A_1198], %swap3A_1201 {strides = array<i32>} : memref<200x128xi32, #tpu.memory_space<vmem>>, vector<1x16xi32>,
        %get3A_1202 = arith.index_cast %add3A_1012 : i32 to index
        %get3A_1203 = arith.constant 112 : index
        %get3A_1204 = tpu.vector_load %arg5[%get3A_1202, %get3A_1203] {strides = array<i32>} : memref<200x128xi32, #tpu.memory_space<vmem>>, vector<1x16xi32>,
        %get3A_1205 = vector.shape_cast %get3A_1204 : vector<1x16xi32> to vector<16xi32>
        %eq3A_1206 = arith.constant -1 : i32
        %eq3A_1207 = vector.broadcast %eq3A_1206 : i32 to vector<16xi32>
        %eq3A_1208 = arith.cmpi eq, %get3A_1205, %eq3A_1207 : vector<16xi32>
        %jit3A_1209 = arith.constant 99998 : i32
        %broadcast_in_dim3A_1210 = vector.broadcast %jit3A_1209 : i32 to vector<16xi32>
        %select_n3A_1211 = arith.select %eq3A_1208, %broadcast_in_dim3A_1210, %get3A_1205 : vector<16xi1>, vector<16xi32>
        %eq3A_1212 = arith.constant -2 : i32
        %eq3A_1213 = vector.broadcast %eq3A_1212 : i32 to vector<16xi32>
        %eq3A_1214 = arith.cmpi eq, %select_n3A_1211, %eq3A_1213 : vector<16xi32>
        %jit3A_1215 = arith.constant 99999 : i32
        %broadcast_in_dim3A_1216 = vector.broadcast %jit3A_1215 : i32 to vector<16xi32>
        %select_n3A_1217 = arith.select %eq3A_1214, %broadcast_in_dim3A_1216, %select_n3A_1211 : vector<16xi1>, vector<16xi32>
        %jit3A_1218 = arith.constant 0 : i32
        %jit3A_1219 = arith.constant 99999 : i32
        %max3A_1220 = vector.broadcast %jit3A_1218 : i32 to vector<16xi32>
        %max3A_1221 = arith.maxsi %max3A_1220, %select_n3A_1217 : vector<16xi32>
        %min3A_1222 = vector.broadcast %jit3A_1219 : i32 to vector<16xi32>
        %min3A_1223 = arith.minsi %min3A_1222, %max3A_1221 : vector<16xi32>
        %swap3A_1224 = arith.index_cast %add3A_1012 : i32 to index
        %swap3A_1225 = arith.constant 112 : index
        %swap3A_1226 = tpu.vector_load %arg5[%swap3A_1224, %swap3A_1225] {strides = array<i32>} : memref<200x128xi32, #tpu.memory_space<vmem>>, vector<1x16xi32>,
        %swap3A_1227 = vector.shape_cast %swap3A_1226 : vector<1x16xi32> to vector<16xi32>
        %swap3A_1228 = vector.shape_cast %min3A_1223 : vector<16xi32> to vector<1x16xi32>
        tpu.vector_store %arg5[%swap3A_1224, %swap3A_1225], %swap3A_1228 {strides = array<i32>} : memref<200x128xi32, #tpu.memory_space<vmem>>, vector<1x16xi32>,
      } else {
      }
      %dma_wait3A_872 = arith.constant 2 : i32
      %dma_wait3A_873 = arith.constant 0 : i32
      %dma_wait3A_874 = arith.constant 0 : i32
      %dma_wait3A_875 = tpu.memref_slice %arg6[%dma_wait3A_872, %dma_wait3A_873, %dma_wait3A_874] : memref<5x128x128xf32, #tpu.memory_space<vmem>> -> memref<1x128x128xf32, #tpu.memory_space<vmem>>
      %dma_wait3A_876 = tpu.memref_squeeze %dma_wait3A_875 : memref<1x128x128xf32, #tpu.memory_space<vmem>> -> memref<128x128xf32, #tpu.memory_space<vmem>>
      %dma_wait3A_877 = arith.constant 0 : i32
      %dma_wait3A_878 = tpu.memref_slice %arg5[%add3A_864, %dma_wait3A_877] : memref<200x128xi32, #tpu.memory_space<vmem>> -> memref<1x128xi32, #tpu.memory_space<vmem>>
      %dma_wait3A_879 = tpu.memref_squeeze %dma_wait3A_878 : memref<1x128xi32, #tpu.memory_space<vmem>> -> memref<128xi32, #tpu.memory_space<vmem>>
      %dma_wait3A_880 = arith.constant 0 : i32
      %dma_wait3A_881 = arith.constant 0 : i32
      %dma_wait3A_882 = tpu.memref_slice %arg2[%dma_wait3A_880, %dma_wait3A_881] : memref<100000x128xf32, #tpu.memory_space<hbm>> -> memref<100000x128xf32, #tpu.memory_space<hbm>>
      tpu.wait_indirect_dma semaphore(%arg7 : memref<!tpu.dma_semaphore, #tpu.memory_space<semaphore_mem>>) src(%dma_wait3A_882 : memref<100000x128xf32, #tpu.memory_space<hbm>>) dst(%dma_wait3A_876 : memref<128x128xf32, #tpu.memory_space<vmem>>)
      %ge3A_883 = arith.constant 2 : i32
      %ge3A_884 = arith.cmpi sge, %add3A_864, %ge3A_883 : i32
      %convert_element_type3A_885 = arith.extui %ge3A_884 : i1 to i32
      %cond3A_886 = arith.constant 0 : i32
      %cond3A_887 = arith.cmpi ne, %convert_element_type3A_885, %cond3A_886 : i32
      scf.if %cond3A_887 {
        %add3A_1011 = arith.addi %mul3A_2, %add3A_864 : i32
        %mul3A_1012 = arith.constant 128 : i32
        %mul3A_1013 = arith.muli %add3A_1011, %mul3A_1012 : i32
        %dma_wait3A_1014 = arith.constant 0 : i32
        %dma_wait3A_1015 = arith.constant 0 : i32
        %dma_wait3A_1016 = arith.constant 0 : i32
        %dma_wait3A_1017 = tpu.memref_slice %arg6[%dma_wait3A_1014, %dma_wait3A_1015, %dma_wait3A_1016] : memref<5x128x128xf32, #tpu.memory_space<vmem>> -> memref<1x128x128xf32, #tpu.memory_space<vmem>>
        %dma_wait3A_1018 = tpu.memref_squeeze %dma_wait3A_1017 : memref<1x128x128xf32, #tpu.memory_space<vmem>> -> memref<128x128xf32, #tpu.memory_space<vmem>>
        %dma_wait3A_1019 = arith.constant 0 : i32
        %dma_wait3A_1020 = tpu.memref_slice %arg4[%mul3A_1013, %dma_wait3A_1019] : memref<819200x128xf32, #tpu.memory_space<hbm>> -> memref<128x128xf32, #tpu.memory_space<hbm>>
        %dma_wait3A_1021 = arith.constant 0 : i32
        %dma_wait3A_1022 = tpu.memref_slice %arg4[%mul3A_1013, %dma_wait3A_1021] : memref<819200x128xf32, #tpu.memory_space<hbm>> -> memref<128x128xf32, #tpu.memory_space<hbm>>
        %dma_wait3A_1023 = arith.constant 0 : i32
        %dma_wait3A_1024 = arith.constant 0 : i32
        %dma_wait3A_1025 = tpu.memref_slice %arg6[%dma_wait3A_1014, %dma_wait3A_1023, %dma_wait3A_1024] : memref<5x128x128xf32, #tpu.memory_space<vmem>> -> memref<1x128x128xf32, #tpu.memory_space<vmem>>
        %dma_wait3A_1026 = tpu.memref_squeeze %dma_wait3A_1025 : memref<1x128x128xf32, #tpu.memory_space<vmem>> -> memref<128x128xf32, #tpu.memory_space<vmem>>
        tpu.wait_dma2 semaphore(%arg8 : memref<!tpu.dma_semaphore, #tpu.memory_space<semaphore_mem>>) src(%dma_wait3A_1026 : memref<128x128xf32, #tpu.memory_space<vmem>>) dst(%dma_wait3A_1022 : memref<128x128xf32, #tpu.memory_space<hbm>>)
      } else {
      }
      %add3A_888 = arith.constant 3 : i32
      %add3A_889 = arith.addi %add3A_864, %add3A_888 : i32
      %lt3A_890 = arith.constant 200 : i32
      %lt3A_891 = arith.cmpi slt, %add3A_889, %lt3A_890 : i32
      %convert_element_type3A_892 = arith.extui %lt3A_891 : i1 to i32
      %cond3A_893 = arith.constant 0 : i32
      %cond3A_894 = arith.cmpi ne, %convert_element_type3A_892, %cond3A_893 : i32
      scf.if %cond3A_894 {
        %add3A_1011 = arith.constant 3 : i32
        %add3A_1012 = arith.addi %add3A_864, %add3A_1011 : i32
        %dma_start3A_1013 = arith.constant 0 : i32
        %dma_start3A_1014 = arith.constant 0 : i32
        %dma_start3A_1015 = arith.constant 0 : i32
        %dma_start3A_1016 = tpu.memref_slice %arg6[%dma_start3A_1013, %dma_start3A_1014, %dma_start3A_1015] : memref<5x128x128xf32, #tpu.memory_space<vmem>> -> memref<1x128x128xf32, #tpu.memory_space<vmem>>
        %dma_start3A_1017 = tpu.memref_squeeze %dma_start3A_1016 : memref<1x128x128xf32, #tpu.memory_space<vmem>> -> memref<128x128xf32, #tpu.memory_space<vmem>>
        %dma_start3A_1018 = arith.constant 0 : i32
        %dma_start3A_1019 = tpu.memref_slice %arg5[%add3A_1012, %dma_start3A_1018] : memref<200x128xi32, #tpu.memory_space<vmem>> -> memref<1x128xi32, #tpu.memory_space<vmem>>
        %dma_start3A_1020 = tpu.memref_squeeze %dma_start3A_1019 : memref<1x128xi32, #tpu.memory_space<vmem>> -> memref<128xi32, #tpu.memory_space<vmem>>
        %dma_start3A_1021 = arith.constant 0 : i32
        %dma_start3A_1022 = arith.constant 0 : i32
        %dma_start3A_1023 = tpu.memref_slice %arg2[%dma_start3A_1021, %dma_start3A_1022] : memref<100000x128xf32, #tpu.memory_space<hbm>> -> memref<100000x128xf32, #tpu.memory_space<hbm>>
        tpu.enqueue_indirect_dma source(%dma_start3A_1023 : memref<100000x128xf32, #tpu.memory_space<hbm>>) target(%dma_start3A_1017 : memref<128x128xf32, #tpu.memory_space<vmem>>) offsets(%dma_start3A_1020 : memref<128xi32, #tpu.memory_space<vmem>>) semaphore(%arg7 : memref<!tpu.dma_semaphore, #tpu.memory_space<semaphore_mem>>)
      } else {
      }
      %add3A_895 = arith.addi %mul3A_2, %add3A_864 : i32
      %mul3A_896 = arith.constant 128 : i32
      %mul3A_897 = arith.muli %add3A_895, %mul3A_896 : i32
      %dma_start3A_898 = arith.constant 2 : i32
      %dma_start3A_899 = arith.constant 0 : i32
      %dma_start3A_900 = arith.constant 0 : i32
      %dma_start3A_901 = tpu.memref_slice %arg6[%dma_start3A_898, %dma_start3A_899, %dma_start3A_900] : memref<5x128x128xf32, #tpu.memory_space<vmem>> -> memref<1x128x128xf32, #tpu.memory_space<vmem>>
      %dma_start3A_902 = tpu.memref_squeeze %dma_start3A_901 : memref<1x128x128xf32, #tpu.memory_space<vmem>> -> memref<128x128xf32, #tpu.memory_space<vmem>>
      %dma_start3A_903 = arith.constant 0 : i32
      %dma_start3A_904 = tpu.memref_slice %arg4[%mul3A_897, %dma_start3A_903] : memref<819200x128xf32, #tpu.memory_space<hbm>> -> memref<128x128xf32, #tpu.memory_space<hbm>>
      %dma_start3A_905 = arith.constant 0 : i32
      %dma_start3A_906 = tpu.memref_slice %arg4[%mul3A_897, %dma_start3A_905] : memref<819200x128xf32, #tpu.memory_space<hbm>> -> memref<128x128xf32, #tpu.memory_space<hbm>>
      %dma_start3A_907 = arith.constant 0 : i32
      %dma_start3A_908 = arith.constant 0 : i32
      %dma_start3A_909 = tpu.memref_slice %arg6[%dma_start3A_898, %dma_start3A_907, %dma_start3A_908] : memref<5x128x128xf32, #tpu.memory_space<vmem>> -> memref<1x128x128xf32, #tpu.memory_space<vmem>>
      %dma_start3A_910 = tpu.memref_squeeze %dma_start3A_909 : memref<1x128x128xf32, #tpu.memory_space<vmem>> -> memref<128x128xf32, #tpu.memory_space<vmem>>
      tpu.enqueue_dma source(%dma_start3A_910 : memref<128x128xf32, #tpu.memory_space<vmem>>) target(%dma_start3A_906 : memref<128x128xf32, #tpu.memory_space<hbm>>) target_semaphore(%arg8 : memref<!tpu.dma_semaphore, #tpu.memory_space<semaphore_mem>>)
      %mul3A_911 = arith.constant 5 : i32
      %mul3A_912 = arith.muli %scan3A_764, %mul3A_911 : i32
      %add3A_913 = arith.constant 3 : i32
      %add3A_914 = arith.addi %mul3A_912, %add3A_913 : i32
      %add3A_915 = arith.constant 3 : i32
      %add3A_916 = arith.addi %add3A_914, %add3A_915 : i32
      %lt3A_917 = arith.constant 200 : i32
      %lt3A_918 = arith.cmpi slt, %add3A_916, %lt3A_917 : i32
      %convert_element_type3A_919 = arith.extui %lt3A_918 : i1 to i32
      %cond3A_920 = arith.constant 0 : i32
      %cond3A_921 = arith.cmpi ne, %convert_element_type3A_919, %cond3A_920 : i32
      scf.if %cond3A_921 {
        %add3A_1011 = arith.constant 3 : i32
        %add3A_1012 = arith.addi %add3A_914, %add3A_1011 : i32
        %get3A_1013 = arith.index_cast %add3A_1012 : i32 to index
        %get3A_1014 = arith.constant 0 : index
        %get3A_1015 = tpu.vector_load %arg5[%get3A_1013, %get3A_1014] {strides = array<i32>} : memref<200x128xi32, #tpu.memory_space<vmem>>, vector<1x16xi32>,
        %get3A_1016 = vector.shape_cast %get3A_1015 : vector<1x16xi32> to vector<16xi32>
        %eq3A_1017 = arith.constant -1 : i32
        %eq3A_1018 = vector.broadcast %eq3A_1017 : i32 to vector<16xi32>
        %eq3A_1019 = arith.cmpi eq, %get3A_1016, %eq3A_1018 : vector<16xi32>
        %jit3A_1020 = arith.constant 99998 : i32
        %broadcast_in_dim3A_1021 = vector.broadcast %jit3A_1020 : i32 to vector<16xi32>
        %select_n3A_1022 = arith.select %eq3A_1019, %broadcast_in_dim3A_1021, %get3A_1016 : vector<16xi1>, vector<16xi32>
        %eq3A_1023 = arith.constant -2 : i32
        %eq3A_1024 = vector.broadcast %eq3A_1023 : i32 to vector<16xi32>
        %eq3A_1025 = arith.cmpi eq, %select_n3A_1022, %eq3A_1024 : vector<16xi32>
        %jit3A_1026 = arith.constant 99999 : i32
        %broadcast_in_dim3A_1027 = vector.broadcast %jit3A_1026 : i32 to vector<16xi32>
        %select_n3A_1028 = arith.select %eq3A_1025, %broadcast_in_dim3A_1027, %select_n3A_1022 : vector<16xi1>, vector<16xi32>
        %jit3A_1029 = arith.constant 0 : i32
        %jit3A_1030 = arith.constant 99999 : i32
        %max3A_1031 = vector.broadcast %jit3A_1029 : i32 to vector<16xi32>
        %max3A_1032 = arith.maxsi %max3A_1031, %select_n3A_1028 : vector<16xi32>
        %min3A_1033 = vector.broadcast %jit3A_1030 : i32 to vector<16xi32>
        %min3A_1034 = arith.minsi %min3A_1033, %max3A_1032 : vector<16xi32>
        %swap3A_1035 = arith.index_cast %add3A_1012 : i32 to index
        %swap3A_1036 = arith.constant 0 : index
        %swap3A_1037 = tpu.vector_load %arg5[%swap3A_1035, %swap3A_1036] {strides = array<i32>} : memref<200x128xi32, #tpu.memory_space<vmem>>, vector<1x16xi32>,
        %swap3A_1038 = vector.shape_cast %swap3A_1037 : vector<1x16xi32> to vector<16xi32>
        %swap3A_1039 = vector.shape_cast %min3A_1034 : vector<16xi32> to vector<1x16xi32>
        tpu.vector_store %arg5[%swap3A_1035, %swap3A_1036], %swap3A_1039 {strides = array<i32>} : memref<200x128xi32, #tpu.memory_space<vmem>>, vector<1x16xi32>,
        %get3A_1040 = arith.index_cast %add3A_1012 : i32 to index
        %get3A_1041 = arith.constant 16 : index
        %get3A_1042 = tpu.vector_load %arg5[%get3A_1040, %get3A_1041] {strides = array<i32>} : memref<200x128xi32, #tpu.memory_space<vmem>>, vector<1x16xi32>,
        %get3A_1043 = vector.shape_cast %get3A_1042 : vector<1x16xi32> to vector<16xi32>
        %eq3A_1044 = arith.constant -1 : i32
        %eq3A_1045 = vector.broadcast %eq3A_1044 : i32 to vector<16xi32>
        %eq3A_1046 = arith.cmpi eq, %get3A_1043, %eq3A_1045 : vector<16xi32>
        %jit3A_1047 = arith.constant 99998 : i32
        %broadcast_in_dim3A_1048 = vector.broadcast %jit3A_1047 : i32 to vector<16xi32>
        %select_n3A_1049 = arith.select %eq3A_1046, %broadcast_in_dim3A_1048, %get3A_1043 : vector<16xi1>, vector<16xi32>
        %eq3A_1050 = arith.constant -2 : i32
        %eq3A_1051 = vector.broadcast %eq3A_1050 : i32 to vector<16xi32>
        %eq3A_1052 = arith.cmpi eq, %select_n3A_1049, %eq3A_1051 : vector<16xi32>
        %jit3A_1053 = arith.constant 99999 : i32
        %broadcast_in_dim3A_1054 = vector.broadcast %jit3A_1053 : i32 to vector<16xi32>
        %select_n3A_1055 = arith.select %eq3A_1052, %broadcast_in_dim3A_1054, %select_n3A_1049 : vector<16xi1>, vector<16xi32>
        %jit3A_1056 = arith.constant 0 : i32
        %jit3A_1057 = arith.constant 99999 : i32
        %max3A_1058 = vector.broadcast %jit3A_1056 : i32 to vector<16xi32>
        %max3A_1059 = arith.maxsi %max3A_1058, %select_n3A_1055 : vector<16xi32>
        %min3A_1060 = vector.broadcast %jit3A_1057 : i32 to vector<16xi32>
        %min3A_1061 = arith.minsi %min3A_1060, %max3A_1059 : vector<16xi32>
        %swap3A_1062 = arith.index_cast %add3A_1012 : i32 to index
        %swap3A_1063 = arith.constant 16 : index
        %swap3A_1064 = tpu.vector_load %arg5[%swap3A_1062, %swap3A_1063] {strides = array<i32>} : memref<200x128xi32, #tpu.memory_space<vmem>>, vector<1x16xi32>,
        %swap3A_1065 = vector.shape_cast %swap3A_1064 : vector<1x16xi32> to vector<16xi32>
        %swap3A_1066 = vector.shape_cast %min3A_1061 : vector<16xi32> to vector<1x16xi32>
        tpu.vector_store %arg5[%swap3A_1062, %swap3A_1063], %swap3A_1066 {strides = array<i32>} : memref<200x128xi32, #tpu.memory_space<vmem>>, vector<1x16xi32>,
        %get3A_1067 = arith.index_cast %add3A_1012 : i32 to index
        %get3A_1068 = arith.constant 32 : index
        %get3A_1069 = tpu.vector_load %arg5[%get3A_1067, %get3A_1068] {strides = array<i32>} : memref<200x128xi32, #tpu.memory_space<vmem>>, vector<1x16xi32>,
        %get3A_1070 = vector.shape_cast %get3A_1069 : vector<1x16xi32> to vector<16xi32>
        %eq3A_1071 = arith.constant -1 : i32
        %eq3A_1072 = vector.broadcast %eq3A_1071 : i32 to vector<16xi32>
        %eq3A_1073 = arith.cmpi eq, %get3A_1070, %eq3A_1072 : vector<16xi32>
        %jit3A_1074 = arith.constant 99998 : i32
        %broadcast_in_dim3A_1075 = vector.broadcast %jit3A_1074 : i32 to vector<16xi32>
        %select_n3A_1076 = arith.select %eq3A_1073, %broadcast_in_dim3A_1075, %get3A_1070 : vector<16xi1>, vector<16xi32>
        %eq3A_1077 = arith.constant -2 : i32
        %eq3A_1078 = vector.broadcast %eq3A_1077 : i32 to vector<16xi32>
        %eq3A_1079 = arith.cmpi eq, %select_n3A_1076, %eq3A_1078 : vector<16xi32>
        %jit3A_1080 = arith.constant 99999 : i32
        %broadcast_in_dim3A_1081 = vector.broadcast %jit3A_1080 : i32 to vector<16xi32>
        %select_n3A_1082 = arith.select %eq3A_1079, %broadcast_in_dim3A_1081, %select_n3A_1076 : vector<16xi1>, vector<16xi32>
        %jit3A_1083 = arith.constant 0 : i32
        %jit3A_1084 = arith.constant 99999 : i32
        %max3A_1085 = vector.broadcast %jit3A_1083 : i32 to vector<16xi32>
        %max3A_1086 = arith.maxsi %max3A_1085, %select_n3A_1082 : vector<16xi32>
        %min3A_1087 = vector.broadcast %jit3A_1084 : i32 to vector<16xi32>
        %min3A_1088 = arith.minsi %min3A_1087, %max3A_1086 : vector<16xi32>
        %swap3A_1089 = arith.index_cast %add3A_1012 : i32 to index
        %swap3A_1090 = arith.constant 32 : index
        %swap3A_1091 = tpu.vector_load %arg5[%swap3A_1089, %swap3A_1090] {strides = array<i32>} : memref<200x128xi32, #tpu.memory_space<vmem>>, vector<1x16xi32>,
        %swap3A_1092 = vector.shape_cast %swap3A_1091 : vector<1x16xi32> to vector<16xi32>
        %swap3A_1093 = vector.shape_cast %min3A_1088 : vector<16xi32> to vector<1x16xi32>
        tpu.vector_store %arg5[%swap3A_1089, %swap3A_1090], %swap3A_1093 {strides = array<i32>} : memref<200x128xi32, #tpu.memory_space<vmem>>, vector<1x16xi32>,
        %get3A_1094 = arith.index_cast %add3A_1012 : i32 to index
        %get3A_1095 = arith.constant 48 : index
        %get3A_1096 = tpu.vector_load %arg5[%get3A_1094, %get3A_1095] {strides = array<i32>} : memref<200x128xi32, #tpu.memory_space<vmem>>, vector<1x16xi32>,
        %get3A_1097 = vector.shape_cast %get3A_1096 : vector<1x16xi32> to vector<16xi32>
        %eq3A_1098 = arith.constant -1 : i32
        %eq3A_1099 = vector.broadcast %eq3A_1098 : i32 to vector<16xi32>
        %eq3A_1100 = arith.cmpi eq, %get3A_1097, %eq3A_1099 : vector<16xi32>
        %jit3A_1101 = arith.constant 99998 : i32
        %broadcast_in_dim3A_1102 = vector.broadcast %jit3A_1101 : i32 to vector<16xi32>
        %select_n3A_1103 = arith.select %eq3A_1100, %broadcast_in_dim3A_1102, %get3A_1097 : vector<16xi1>, vector<16xi32>
        %eq3A_1104 = arith.constant -2 : i32
        %eq3A_1105 = vector.broadcast %eq3A_1104 : i32 to vector<16xi32>
        %eq3A_1106 = arith.cmpi eq, %select_n3A_1103, %eq3A_1105 : vector<16xi32>
        %jit3A_1107 = arith.constant 99999 : i32
        %broadcast_in_dim3A_1108 = vector.broadcast %jit3A_1107 : i32 to vector<16xi32>
        %select_n3A_1109 = arith.select %eq3A_1106, %broadcast_in_dim3A_1108, %select_n3A_1103 : vector<16xi1>, vector<16xi32>
        %jit3A_1110 = arith.constant 0 : i32
        %jit3A_1111 = arith.constant 99999 : i32
        %max3A_1112 = vector.broadcast %jit3A_1110 : i32 to vector<16xi32>
        %max3A_1113 = arith.maxsi %max3A_1112, %select_n3A_1109 : vector<16xi32>
        %min3A_1114 = vector.broadcast %jit3A_1111 : i32 to vector<16xi32>
        %min3A_1115 = arith.minsi %min3A_1114, %max3A_1113 : vector<16xi32>
        %swap3A_1116 = arith.index_cast %add3A_1012 : i32 to index
        %swap3A_1117 = arith.constant 48 : index
        %swap3A_1118 = tpu.vector_load %arg5[%swap3A_1116, %swap3A_1117] {strides = array<i32>} : memref<200x128xi32, #tpu.memory_space<vmem>>, vector<1x16xi32>,
        %swap3A_1119 = vector.shape_cast %swap3A_1118 : vector<1x16xi32> to vector<16xi32>
        %swap3A_1120 = vector.shape_cast %min3A_1115 : vector<16xi32> to vector<1x16xi32>
        tpu.vector_store %arg5[%swap3A_1116, %swap3A_1117], %swap3A_1120 {strides = array<i32>} : memref<200x128xi32, #tpu.memory_space<vmem>>, vector<1x16xi32>,
        %get3A_1121 = arith.index_cast %add3A_1012 : i32 to index
        %get3A_1122 = arith.constant 64 : index
        %get3A_1123 = tpu.vector_load %arg5[%get3A_1121, %get3A_1122] {strides = array<i32>} : memref<200x128xi32, #tpu.memory_space<vmem>>, vector<1x16xi32>,
        %get3A_1124 = vector.shape_cast %get3A_1123 : vector<1x16xi32> to vector<16xi32>
        %eq3A_1125 = arith.constant -1 : i32
        %eq3A_1126 = vector.broadcast %eq3A_1125 : i32 to vector<16xi32>
        %eq3A_1127 = arith.cmpi eq, %get3A_1124, %eq3A_1126 : vector<16xi32>
        %jit3A_1128 = arith.constant 99998 : i32
        %broadcast_in_dim3A_1129 = vector.broadcast %jit3A_1128 : i32 to vector<16xi32>
        %select_n3A_1130 = arith.select %eq3A_1127, %broadcast_in_dim3A_1129, %get3A_1124 : vector<16xi1>, vector<16xi32>
        %eq3A_1131 = arith.constant -2 : i32
        %eq3A_1132 = vector.broadcast %eq3A_1131 : i32 to vector<16xi32>
        %eq3A_1133 = arith.cmpi eq, %select_n3A_1130, %eq3A_1132 : vector<16xi32>
        %jit3A_1134 = arith.constant 99999 : i32
        %broadcast_in_dim3A_1135 = vector.broadcast %jit3A_1134 : i32 to vector<16xi32>
        %select_n3A_1136 = arith.select %eq3A_1133, %broadcast_in_dim3A_1135, %select_n3A_1130 : vector<16xi1>, vector<16xi32>
        %jit3A_1137 = arith.constant 0 : i32
        %jit3A_1138 = arith.constant 99999 : i32
        %max3A_1139 = vector.broadcast %jit3A_1137 : i32 to vector<16xi32>
        %max3A_1140 = arith.maxsi %max3A_1139, %select_n3A_1136 : vector<16xi32>
        %min3A_1141 = vector.broadcast %jit3A_1138 : i32 to vector<16xi32>
        %min3A_1142 = arith.minsi %min3A_1141, %max3A_1140 : vector<16xi32>
        %swap3A_1143 = arith.index_cast %add3A_1012 : i32 to index
        %swap3A_1144 = arith.constant 64 : index
        %swap3A_1145 = tpu.vector_load %arg5[%swap3A_1143, %swap3A_1144] {strides = array<i32>} : memref<200x128xi32, #tpu.memory_space<vmem>>, vector<1x16xi32>,
        %swap3A_1146 = vector.shape_cast %swap3A_1145 : vector<1x16xi32> to vector<16xi32>
        %swap3A_1147 = vector.shape_cast %min3A_1142 : vector<16xi32> to vector<1x16xi32>
        tpu.vector_store %arg5[%swap3A_1143, %swap3A_1144], %swap3A_1147 {strides = array<i32>} : memref<200x128xi32, #tpu.memory_space<vmem>>, vector<1x16xi32>,
        %get3A_1148 = arith.index_cast %add3A_1012 : i32 to index
        %get3A_1149 = arith.constant 80 : index
        %get3A_1150 = tpu.vector_load %arg5[%get3A_1148, %get3A_1149] {strides = array<i32>} : memref<200x128xi32, #tpu.memory_space<vmem>>, vector<1x16xi32>,
        %get3A_1151 = vector.shape_cast %get3A_1150 : vector<1x16xi32> to vector<16xi32>
        %eq3A_1152 = arith.constant -1 : i32
        %eq3A_1153 = vector.broadcast %eq3A_1152 : i32 to vector<16xi32>
        %eq3A_1154 = arith.cmpi eq, %get3A_1151, %eq3A_1153 : vector<16xi32>
        %jit3A_1155 = arith.constant 99998 : i32
        %broadcast_in_dim3A_1156 = vector.broadcast %jit3A_1155 : i32 to vector<16xi32>
        %select_n3A_1157 = arith.select %eq3A_1154, %broadcast_in_dim3A_1156, %get3A_1151 : vector<16xi1>, vector<16xi32>
        %eq3A_1158 = arith.constant -2 : i32
        %eq3A_1159 = vector.broadcast %eq3A_1158 : i32 to vector<16xi32>
        %eq3A_1160 = arith.cmpi eq, %select_n3A_1157, %eq3A_1159 : vector<16xi32>
        %jit3A_1161 = arith.constant 99999 : i32
        %broadcast_in_dim3A_1162 = vector.broadcast %jit3A_1161 : i32 to vector<16xi32>
        %select_n3A_1163 = arith.select %eq3A_1160, %broadcast_in_dim3A_1162, %select_n3A_1157 : vector<16xi1>, vector<16xi32>
        %jit3A_1164 = arith.constant 0 : i32
        %jit3A_1165 = arith.constant 99999 : i32
        %max3A_1166 = vector.broadcast %jit3A_1164 : i32 to vector<16xi32>
        %max3A_1167 = arith.maxsi %max3A_1166, %select_n3A_1163 : vector<16xi32>
        %min3A_1168 = vector.broadcast %jit3A_1165 : i32 to vector<16xi32>
        %min3A_1169 = arith.minsi %min3A_1168, %max3A_1167 : vector<16xi32>
        %swap3A_1170 = arith.index_cast %add3A_1012 : i32 to index
        %swap3A_1171 = arith.constant 80 : index
        %swap3A_1172 = tpu.vector_load %arg5[%swap3A_1170, %swap3A_1171] {strides = array<i32>} : memref<200x128xi32, #tpu.memory_space<vmem>>, vector<1x16xi32>,
        %swap3A_1173 = vector.shape_cast %swap3A_1172 : vector<1x16xi32> to vector<16xi32>
        %swap3A_1174 = vector.shape_cast %min3A_1169 : vector<16xi32> to vector<1x16xi32>
        tpu.vector_store %arg5[%swap3A_1170, %swap3A_1171], %swap3A_1174 {strides = array<i32>} : memref<200x128xi32, #tpu.memory_space<vmem>>, vector<1x16xi32>,
        %get3A_1175 = arith.index_cast %add3A_1012 : i32 to index
        %get3A_1176 = arith.constant 96 : index
        %get3A_1177 = tpu.vector_load %arg5[%get3A_1175, %get3A_1176] {strides = array<i32>} : memref<200x128xi32, #tpu.memory_space<vmem>>, vector<1x16xi32>,
        %get3A_1178 = vector.shape_cast %get3A_1177 : vector<1x16xi32> to vector<16xi32>
        %eq3A_1179 = arith.constant -1 : i32
        %eq3A_1180 = vector.broadcast %eq3A_1179 : i32 to vector<16xi32>
        %eq3A_1181 = arith.cmpi eq, %get3A_1178, %eq3A_1180 : vector<16xi32>
        %jit3A_1182 = arith.constant 99998 : i32
        %broadcast_in_dim3A_1183 = vector.broadcast %jit3A_1182 : i32 to vector<16xi32>
        %select_n3A_1184 = arith.select %eq3A_1181, %broadcast_in_dim3A_1183, %get3A_1178 : vector<16xi1>, vector<16xi32>
        %eq3A_1185 = arith.constant -2 : i32
        %eq3A_1186 = vector.broadcast %eq3A_1185 : i32 to vector<16xi32>
        %eq3A_1187 = arith.cmpi eq, %select_n3A_1184, %eq3A_1186 : vector<16xi32>
        %jit3A_1188 = arith.constant 99999 : i32
        %broadcast_in_dim3A_1189 = vector.broadcast %jit3A_1188 : i32 to vector<16xi32>
        %select_n3A_1190 = arith.select %eq3A_1187, %broadcast_in_dim3A_1189, %select_n3A_1184 : vector<16xi1>, vector<16xi32>
        %jit3A_1191 = arith.constant 0 : i32
        %jit3A_1192 = arith.constant 99999 : i32
        %max3A_1193 = vector.broadcast %jit3A_1191 : i32 to vector<16xi32>
        %max3A_1194 = arith.maxsi %max3A_1193, %select_n3A_1190 : vector<16xi32>
        %min3A_1195 = vector.broadcast %jit3A_1192 : i32 to vector<16xi32>
        %min3A_1196 = arith.minsi %min3A_1195, %max3A_1194 : vector<16xi32>
        %swap3A_1197 = arith.index_cast %add3A_1012 : i32 to index
        %swap3A_1198 = arith.constant 96 : index
        %swap3A_1199 = tpu.vector_load %arg5[%swap3A_1197, %swap3A_1198] {strides = array<i32>} : memref<200x128xi32, #tpu.memory_space<vmem>>, vector<1x16xi32>,
        %swap3A_1200 = vector.shape_cast %swap3A_1199 : vector<1x16xi32> to vector<16xi32>
        %swap3A_1201 = vector.shape_cast %min3A_1196 : vector<16xi32> to vector<1x16xi32>
        tpu.vector_store %arg5[%swap3A_1197, %swap3A_1198], %swap3A_1201 {strides = array<i32>} : memref<200x128xi32, #tpu.memory_space<vmem>>, vector<1x16xi32>,
        %get3A_1202 = arith.index_cast %add3A_1012 : i32 to index
        %get3A_1203 = arith.constant 112 : index
        %get3A_1204 = tpu.vector_load %arg5[%get3A_1202, %get3A_1203] {strides = array<i32>} : memref<200x128xi32, #tpu.memory_space<vmem>>, vector<1x16xi32>,
        %get3A_1205 = vector.shape_cast %get3A_1204 : vector<1x16xi32> to vector<16xi32>
        %eq3A_1206 = arith.constant -1 : i32
        %eq3A_1207 = vector.broadcast %eq3A_1206 : i32 to vector<16xi32>
        %eq3A_1208 = arith.cmpi eq, %get3A_1205, %eq3A_1207 : vector<16xi32>
        %jit3A_1209 = arith.constant 99998 : i32
        %broadcast_in_dim3A_1210 = vector.broadcast %jit3A_1209 : i32 to vector<16xi32>
        %select_n3A_1211 = arith.select %eq3A_1208, %broadcast_in_dim3A_1210, %get3A_1205 : vector<16xi1>, vector<16xi32>
        %eq3A_1212 = arith.constant -2 : i32
        %eq3A_1213 = vector.broadcast %eq3A_1212 : i32 to vector<16xi32>
        %eq3A_1214 = arith.cmpi eq, %select_n3A_1211, %eq3A_1213 : vector<16xi32>
        %jit3A_1215 = arith.constant 99999 : i32
        %broadcast_in_dim3A_1216 = vector.broadcast %jit3A_1215 : i32 to vector<16xi32>
        %select_n3A_1217 = arith.select %eq3A_1214, %broadcast_in_dim3A_1216, %select_n3A_1211 : vector<16xi1>, vector<16xi32>
        %jit3A_1218 = arith.constant 0 : i32
        %jit3A_1219 = arith.constant 99999 : i32
        %max3A_1220 = vector.broadcast %jit3A_1218 : i32 to vector<16xi32>
        %max3A_1221 = arith.maxsi %max3A_1220, %select_n3A_1217 : vector<16xi32>
        %min3A_1222 = vector.broadcast %jit3A_1219 : i32 to vector<16xi32>
        %min3A_1223 = arith.minsi %min3A_1222, %max3A_1221 : vector<16xi32>
        %swap3A_1224 = arith.index_cast %add3A_1012 : i32 to index
        %swap3A_1225 = arith.constant 112 : index
        %swap3A_1226 = tpu.vector_load %arg5[%swap3A_1224, %swap3A_1225] {strides = array<i32>} : memref<200x128xi32, #tpu.memory_space<vmem>>, vector<1x16xi32>,
        %swap3A_1227 = vector.shape_cast %swap3A_1226 : vector<1x16xi32> to vector<16xi32>
        %swap3A_1228 = vector.shape_cast %min3A_1223 : vector<16xi32> to vector<1x16xi32>
        tpu.vector_store %arg5[%swap3A_1224, %swap3A_1225], %swap3A_1228 {strides = array<i32>} : memref<200x128xi32, #tpu.memory_space<vmem>>, vector<1x16xi32>,
      } else {
      }
      %dma_wait3A_922 = arith.constant 3 : i32
      %dma_wait3A_923 = arith.constant 0 : i32
      %dma_wait3A_924 = arith.constant 0 : i32
      %dma_wait3A_925 = tpu.memref_slice %arg6[%dma_wait3A_922, %dma_wait3A_923, %dma_wait3A_924] : memref<5x128x128xf32, #tpu.memory_space<vmem>> -> memref<1x128x128xf32, #tpu.memory_space<vmem>>
      %dma_wait3A_926 = tpu.memref_squeeze %dma_wait3A_925 : memref<1x128x128xf32, #tpu.memory_space<vmem>> -> memref<128x128xf32, #tpu.memory_space<vmem>>
      %dma_wait3A_927 = arith.constant 0 : i32
      %dma_wait3A_928 = tpu.memref_slice %arg5[%add3A_914, %dma_wait3A_927] : memref<200x128xi32, #tpu.memory_space<vmem>> -> memref<1x128xi32, #tpu.memory_space<vmem>>
      %dma_wait3A_929 = tpu.memref_squeeze %dma_wait3A_928 : memref<1x128xi32, #tpu.memory_space<vmem>> -> memref<128xi32, #tpu.memory_space<vmem>>
      %dma_wait3A_930 = arith.constant 0 : i32
      %dma_wait3A_931 = arith.constant 0 : i32
      %dma_wait3A_932 = tpu.memref_slice %arg2[%dma_wait3A_930, %dma_wait3A_931] : memref<100000x128xf32, #tpu.memory_space<hbm>> -> memref<100000x128xf32, #tpu.memory_space<hbm>>
      tpu.wait_indirect_dma semaphore(%arg7 : memref<!tpu.dma_semaphore, #tpu.memory_space<semaphore_mem>>) src(%dma_wait3A_932 : memref<100000x128xf32, #tpu.memory_space<hbm>>) dst(%dma_wait3A_926 : memref<128x128xf32, #tpu.memory_space<vmem>>)
      %ge3A_933 = arith.constant 2 : i32
      %ge3A_934 = arith.cmpi sge, %add3A_914, %ge3A_933 : i32
      %convert_element_type3A_935 = arith.extui %ge3A_934 : i1 to i32
      %cond3A_936 = arith.constant 0 : i32
      %cond3A_937 = arith.cmpi ne, %convert_element_type3A_935, %cond3A_936 : i32
      scf.if %cond3A_937 {
        %add3A_1011 = arith.addi %mul3A_2, %add3A_914 : i32
        %mul3A_1012 = arith.constant 128 : i32
        %mul3A_1013 = arith.muli %add3A_1011, %mul3A_1012 : i32
        %dma_wait3A_1014 = arith.constant 1 : i32
        %dma_wait3A_1015 = arith.constant 0 : i32
        %dma_wait3A_1016 = arith.constant 0 : i32
        %dma_wait3A_1017 = tpu.memref_slice %arg6[%dma_wait3A_1014, %dma_wait3A_1015, %dma_wait3A_1016] : memref<5x128x128xf32, #tpu.memory_space<vmem>> -> memref<1x128x128xf32, #tpu.memory_space<vmem>>
        %dma_wait3A_1018 = tpu.memref_squeeze %dma_wait3A_1017 : memref<1x128x128xf32, #tpu.memory_space<vmem>> -> memref<128x128xf32, #tpu.memory_space<vmem>>
        %dma_wait3A_1019 = arith.constant 0 : i32
        %dma_wait3A_1020 = tpu.memref_slice %arg4[%mul3A_1013, %dma_wait3A_1019] : memref<819200x128xf32, #tpu.memory_space<hbm>> -> memref<128x128xf32, #tpu.memory_space<hbm>>
        %dma_wait3A_1021 = arith.constant 0 : i32
        %dma_wait3A_1022 = tpu.memref_slice %arg4[%mul3A_1013, %dma_wait3A_1021] : memref<819200x128xf32, #tpu.memory_space<hbm>> -> memref<128x128xf32, #tpu.memory_space<hbm>>
        %dma_wait3A_1023 = arith.constant 0 : i32
        %dma_wait3A_1024 = arith.constant 0 : i32
        %dma_wait3A_1025 = tpu.memref_slice %arg6[%dma_wait3A_1014, %dma_wait3A_1023, %dma_wait3A_1024] : memref<5x128x128xf32, #tpu.memory_space<vmem>> -> memref<1x128x128xf32, #tpu.memory_space<vmem>>
        %dma_wait3A_1026 = tpu.memref_squeeze %dma_wait3A_1025 : memref<1x128x128xf32, #tpu.memory_space<vmem>> -> memref<128x128xf32, #tpu.memory_space<vmem>>
        tpu.wait_dma2 semaphore(%arg8 : memref<!tpu.dma_semaphore, #tpu.memory_space<semaphore_mem>>) src(%dma_wait3A_1026 : memref<128x128xf32, #tpu.memory_space<vmem>>) dst(%dma_wait3A_1022 : memref<128x128xf32, #tpu.memory_space<hbm>>)
      } else {
      }
      %add3A_938 = arith.constant 3 : i32
      %add3A_939 = arith.addi %add3A_914, %add3A_938 : i32
      %lt3A_940 = arith.constant 200 : i32
      %lt3A_941 = arith.cmpi slt, %add3A_939, %lt3A_940 : i32
      %convert_element_type3A_942 = arith.extui %lt3A_941 : i1 to i32
      %cond3A_943 = arith.constant 0 : i32
      %cond3A_944 = arith.cmpi ne, %convert_element_type3A_942, %cond3A_943 : i32
      scf.if %cond3A_944 {
        %add3A_1011 = arith.constant 3 : i32
        %add3A_1012 = arith.addi %add3A_914, %add3A_1011 : i32
        %dma_start3A_1013 = arith.constant 1 : i32
        %dma_start3A_1014 = arith.constant 0 : i32
        %dma_start3A_1015 = arith.constant 0 : i32
        %dma_start3A_1016 = tpu.memref_slice %arg6[%dma_start3A_1013, %dma_start3A_1014, %dma_start3A_1015] : memref<5x128x128xf32, #tpu.memory_space<vmem>> -> memref<1x128x128xf32, #tpu.memory_space<vmem>>
        %dma_start3A_1017 = tpu.memref_squeeze %dma_start3A_1016 : memref<1x128x128xf32, #tpu.memory_space<vmem>> -> memref<128x128xf32, #tpu.memory_space<vmem>>
        %dma_start3A_1018 = arith.constant 0 : i32
        %dma_start3A_1019 = tpu.memref_slice %arg5[%add3A_1012, %dma_start3A_1018] : memref<200x128xi32, #tpu.memory_space<vmem>> -> memref<1x128xi32, #tpu.memory_space<vmem>>
        %dma_start3A_1020 = tpu.memref_squeeze %dma_start3A_1019 : memref<1x128xi32, #tpu.memory_space<vmem>> -> memref<128xi32, #tpu.memory_space<vmem>>
        %dma_start3A_1021 = arith.constant 0 : i32
        %dma_start3A_1022 = arith.constant 0 : i32
        %dma_start3A_1023 = tpu.memref_slice %arg2[%dma_start3A_1021, %dma_start3A_1022] : memref<100000x128xf32, #tpu.memory_space<hbm>> -> memref<100000x128xf32, #tpu.memory_space<hbm>>
        tpu.enqueue_indirect_dma source(%dma_start3A_1023 : memref<100000x128xf32, #tpu.memory_space<hbm>>) target(%dma_start3A_1017 : memref<128x128xf32, #tpu.memory_space<vmem>>) offsets(%dma_start3A_1020 : memref<128xi32, #tpu.memory_space<vmem>>) semaphore(%arg7 : memref<!tpu.dma_semaphore, #tpu.memory_space<semaphore_mem>>)
      } else {
      }
      %add3A_945 = arith.addi %mul3A_2, %add3A_914 : i32
      %mul3A_946 = arith.constant 128 : i32
      %mul3A_947 = arith.muli %add3A_945, %mul3A_946 : i32
      %dma_start3A_948 = arith.constant 3 : i32
      %dma_start3A_949 = arith.constant 0 : i32
      %dma_start3A_950 = arith.constant 0 : i32
      %dma_start3A_951 = tpu.memref_slice %arg6[%dma_start3A_948, %dma_start3A_949, %dma_start3A_950] : memref<5x128x128xf32, #tpu.memory_space<vmem>> -> memref<1x128x128xf32, #tpu.memory_space<vmem>>
      %dma_start3A_952 = tpu.memref_squeeze %dma_start3A_951 : memref<1x128x128xf32, #tpu.memory_space<vmem>> -> memref<128x128xf32, #tpu.memory_space<vmem>>
      %dma_start3A_953 = arith.constant 0 : i32
      %dma_start3A_954 = tpu.memref_slice %arg4[%mul3A_947, %dma_start3A_953] : memref<819200x128xf32, #tpu.memory_space<hbm>> -> memref<128x128xf32, #tpu.memory_space<hbm>>
      %dma_start3A_955 = arith.constant 0 : i32
      %dma_start3A_956 = tpu.memref_slice %arg4[%mul3A_947, %dma_start3A_955] : memref<819200x128xf32, #tpu.memory_space<hbm>> -> memref<128x128xf32, #tpu.memory_space<hbm>>
      %dma_start3A_957 = arith.constant 0 : i32
      %dma_start3A_958 = arith.constant 0 : i32
      %dma_start3A_959 = tpu.memref_slice %arg6[%dma_start3A_948, %dma_start3A_957, %dma_start3A_958] : memref<5x128x128xf32, #tpu.memory_space<vmem>> -> memref<1x128x128xf32, #tpu.memory_space<vmem>>
      %dma_start3A_960 = tpu.memref_squeeze %dma_start3A_959 : memref<1x128x128xf32, #tpu.memory_space<vmem>> -> memref<128x128xf32, #tpu.memory_space<vmem>>
      tpu.enqueue_dma source(%dma_start3A_960 : memref<128x128xf32, #tpu.memory_space<vmem>>) target(%dma_start3A_956 : memref<128x128xf32, #tpu.memory_space<hbm>>) target_semaphore(%arg8 : memref<!tpu.dma_semaphore, #tpu.memory_space<semaphore_mem>>)
      %mul3A_961 = arith.constant 5 : i32
      %mul3A_962 = arith.muli %scan3A_764, %mul3A_961 : i32
      %add3A_963 = arith.constant 4 : i32
      %add3A_964 = arith.addi %mul3A_962, %add3A_963 : i32
      %add3A_965 = arith.constant 3 : i32
      %add3A_966 = arith.addi %add3A_964, %add3A_965 : i32
      %lt3A_967 = arith.constant 200 : i32
      %lt3A_968 = arith.cmpi slt, %add3A_966, %lt3A_967 : i32
      %convert_element_type3A_969 = arith.extui %lt3A_968 : i1 to i32
      %cond3A_970 = arith.constant 0 : i32
      %cond3A_971 = arith.cmpi ne, %convert_element_type3A_969, %cond3A_970 : i32
      scf.if %cond3A_971 {
        %add3A_1011 = arith.constant 3 : i32
        %add3A_1012 = arith.addi %add3A_964, %add3A_1011 : i32
        %get3A_1013 = arith.index_cast %add3A_1012 : i32 to index
        %get3A_1014 = arith.constant 0 : index
        %get3A_1015 = tpu.vector_load %arg5[%get3A_1013, %get3A_1014] {strides = array<i32>} : memref<200x128xi32, #tpu.memory_space<vmem>>, vector<1x16xi32>,
        %get3A_1016 = vector.shape_cast %get3A_1015 : vector<1x16xi32> to vector<16xi32>
        %eq3A_1017 = arith.constant -1 : i32
        %eq3A_1018 = vector.broadcast %eq3A_1017 : i32 to vector<16xi32>
        %eq3A_1019 = arith.cmpi eq, %get3A_1016, %eq3A_1018 : vector<16xi32>
        %jit3A_1020 = arith.constant 99998 : i32
        %broadcast_in_dim3A_1021 = vector.broadcast %jit3A_1020 : i32 to vector<16xi32>
        %select_n3A_1022 = arith.select %eq3A_1019, %broadcast_in_dim3A_1021, %get3A_1016 : vector<16xi1>, vector<16xi32>
        %eq3A_1023 = arith.constant -2 : i32
        %eq3A_1024 = vector.broadcast %eq3A_1023 : i32 to vector<16xi32>
        %eq3A_1025 = arith.cmpi eq, %select_n3A_1022, %eq3A_1024 : vector<16xi32>
        %jit3A_1026 = arith.constant 99999 : i32
        %broadcast_in_dim3A_1027 = vector.broadcast %jit3A_1026 : i32 to vector<16xi32>
        %select_n3A_1028 = arith.select %eq3A_1025, %broadcast_in_dim3A_1027, %select_n3A_1022 : vector<16xi1>, vector<16xi32>
        %jit3A_1029 = arith.constant 0 : i32
        %jit3A_1030 = arith.constant 99999 : i32
        %max3A_1031 = vector.broadcast %jit3A_1029 : i32 to vector<16xi32>
        %max3A_1032 = arith.maxsi %max3A_1031, %select_n3A_1028 : vector<16xi32>
        %min3A_1033 = vector.broadcast %jit3A_1030 : i32 to vector<16xi32>
        %min3A_1034 = arith.minsi %min3A_1033, %max3A_1032 : vector<16xi32>
        %swap3A_1035 = arith.index_cast %add3A_1012 : i32 to index
        %swap3A_1036 = arith.constant 0 : index
        %swap3A_1037 = tpu.vector_load %arg5[%swap3A_1035, %swap3A_1036] {strides = array<i32>} : memref<200x128xi32, #tpu.memory_space<vmem>>, vector<1x16xi32>,
        %swap3A_1038 = vector.shape_cast %swap3A_1037 : vector<1x16xi32> to vector<16xi32>
        %swap3A_1039 = vector.shape_cast %min3A_1034 : vector<16xi32> to vector<1x16xi32>
        tpu.vector_store %arg5[%swap3A_1035, %swap3A_1036], %swap3A_1039 {strides = array<i32>} : memref<200x128xi32, #tpu.memory_space<vmem>>, vector<1x16xi32>,
        %get3A_1040 = arith.index_cast %add3A_1012 : i32 to index
        %get3A_1041 = arith.constant 16 : index
        %get3A_1042 = tpu.vector_load %arg5[%get3A_1040, %get3A_1041] {strides = array<i32>} : memref<200x128xi32, #tpu.memory_space<vmem>>, vector<1x16xi32>,
        %get3A_1043 = vector.shape_cast %get3A_1042 : vector<1x16xi32> to vector<16xi32>
        %eq3A_1044 = arith.constant -1 : i32
        %eq3A_1045 = vector.broadcast %eq3A_1044 : i32 to vector<16xi32>
        %eq3A_1046 = arith.cmpi eq, %get3A_1043, %eq3A_1045 : vector<16xi32>
        %jit3A_1047 = arith.constant 99998 : i32
        %broadcast_in_dim3A_1048 = vector.broadcast %jit3A_1047 : i32 to vector<16xi32>
        %select_n3A_1049 = arith.select %eq3A_1046, %broadcast_in_dim3A_1048, %get3A_1043 : vector<16xi1>, vector<16xi32>
        %eq3A_1050 = arith.constant -2 : i32
        %eq3A_1051 = vector.broadcast %eq3A_1050 : i32 to vector<16xi32>
        %eq3A_1052 = arith.cmpi eq, %select_n3A_1049, %eq3A_1051 : vector<16xi32>
        %jit3A_1053 = arith.constant 99999 : i32
        %broadcast_in_dim3A_1054 = vector.broadcast %jit3A_1053 : i32 to vector<16xi32>
        %select_n3A_1055 = arith.select %eq3A_1052, %broadcast_in_dim3A_1054, %select_n3A_1049 : vector<16xi1>, vector<16xi32>
        %jit3A_1056 = arith.constant 0 : i32
        %jit3A_1057 = arith.constant 99999 : i32
        %max3A_1058 = vector.broadcast %jit3A_1056 : i32 to vector<16xi32>
        %max3A_1059 = arith.maxsi %max3A_1058, %select_n3A_1055 : vector<16xi32>
        %min3A_1060 = vector.broadcast %jit3A_1057 : i32 to vector<16xi32>
        %min3A_1061 = arith.minsi %min3A_1060, %max3A_1059 : vector<16xi32>
        %swap3A_1062 = arith.index_cast %add3A_1012 : i32 to index
        %swap3A_1063 = arith.constant 16 : index
        %swap3A_1064 = tpu.vector_load %arg5[%swap3A_1062, %swap3A_1063] {strides = array<i32>} : memref<200x128xi32, #tpu.memory_space<vmem>>, vector<1x16xi32>,
        %swap3A_1065 = vector.shape_cast %swap3A_1064 : vector<1x16xi32> to vector<16xi32>
        %swap3A_1066 = vector.shape_cast %min3A_1061 : vector<16xi32> to vector<1x16xi32>
        tpu.vector_store %arg5[%swap3A_1062, %swap3A_1063], %swap3A_1066 {strides = array<i32>} : memref<200x128xi32, #tpu.memory_space<vmem>>, vector<1x16xi32>,
        %get3A_1067 = arith.index_cast %add3A_1012 : i32 to index
        %get3A_1068 = arith.constant 32 : index
        %get3A_1069 = tpu.vector_load %arg5[%get3A_1067, %get3A_1068] {strides = array<i32>} : memref<200x128xi32, #tpu.memory_space<vmem>>, vector<1x16xi32>,
        %get3A_1070 = vector.shape_cast %get3A_1069 : vector<1x16xi32> to vector<16xi32>
        %eq3A_1071 = arith.constant -1 : i32
        %eq3A_1072 = vector.broadcast %eq3A_1071 : i32 to vector<16xi32>
        %eq3A_1073 = arith.cmpi eq, %get3A_1070, %eq3A_1072 : vector<16xi32>
        %jit3A_1074 = arith.constant 99998 : i32
        %broadcast_in_dim3A_1075 = vector.broadcast %jit3A_1074 : i32 to vector<16xi32>
        %select_n3A_1076 = arith.select %eq3A_1073, %broadcast_in_dim3A_1075, %get3A_1070 : vector<16xi1>, vector<16xi32>
        %eq3A_1077 = arith.constant -2 : i32
        %eq3A_1078 = vector.broadcast %eq3A_1077 : i32 to vector<16xi32>
        %eq3A_1079 = arith.cmpi eq, %select_n3A_1076, %eq3A_1078 : vector<16xi32>
        %jit3A_1080 = arith.constant 99999 : i32
        %broadcast_in_dim3A_1081 = vector.broadcast %jit3A_1080 : i32 to vector<16xi32>
        %select_n3A_1082 = arith.select %eq3A_1079, %broadcast_in_dim3A_1081, %select_n3A_1076 : vector<16xi1>, vector<16xi32>
        %jit3A_1083 = arith.constant 0 : i32
        %jit3A_1084 = arith.constant 99999 : i32
        %max3A_1085 = vector.broadcast %jit3A_1083 : i32 to vector<16xi32>
        %max3A_1086 = arith.maxsi %max3A_1085, %select_n3A_1082 : vector<16xi32>
        %min3A_1087 = vector.broadcast %jit3A_1084 : i32 to vector<16xi32>
        %min3A_1088 = arith.minsi %min3A_1087, %max3A_1086 : vector<16xi32>
        %swap3A_1089 = arith.index_cast %add3A_1012 : i32 to index
        %swap3A_1090 = arith.constant 32 : index
        %swap3A_1091 = tpu.vector_load %arg5[%swap3A_1089, %swap3A_1090] {strides = array<i32>} : memref<200x128xi32, #tpu.memory_space<vmem>>, vector<1x16xi32>,
        %swap3A_1092 = vector.shape_cast %swap3A_1091 : vector<1x16xi32> to vector<16xi32>
        %swap3A_1093 = vector.shape_cast %min3A_1088 : vector<16xi32> to vector<1x16xi32>
        tpu.vector_store %arg5[%swap3A_1089, %swap3A_1090], %swap3A_1093 {strides = array<i32>} : memref<200x128xi32, #tpu.memory_space<vmem>>, vector<1x16xi32>,
        %get3A_1094 = arith.index_cast %add3A_1012 : i32 to index
        %get3A_1095 = arith.constant 48 : index
        %get3A_1096 = tpu.vector_load %arg5[%get3A_1094, %get3A_1095] {strides = array<i32>} : memref<200x128xi32, #tpu.memory_space<vmem>>, vector<1x16xi32>,
        %get3A_1097 = vector.shape_cast %get3A_1096 : vector<1x16xi32> to vector<16xi32>
        %eq3A_1098 = arith.constant -1 : i32
        %eq3A_1099 = vector.broadcast %eq3A_1098 : i32 to vector<16xi32>
        %eq3A_1100 = arith.cmpi eq, %get3A_1097, %eq3A_1099 : vector<16xi32>
        %jit3A_1101 = arith.constant 99998 : i32
        %broadcast_in_dim3A_1102 = vector.broadcast %jit3A_1101 : i32 to vector<16xi32>
        %select_n3A_1103 = arith.select %eq3A_1100, %broadcast_in_dim3A_1102, %get3A_1097 : vector<16xi1>, vector<16xi32>
        %eq3A_1104 = arith.constant -2 : i32
        %eq3A_1105 = vector.broadcast %eq3A_1104 : i32 to vector<16xi32>
        %eq3A_1106 = arith.cmpi eq, %select_n3A_1103, %eq3A_1105 : vector<16xi32>
        %jit3A_1107 = arith.constant 99999 : i32
        %broadcast_in_dim3A_1108 = vector.broadcast %jit3A_1107 : i32 to vector<16xi32>
        %select_n3A_1109 = arith.select %eq3A_1106, %broadcast_in_dim3A_1108, %select_n3A_1103 : vector<16xi1>, vector<16xi32>
        %jit3A_1110 = arith.constant 0 : i32
        %jit3A_1111 = arith.constant 99999 : i32
        %max3A_1112 = vector.broadcast %jit3A_1110 : i32 to vector<16xi32>
        %max3A_1113 = arith.maxsi %max3A_1112, %select_n3A_1109 : vector<16xi32>
        %min3A_1114 = vector.broadcast %jit3A_1111 : i32 to vector<16xi32>
        %min3A_1115 = arith.minsi %min3A_1114, %max3A_1113 : vector<16xi32>
        %swap3A_1116 = arith.index_cast %add3A_1012 : i32 to index
        %swap3A_1117 = arith.constant 48 : index
        %swap3A_1118 = tpu.vector_load %arg5[%swap3A_1116, %swap3A_1117] {strides = array<i32>} : memref<200x128xi32, #tpu.memory_space<vmem>>, vector<1x16xi32>,
        %swap3A_1119 = vector.shape_cast %swap3A_1118 : vector<1x16xi32> to vector<16xi32>
        %swap3A_1120 = vector.shape_cast %min3A_1115 : vector<16xi32> to vector<1x16xi32>
        tpu.vector_store %arg5[%swap3A_1116, %swap3A_1117], %swap3A_1120 {strides = array<i32>} : memref<200x128xi32, #tpu.memory_space<vmem>>, vector<1x16xi32>,
        %get3A_1121 = arith.index_cast %add3A_1012 : i32 to index
        %get3A_1122 = arith.constant 64 : index
        %get3A_1123 = tpu.vector_load %arg5[%get3A_1121, %get3A_1122] {strides = array<i32>} : memref<200x128xi32, #tpu.memory_space<vmem>>, vector<1x16xi32>,
        %get3A_1124 = vector.shape_cast %get3A_1123 : vector<1x16xi32> to vector<16xi32>
        %eq3A_1125 = arith.constant -1 : i32
        %eq3A_1126 = vector.broadcast %eq3A_1125 : i32 to vector<16xi32>
        %eq3A_1127 = arith.cmpi eq, %get3A_1124, %eq3A_1126 : vector<16xi32>
        %jit3A_1128 = arith.constant 99998 : i32
        %broadcast_in_dim3A_1129 = vector.broadcast %jit3A_1128 : i32 to vector<16xi32>
        %select_n3A_1130 = arith.select %eq3A_1127, %broadcast_in_dim3A_1129, %get3A_1124 : vector<16xi1>, vector<16xi32>
        %eq3A_1131 = arith.constant -2 : i32
        %eq3A_1132 = vector.broadcast %eq3A_1131 : i32 to vector<16xi32>
        %eq3A_1133 = arith.cmpi eq, %select_n3A_1130, %eq3A_1132 : vector<16xi32>
        %jit3A_1134 = arith.constant 99999 : i32
        %broadcast_in_dim3A_1135 = vector.broadcast %jit3A_1134 : i32 to vector<16xi32>
        %select_n3A_1136 = arith.select %eq3A_1133, %broadcast_in_dim3A_1135, %select_n3A_1130 : vector<16xi1>, vector<16xi32>
        %jit3A_1137 = arith.constant 0 : i32
        %jit3A_1138 = arith.constant 99999 : i32
        %max3A_1139 = vector.broadcast %jit3A_1137 : i32 to vector<16xi32>
        %max3A_1140 = arith.maxsi %max3A_1139, %select_n3A_1136 : vector<16xi32>
        %min3A_1141 = vector.broadcast %jit3A_1138 : i32 to vector<16xi32>
        %min3A_1142 = arith.minsi %min3A_1141, %max3A_1140 : vector<16xi32>
        %swap3A_1143 = arith.index_cast %add3A_1012 : i32 to index
        %swap3A_1144 = arith.constant 64 : index
        %swap3A_1145 = tpu.vector_load %arg5[%swap3A_1143, %swap3A_1144] {strides = array<i32>} : memref<200x128xi32, #tpu.memory_space<vmem>>, vector<1x16xi32>,
        %swap3A_1146 = vector.shape_cast %swap3A_1145 : vector<1x16xi32> to vector<16xi32>
        %swap3A_1147 = vector.shape_cast %min3A_1142 : vector<16xi32> to vector<1x16xi32>
        tpu.vector_store %arg5[%swap3A_1143, %swap3A_1144], %swap3A_1147 {strides = array<i32>} : memref<200x128xi32, #tpu.memory_space<vmem>>, vector<1x16xi32>,
        %get3A_1148 = arith.index_cast %add3A_1012 : i32 to index
        %get3A_1149 = arith.constant 80 : index
        %get3A_1150 = tpu.vector_load %arg5[%get3A_1148, %get3A_1149] {strides = array<i32>} : memref<200x128xi32, #tpu.memory_space<vmem>>, vector<1x16xi32>,
        %get3A_1151 = vector.shape_cast %get3A_1150 : vector<1x16xi32> to vector<16xi32>
        %eq3A_1152 = arith.constant -1 : i32
        %eq3A_1153 = vector.broadcast %eq3A_1152 : i32 to vector<16xi32>
        %eq3A_1154 = arith.cmpi eq, %get3A_1151, %eq3A_1153 : vector<16xi32>
        %jit3A_1155 = arith.constant 99998 : i32
        %broadcast_in_dim3A_1156 = vector.broadcast %jit3A_1155 : i32 to vector<16xi32>
        %select_n3A_1157 = arith.select %eq3A_1154, %broadcast_in_dim3A_1156, %get3A_1151 : vector<16xi1>, vector<16xi32>
        %eq3A_1158 = arith.constant -2 : i32
        %eq3A_1159 = vector.broadcast %eq3A_1158 : i32 to vector<16xi32>
        %eq3A_1160 = arith.cmpi eq, %select_n3A_1157, %eq3A_1159 : vector<16xi32>
        %jit3A_1161 = arith.constant 99999 : i32
        %broadcast_in_dim3A_1162 = vector.broadcast %jit3A_1161 : i32 to vector<16xi32>
        %select_n3A_1163 = arith.select %eq3A_1160, %broadcast_in_dim3A_1162, %select_n3A_1157 : vector<16xi1>, vector<16xi32>
        %jit3A_1164 = arith.constant 0 : i32
        %jit3A_1165 = arith.constant 99999 : i32
        %max3A_1166 = vector.broadcast %jit3A_1164 : i32 to vector<16xi32>
        %max3A_1167 = arith.maxsi %max3A_1166, %select_n3A_1163 : vector<16xi32>
        %min3A_1168 = vector.broadcast %jit3A_1165 : i32 to vector<16xi32>
        %min3A_1169 = arith.minsi %min3A_1168, %max3A_1167 : vector<16xi32>
        %swap3A_1170 = arith.index_cast %add3A_1012 : i32 to index
        %swap3A_1171 = arith.constant 80 : index
        %swap3A_1172 = tpu.vector_load %arg5[%swap3A_1170, %swap3A_1171] {strides = array<i32>} : memref<200x128xi32, #tpu.memory_space<vmem>>, vector<1x16xi32>,
        %swap3A_1173 = vector.shape_cast %swap3A_1172 : vector<1x16xi32> to vector<16xi32>
        %swap3A_1174 = vector.shape_cast %min3A_1169 : vector<16xi32> to vector<1x16xi32>
        tpu.vector_store %arg5[%swap3A_1170, %swap3A_1171], %swap3A_1174 {strides = array<i32>} : memref<200x128xi32, #tpu.memory_space<vmem>>, vector<1x16xi32>,
        %get3A_1175 = arith.index_cast %add3A_1012 : i32 to index
        %get3A_1176 = arith.constant 96 : index
        %get3A_1177 = tpu.vector_load %arg5[%get3A_1175, %get3A_1176] {strides = array<i32>} : memref<200x128xi32, #tpu.memory_space<vmem>>, vector<1x16xi32>,
        %get3A_1178 = vector.shape_cast %get3A_1177 : vector<1x16xi32> to vector<16xi32>
        %eq3A_1179 = arith.constant -1 : i32
        %eq3A_1180 = vector.broadcast %eq3A_1179 : i32 to vector<16xi32>
        %eq3A_1181 = arith.cmpi eq, %get3A_1178, %eq3A_1180 : vector<16xi32>
        %jit3A_1182 = arith.constant 99998 : i32
        %broadcast_in_dim3A_1183 = vector.broadcast %jit3A_1182 : i32 to vector<16xi32>
        %select_n3A_1184 = arith.select %eq3A_1181, %broadcast_in_dim3A_1183, %get3A_1178 : vector<16xi1>, vector<16xi32>
        %eq3A_1185 = arith.constant -2 : i32
        %eq3A_1186 = vector.broadcast %eq3A_1185 : i32 to vector<16xi32>
        %eq3A_1187 = arith.cmpi eq, %select_n3A_1184, %eq3A_1186 : vector<16xi32>
        %jit3A_1188 = arith.constant 99999 : i32
        %broadcast_in_dim3A_1189 = vector.broadcast %jit3A_1188 : i32 to vector<16xi32>
        %select_n3A_1190 = arith.select %eq3A_1187, %broadcast_in_dim3A_1189, %select_n3A_1184 : vector<16xi1>, vector<16xi32>
        %jit3A_1191 = arith.constant 0 : i32
        %jit3A_1192 = arith.constant 99999 : i32
        %max3A_1193 = vector.broadcast %jit3A_1191 : i32 to vector<16xi32>
        %max3A_1194 = arith.maxsi %max3A_1193, %select_n3A_1190 : vector<16xi32>
        %min3A_1195 = vector.broadcast %jit3A_1192 : i32 to vector<16xi32>
        %min3A_1196 = arith.minsi %min3A_1195, %max3A_1194 : vector<16xi32>
        %swap3A_1197 = arith.index_cast %add3A_1012 : i32 to index
        %swap3A_1198 = arith.constant 96 : index
        %swap3A_1199 = tpu.vector_load %arg5[%swap3A_1197, %swap3A_1198] {strides = array<i32>} : memref<200x128xi32, #tpu.memory_space<vmem>>, vector<1x16xi32>,
        %swap3A_1200 = vector.shape_cast %swap3A_1199 : vector<1x16xi32> to vector<16xi32>
        %swap3A_1201 = vector.shape_cast %min3A_1196 : vector<16xi32> to vector<1x16xi32>
        tpu.vector_store %arg5[%swap3A_1197, %swap3A_1198], %swap3A_1201 {strides = array<i32>} : memref<200x128xi32, #tpu.memory_space<vmem>>, vector<1x16xi32>,
        %get3A_1202 = arith.index_cast %add3A_1012 : i32 to index
        %get3A_1203 = arith.constant 112 : index
        %get3A_1204 = tpu.vector_load %arg5[%get3A_1202, %get3A_1203] {strides = array<i32>} : memref<200x128xi32, #tpu.memory_space<vmem>>, vector<1x16xi32>,
        %get3A_1205 = vector.shape_cast %get3A_1204 : vector<1x16xi32> to vector<16xi32>
        %eq3A_1206 = arith.constant -1 : i32
        %eq3A_1207 = vector.broadcast %eq3A_1206 : i32 to vector<16xi32>
        %eq3A_1208 = arith.cmpi eq, %get3A_1205, %eq3A_1207 : vector<16xi32>
        %jit3A_1209 = arith.constant 99998 : i32
        %broadcast_in_dim3A_1210 = vector.broadcast %jit3A_1209 : i32 to vector<16xi32>
        %select_n3A_1211 = arith.select %eq3A_1208, %broadcast_in_dim3A_1210, %get3A_1205 : vector<16xi1>, vector<16xi32>
        %eq3A_1212 = arith.constant -2 : i32
        %eq3A_1213 = vector.broadcast %eq3A_1212 : i32 to vector<16xi32>
        %eq3A_1214 = arith.cmpi eq, %select_n3A_1211, %eq3A_1213 : vector<16xi32>
        %jit3A_1215 = arith.constant 99999 : i32
        %broadcast_in_dim3A_1216 = vector.broadcast %jit3A_1215 : i32 to vector<16xi32>
        %select_n3A_1217 = arith.select %eq3A_1214, %broadcast_in_dim3A_1216, %select_n3A_1211 : vector<16xi1>, vector<16xi32>
        %jit3A_1218 = arith.constant 0 : i32
        %jit3A_1219 = arith.constant 99999 : i32
        %max3A_1220 = vector.broadcast %jit3A_1218 : i32 to vector<16xi32>
        %max3A_1221 = arith.maxsi %max3A_1220, %select_n3A_1217 : vector<16xi32>
        %min3A_1222 = vector.broadcast %jit3A_1219 : i32 to vector<16xi32>
        %min3A_1223 = arith.minsi %min3A_1222, %max3A_1221 : vector<16xi32>
        %swap3A_1224 = arith.index_cast %add3A_1012 : i32 to index
        %swap3A_1225 = arith.constant 112 : index
        %swap3A_1226 = tpu.vector_load %arg5[%swap3A_1224, %swap3A_1225] {strides = array<i32>} : memref<200x128xi32, #tpu.memory_space<vmem>>, vector<1x16xi32>,
        %swap3A_1227 = vector.shape_cast %swap3A_1226 : vector<1x16xi32> to vector<16xi32>
        %swap3A_1228 = vector.shape_cast %min3A_1223 : vector<16xi32> to vector<1x16xi32>
        tpu.vector_store %arg5[%swap3A_1224, %swap3A_1225], %swap3A_1228 {strides = array<i32>} : memref<200x128xi32, #tpu.memory_space<vmem>>, vector<1x16xi32>,
      } else {
      }
      %dma_wait3A_972 = arith.constant 4 : i32
      %dma_wait3A_973 = arith.constant 0 : i32
      %dma_wait3A_974 = arith.constant 0 : i32
      %dma_wait3A_975 = tpu.memref_slice %arg6[%dma_wait3A_972, %dma_wait3A_973, %dma_wait3A_974] : memref<5x128x128xf32, #tpu.memory_space<vmem>> -> memref<1x128x128xf32, #tpu.memory_space<vmem>>
      %dma_wait3A_976 = tpu.memref_squeeze %dma_wait3A_975 : memref<1x128x128xf32, #tpu.memory_space<vmem>> -> memref<128x128xf32, #tpu.memory_space<vmem>>
      %dma_wait3A_977 = arith.constant 0 : i32
      %dma_wait3A_978 = tpu.memref_slice %arg5[%add3A_964, %dma_wait3A_977] : memref<200x128xi32, #tpu.memory_space<vmem>> -> memref<1x128xi32, #tpu.memory_space<vmem>>
      %dma_wait3A_979 = tpu.memref_squeeze %dma_wait3A_978 : memref<1x128xi32, #tpu.memory_space<vmem>> -> memref<128xi32, #tpu.memory_space<vmem>>
      %dma_wait3A_980 = arith.constant 0 : i32
      %dma_wait3A_981 = arith.constant 0 : i32
      %dma_wait3A_982 = tpu.memref_slice %arg2[%dma_wait3A_980, %dma_wait3A_981] : memref<100000x128xf32, #tpu.memory_space<hbm>> -> memref<100000x128xf32, #tpu.memory_space<hbm>>
      tpu.wait_indirect_dma semaphore(%arg7 : memref<!tpu.dma_semaphore, #tpu.memory_space<semaphore_mem>>) src(%dma_wait3A_982 : memref<100000x128xf32, #tpu.memory_space<hbm>>) dst(%dma_wait3A_976 : memref<128x128xf32, #tpu.memory_space<vmem>>)
      %ge3A_983 = arith.constant 2 : i32
      %ge3A_984 = arith.cmpi sge, %add3A_964, %ge3A_983 : i32
      %convert_element_type3A_985 = arith.extui %ge3A_984 : i1 to i32
      %cond3A_986 = arith.constant 0 : i32
      %cond3A_987 = arith.cmpi ne, %convert_element_type3A_985, %cond3A_986 : i32
      scf.if %cond3A_987 {
        %add3A_1011 = arith.addi %mul3A_2, %add3A_964 : i32
        %mul3A_1012 = arith.constant 128 : i32
        %mul3A_1013 = arith.muli %add3A_1011, %mul3A_1012 : i32
        %dma_wait3A_1014 = arith.constant 2 : i32
        %dma_wait3A_1015 = arith.constant 0 : i32
        %dma_wait3A_1016 = arith.constant 0 : i32
        %dma_wait3A_1017 = tpu.memref_slice %arg6[%dma_wait3A_1014, %dma_wait3A_1015, %dma_wait3A_1016] : memref<5x128x128xf32, #tpu.memory_space<vmem>> -> memref<1x128x128xf32, #tpu.memory_space<vmem>>
        %dma_wait3A_1018 = tpu.memref_squeeze %dma_wait3A_1017 : memref<1x128x128xf32, #tpu.memory_space<vmem>> -> memref<128x128xf32, #tpu.memory_space<vmem>>
        %dma_wait3A_1019 = arith.constant 0 : i32
        %dma_wait3A_1020 = tpu.memref_slice %arg4[%mul3A_1013, %dma_wait3A_1019] : memref<819200x128xf32, #tpu.memory_space<hbm>> -> memref<128x128xf32, #tpu.memory_space<hbm>>
        %dma_wait3A_1021 = arith.constant 0 : i32
        %dma_wait3A_1022 = tpu.memref_slice %arg4[%mul3A_1013, %dma_wait3A_1021] : memref<819200x128xf32, #tpu.memory_space<hbm>> -> memref<128x128xf32, #tpu.memory_space<hbm>>
        %dma_wait3A_1023 = arith.constant 0 : i32
        %dma_wait3A_1024 = arith.constant 0 : i32
        %dma_wait3A_1025 = tpu.memref_slice %arg6[%dma_wait3A_1014, %dma_wait3A_1023, %dma_wait3A_1024] : memref<5x128x128xf32, #tpu.memory_space<vmem>> -> memref<1x128x128xf32, #tpu.memory_space<vmem>>
        %dma_wait3A_1026 = tpu.memref_squeeze %dma_wait3A_1025 : memref<1x128x128xf32, #tpu.memory_space<vmem>> -> memref<128x128xf32, #tpu.memory_space<vmem>>
        tpu.wait_dma2 semaphore(%arg8 : memref<!tpu.dma_semaphore, #tpu.memory_space<semaphore_mem>>) src(%dma_wait3A_1026 : memref<128x128xf32, #tpu.memory_space<vmem>>) dst(%dma_wait3A_1022 : memref<128x128xf32, #tpu.memory_space<hbm>>)
      } else {
      }
      %add3A_988 = arith.constant 3 : i32
      %add3A_989 = arith.addi %add3A_964, %add3A_988 : i32
      %lt3A_990 = arith.constant 200 : i32
      %lt3A_991 = arith.cmpi slt, %add3A_989, %lt3A_990 : i32
      %convert_element_type3A_992 = arith.extui %lt3A_991 : i1 to i32
      %cond3A_993 = arith.constant 0 : i32
      %cond3A_994 = arith.cmpi ne, %convert_element_type3A_992, %cond3A_993 : i32
      scf.if %cond3A_994 {
        %add3A_1011 = arith.constant 3 : i32
        %add3A_1012 = arith.addi %add3A_964, %add3A_1011 : i32
        %dma_start3A_1013 = arith.constant 2 : i32
        %dma_start3A_1014 = arith.constant 0 : i32
        %dma_start3A_1015 = arith.constant 0 : i32
        %dma_start3A_1016 = tpu.memref_slice %arg6[%dma_start3A_1013, %dma_start3A_1014, %dma_start3A_1015] : memref<5x128x128xf32, #tpu.memory_space<vmem>> -> memref<1x128x128xf32, #tpu.memory_space<vmem>>
        %dma_start3A_1017 = tpu.memref_squeeze %dma_start3A_1016 : memref<1x128x128xf32, #tpu.memory_space<vmem>> -> memref<128x128xf32, #tpu.memory_space<vmem>>
        %dma_start3A_1018 = arith.constant 0 : i32
        %dma_start3A_1019 = tpu.memref_slice %arg5[%add3A_1012, %dma_start3A_1018] : memref<200x128xi32, #tpu.memory_space<vmem>> -> memref<1x128xi32, #tpu.memory_space<vmem>>
        %dma_start3A_1020 = tpu.memref_squeeze %dma_start3A_1019 : memref<1x128xi32, #tpu.memory_space<vmem>> -> memref<128xi32, #tpu.memory_space<vmem>>
        %dma_start3A_1021 = arith.constant 0 : i32
        %dma_start3A_1022 = arith.constant 0 : i32
        %dma_start3A_1023 = tpu.memref_slice %arg2[%dma_start3A_1021, %dma_start3A_1022] : memref<100000x128xf32, #tpu.memory_space<hbm>> -> memref<100000x128xf32, #tpu.memory_space<hbm>>
        tpu.enqueue_indirect_dma source(%dma_start3A_1023 : memref<100000x128xf32, #tpu.memory_space<hbm>>) target(%dma_start3A_1017 : memref<128x128xf32, #tpu.memory_space<vmem>>) offsets(%dma_start3A_1020 : memref<128xi32, #tpu.memory_space<vmem>>) semaphore(%arg7 : memref<!tpu.dma_semaphore, #tpu.memory_space<semaphore_mem>>)
      } else {
      }
      %add3A_995 = arith.addi %mul3A_2, %add3A_964 : i32
      %mul3A_996 = arith.constant 128 : i32
      %mul3A_997 = arith.muli %add3A_995, %mul3A_996 : i32
      %dma_start3A_998 = arith.constant 4 : i32
      %dma_start3A_999 = arith.constant 0 : i32
      %dma_start3A_1000 = arith.constant 0 : i32
      %dma_start3A_1001 = tpu.memref_slice %arg6[%dma_start3A_998, %dma_start3A_999, %dma_start3A_1000] : memref<5x128x128xf32, #tpu.memory_space<vmem>> -> memref<1x128x128xf32, #tpu.memory_space<vmem>>
      %dma_start3A_1002 = tpu.memref_squeeze %dma_start3A_1001 : memref<1x128x128xf32, #tpu.memory_space<vmem>> -> memref<128x128xf32, #tpu.memory_space<vmem>>
      %dma_start3A_1003 = arith.constant 0 : i32
      %dma_start3A_1004 = tpu.memref_slice %arg4[%mul3A_997, %dma_start3A_1003] : memref<819200x128xf32, #tpu.memory_space<hbm>> -> memref<128x128xf32, #tpu.memory_space<hbm>>
      %dma_start3A_1005 = arith.constant 0 : i32
      %dma_start3A_1006 = tpu.memref_slice %arg4[%mul3A_997, %dma_start3A_1005] : memref<819200x128xf32, #tpu.memory_space<hbm>> -> memref<128x128xf32, #tpu.memory_space<hbm>>
      %dma_start3A_1007 = arith.constant 0 : i32
      %dma_start3A_1008 = arith.constant 0 : i32
      %dma_start3A_1009 = tpu.memref_slice %arg6[%dma_start3A_998, %dma_start3A_1007, %dma_start3A_1008] : memref<5x128x128xf32, #tpu.memory_space<vmem>> -> memref<1x128x128xf32, #tpu.memory_space<vmem>>
      %dma_start3A_1010 = tpu.memref_squeeze %dma_start3A_1009 : memref<1x128x128xf32, #tpu.memory_space<vmem>> -> memref<128x128xf32, #tpu.memory_space<vmem>>
      tpu.enqueue_dma source(%dma_start3A_1010 : memref<128x128xf32, #tpu.memory_space<vmem>>) target(%dma_start3A_1006 : memref<128x128xf32, #tpu.memory_space<hbm>>) target_semaphore(%arg8 : memref<!tpu.dma_semaphore, #tpu.memory_space<semaphore_mem>>)
    }
    %scan3A_730 = arith.constant 40 : i32
    %add3A_731 = arith.constant 198 : i32
    %add3A_732 = arith.addi %mul3A_2, %add3A_731 : i32
    %mul3A_733 = arith.constant 128 : i32
    %mul3A_734 = arith.muli %add3A_732, %mul3A_733 : i32
    %dma_wait3A = arith.constant 3 : i32
    %dma_wait3A_735 = arith.constant 0 : i32
    %dma_wait3A_736 = arith.constant 0 : i32
    %dma_wait3A_737 = tpu.memref_slice %arg6[%dma_wait3A, %dma_wait3A_735, %dma_wait3A_736] : memref<5x128x128xf32, #tpu.memory_space<vmem>> -> memref<1x128x128xf32, #tpu.memory_space<vmem>>
    %dma_wait3A_738 = tpu.memref_squeeze %dma_wait3A_737 : memref<1x128x128xf32, #tpu.memory_space<vmem>> -> memref<128x128xf32, #tpu.memory_space<vmem>>
    %dma_wait3A_739 = arith.constant 0 : i32
    %dma_wait3A_740 = tpu.memref_slice %arg4[%mul3A_734, %dma_wait3A_739] : memref<819200x128xf32, #tpu.memory_space<hbm>> -> memref<128x128xf32, #tpu.memory_space<hbm>>
    %dma_wait3A_741 = arith.constant 0 : i32
    %dma_wait3A_742 = tpu.memref_slice %arg4[%mul3A_734, %dma_wait3A_741] : memref<819200x128xf32, #tpu.memory_space<hbm>> -> memref<128x128xf32, #tpu.memory_space<hbm>>
    %dma_wait3A_743 = arith.constant 0 : i32
    %dma_wait3A_744 = arith.constant 0 : i32
    %dma_wait3A_745 = tpu.memref_slice %arg6[%dma_wait3A, %dma_wait3A_743, %dma_wait3A_744] : memref<5x128x128xf32, #tpu.memory_space<vmem>> -> memref<1x128x128xf32, #tpu.memory_space<vmem>>
    %dma_wait3A_746 = tpu.memref_squeeze %dma_wait3A_745 : memref<1x128x128xf32, #tpu.memory_space<vmem>> -> memref<128x128xf32, #tpu.memory_space<vmem>>
    tpu.wait_dma2 semaphore(%arg8 : memref<!tpu.dma_semaphore, #tpu.memory_space<semaphore_mem>>) src(%dma_wait3A_746 : memref<128x128xf32, #tpu.memory_space<vmem>>) dst(%dma_wait3A_742 : memref<128x128xf32, #tpu.memory_space<hbm>>)
    %add3A_747 = arith.constant 199 : i32
    %add3A_748 = arith.addi %mul3A_2, %add3A_747 : i32
    %mul3A_749 = arith.constant 128 : i32
    %mul3A_750 = arith.muli %add3A_748, %mul3A_749 : i32
    %dma_wait3A_751 = arith.constant 4 : i32
    %dma_wait3A_752 = arith.constant 0 : i32
    %dma_wait3A_753 = arith.constant 0 : i32
    %dma_wait3A_754 = tpu.memref_slice %arg6[%dma_wait3A_751, %dma_wait3A_752, %dma_wait3A_753] : memref<5x128x128xf32, #tpu.memory_space<vmem>> -> memref<1x128x128xf32, #tpu.memory_space<vmem>>
    %dma_wait3A_755 = tpu.memref_squeeze %dma_wait3A_754 : memref<1x128x128xf32, #tpu.memory_space<vmem>> -> memref<128x128xf32, #tpu.memory_space<vmem>>
    %dma_wait3A_756 = arith.constant 0 : i32
    %dma_wait3A_757 = tpu.memref_slice %arg4[%mul3A_750, %dma_wait3A_756] : memref<819200x128xf32, #tpu.memory_space<hbm>> -> memref<128x128xf32, #tpu.memory_space<hbm>>
    %dma_wait3A_758 = arith.constant 0 : i32
    %dma_wait3A_759 = tpu.memref_slice %arg4[%mul3A_750, %dma_wait3A_758] : memref<819200x128xf32, #tpu.memory_space<hbm>> -> memref<128x128xf32, #tpu.memory_space<hbm>>
    %dma_wait3A_760 = arith.constant 0 : i32
    %dma_wait3A_761 = arith.constant 0 : i32
    %dma_wait3A_762 = tpu.memref_slice %arg6[%dma_wait3A_751, %dma_wait3A_760, %dma_wait3A_761] : memref<5x128x128xf32, #tpu.memory_space<vmem>> -> memref<1x128x128xf32, #tpu.memory_space<vmem>>
    %dma_wait3A_763 = tpu.memref_squeeze %dma_wait3A_762 : memref<1x128x128xf32, #tpu.memory_space<vmem>> -> memref<128x128xf32, #tpu.memory_space<vmem>>
    tpu.wait_dma2 semaphore(%arg8 : memref<!tpu.dma_semaphore, #tpu.memory_space<semaphore_mem>>) src(%dma_wait3A_763 : memref<128x128xf32, #tpu.memory_space<vmem>>) dst(%dma_wait3A_759 : memref<128x128xf32, #tpu.memory_space<hbm>>)
    return
  }
}

module attributes {stable_mosaic.version = 14 : i64} {
  func.func @body(%arg0: i32, %arg1: memref<10000x64xf32, #tpu.memory_space<vmem>>, %arg2: memref<64x128xf32, #tpu.memory_space<vmem>>, %arg3: memref<1x128xf32, #tpu.memory_space<vmem>>, %arg4: memref<10000x128xf32, #tpu.memory_space<vmem>>) attributes {dimension_semantics = [#tpu.dimension_semantics<arbitrary>], iteration_bounds = array<i64: 10>, scalar_prefetch = 0 : i64, scratch_operands = 0 : i64, tpu.core_type = #tpu.core_type<tc>, window_params = [{transform_indices = @transform_0, window_bounds = array<i64: 10000, 64>}, {pipeline_mode = #tpu.pipeline_mode<synchronous>, transform_indices = @transform_1, window_bounds = array<i64: 64, 128>}, {pipeline_mode = #tpu.pipeline_mode<synchronous>, transform_indices = @transform_2, window_bounds = array<i64: 1, 128>}, {transform_indices = @transform_3, window_bounds = array<i64: 10000, 128>}]} {
    %get3A = arith.constant 0 : index
    %get3A_0 = arith.constant 0 : index
    %get3A_1 = vector.load %arg1[%get3A, %get3A_0] : memref<10000x64xf32, #tpu.memory_space<vmem>>, vector<10000x64xf32>
    %get3A_2 = arith.constant 0 : index
    %get3A_3 = arith.constant 0 : index
    %get3A_4 = vector.load %arg2[%get3A_2, %get3A_3] : memref<64x128xf32, #tpu.memory_space<vmem>>, vector<64x128xf32>
    %dot_general3A = arith.constant dense<0.000000e+00> : vector<10000x128xf32>
    %dot_general3A_5 = tpu.matmul %get3A_1, %get3A_4, %dot_general3A {dimension_numbers = #tpu.dot_dimension_numbers<[1], [0], [0], [1], [0, 0, 1, 1], [], []>, transpose_lhs_hint = false} : vector<10000x64xf32>, vector<64x128xf32>, vector<10000x128xf32> -> vector<10000x128xf32>
    %get3A_6 = arith.constant 0 : index
    %get3A_7 = arith.constant 0 : index
    %get3A_8 = vector.load %arg3[%get3A_6, %get3A_7] : memref<1x128xf32, #tpu.memory_space<vmem>>, vector<1x128xf32>
    %add3A = vector.broadcast %get3A_8 : vector<1x128xf32> to vector<10000x128xf32>
    %add3A_9 = arith.addf %dot_general3A_5, %add3A : vector<10000x128xf32>
    %swap3A = arith.constant 0 : index
    %swap3A_10 = arith.constant 0 : index
    %swap3A_11 = vector.load %arg4[%swap3A, %swap3A_10] : memref<10000x128xf32, #tpu.memory_space<vmem>>, vector<10000x128xf32>
    tpu.vector_store %arg4[%swap3A, %swap3A_10], %add3A_9 {strides = array<i32>} : memref<10000x128xf32, #tpu.memory_space<vmem>>, vector<10000x128xf32>,
    return
  }
  func.func @transform_0(%arg0: i32) -> (i32, i32) {
    %c0_i32 = arith.constant 0 : i32
    %c0_i32_0 = arith.constant 0 : i32
    return %arg0, %c0_i32 : i32, i32
  }
  func.func @transform_1(%arg0: i32) -> (i32, i32) {
    %c0_i32 = arith.constant 0 : i32
    %c0_i32_0 = arith.constant 0 : i32
    %c0_i32_1 = arith.constant 0 : i32
    return %c0_i32, %c0_i32_0 : i32, i32
  }
  func.func @transform_2(%arg0: i32) -> (i32, i32) {
    %c0_i32 = arith.constant 0 : i32
    %c0_i32_0 = arith.constant 0 : i32
    %c0_i32_1 = arith.constant 0 : i32
    return %c0_i32, %c0_i32_0 : i32, i32
  }
  func.func @transform_3(%arg0: i32) -> (i32, i32) {
    %c0_i32 = arith.constant 0 : i32
    %c0_i32_0 = arith.constant 0 : i32
    return %arg0, %c0_i32 : i32, i32
  }
}

</mosaic_0001>

<sc_bundles>
// kernel: kernel.4.cloned.1.call-start
scs
__scs_entry_jumppad:
0x0: {  	(pc) =	sbr.rel $0x88, $3  }
0x1: {  	(tag) =	ssettag $0x0;
	lr =	simm.s32 $0x1  }
0x2: {  	[smem:$0x3F9D] =	sst lr;
	_ =	strace $0xD0000000  }
0x3: {  	_ = 	snop  }
0x4: {  	_ = 	snop  }
0x5: {  	_ = 	snop  }
0x6: {  	_ = 	snop  }
0x7: {  	_ = 	snop  }
__scs_overlays_trampoline_lowered:
0x8: {  	[smem:$0x3FAC] =	sst s0  }
0x9: {  	[smem:$0x3FAD] =	sst s1  }
0xa: {  	[smem:$0x3FAE] =	sst s2  }
0xb: {  	[smem:$0x3FAF] =	sst s3  }
0xc: {  	[smem:$0x3FB0] =	sst s4  }
0xd: {  	[smem:$0x3FB1] =	sst s5  }
0xe: {  	[smem:$0x3FB2] =	sst s6  }
0xf: {  	[smem:$0x3FB3] =	sst s7  }
0x10: {  	[smem:$0x3FB4] =	sst s8  }
0x11: {  	[smem:$0x3FB5] =	sst s9;
	s0 =	simm.s32 @!p0 $0x0  }
0x12: {  	s1 =	sld [smem:$0x3F9B];
	s0 =	simm.s32 @p0 $0x1  }
0x13: {  	[smem:$0x3FB6] =	sst s0;
	s0 =	simm.s32 @!p1 $0x0  }
0x14: {  	s2 =	sld [smem:$0x3F9A];
	s0 =	simm.s32 @p1 $0x1  }
0x15: {  	[smem:$0x3FB7] =	sst s0;
	s0 =	simm.s32 @!p2 $0x0  }
0x16: {  	s3 =	sld [smem:$0x3FDB];
	s0 =	simm.s32 @p2 $0x1  }
0x17: {  	s4 =	simm.s32 $0x1BF5;
	[smem:$0x3FB9] =	sst s0  }
0x18: {  	s0 =	sld [smem:$0x3F9C];
	_ =	swait.ge [sflag:s4], $0x0  }
0x19: {  	s7 =	sld [smem:$0x3F9D]  }
0x1a: {  	s8 =	sadd.s32 $0xFFFFE003, lr  }
0x1b: {  	s9 =	sadd.s32 $0xFFFFFEF7, lr;
	s5 =	simm.s32 $0xFFFFFFFF;
	p2 =	slt.u32 s8, $0xFFFFF086  }
0x1c: {  	p1 =	slt.u32 s9, $0xF7A;
	s5 =	simm.s32 @!p2 $0x0  }
0x1d: {  	s5 =	simm.s32 @p1 $0x1;
	p0 =	seq.s32 s7, s2  }
0x1e: {  	s7 =	smul.u32 @!p0 $0xF7A, s2;
	p2 =	seq.s32 @!p0 s5, $0x0  }
0x1f: {  	s9 =	smul.u32 $0xF7A, s1;
	s8 =	simm.s32 @!p0 $0x1BF5;
	p2 =	por !p2, p0  }
0x20: {  	[sflag:s8] =	ssyncset.s32 @!p0 $0xFFFFF086;
	s6 =	sadd.s32 @!p0 s3, s7;
	s7 =	simm.s32 @!p0 $0x108  }
0x21: {  	s3 =	sadd.s32 s3, s9;
	s6 =	sadd.s32 @!p0 $0x88, s6;
	s7 =	simm.s32 @p2 $0x1082  }
0x22: {  	[simem:s7], [sflag:s8] =	dma.local @!p0 [hbm:s6], $0xF7A  }
0x23: {  	s9 =	sor.u32 $0xD0000000, s2;
	s6 =	simm.s32 $0x108;
	_ =	swait.ge @!p0 [sflag:s8], $0x0  }
0x24: {  	s3 =	sadd.s32 $0x88, s3;
	s6 =	simm.s32 @!p1 $0x1082;
	[sflag:s4] =	ssyncset.s32 $0xFFFFF086  }
0x25: {  	[simem:s6], [sflag:s4] =	dma.local [hbm:s3], $0xF7A  }
0x26: {  	[smem:$0x3F9D] =	sst s1;
	(tag) =	ssettag s2;
	_ =	strace s9  }
0x27: {  	s1 =	sld [smem:$0x3FAD]  }
0x28: {  	s2 =	sld [smem:$0x3FAE]  }
0x29: {  	s4 =	sld [smem:$0x3FB0]  }
0x2a: {  	p0 =	seq.s32 s5, $0x0;
	s5 =	sld [smem:$0x3FB1]  }
0x2b: {  	s6 =	sld [smem:$0x3FB2]  }
0x2c: {  	s7 =	sld [smem:$0x3FB3]  }
0x2d: {  	s3 =	simm.s32 $0x108;
	s8 =	sld [smem:$0x3FB4]  }
0x2e: {  	s3 =	simm.s32 @!p0 $0x1082;
	s9 =	sld [smem:$0x3FB5]  }
0x2f: {  	lr =	sadd.s32 s0, s3;
	s0 =	sld [smem:$0x3FAC]  }
0x30: {  	s3 =	sld [smem:$0x3FAF]  }
0x31: {  	[smem:$0x3FB8] =	sst s10  }
0x32: {  	s10 =	sld [smem:$0x3FB6];
	_ =	sdelay $0x3  }
0x33: {  	p0 =	seq.s32 s10, $0x1;
	s10 =	sld [smem:$0x3FB8];
	_ =	sdelay $0x3  }
0x34: {  	[smem:$0x3FB8] =	sst s10  }
0x35: {  	s10 =	sld [smem:$0x3FB7];
	_ =	sdelay $0x3  }
0x36: {  	p1 =	seq.s32 s10, $0x1;
	s10 =	sld [smem:$0x3FB8];
	_ =	sdelay $0x3  }
0x37: {  	[smem:$0x3FB8] =	sst s10  }
0x38: {  	s10 =	sld [smem:$0x3FB9]  }
0x39: {  	_ = 	snop;
	(pc) =	sbr.ind lr, $3  }
0x3a: {  	_ = 	snop  }
0x3b: {  	_ = 	snop  }
0x3c: {  	p2 =	seq.s32 s10, $0x1;
	s10 =	sld [smem:$0x3FB8]  }
0x3d: {  	_ =	shalt  }
0x3e: {  	_ =	shalt  }
0x3f: {  	_ =	shalt  }
0x40: {  	_ =	shalt  }
0x41: {  	_ =	shalt  }
0x42: {  	_ =	shalt  }
0x43: {  	_ =	shalt  }
0x44: {  	_ =	shalt  }
0x45: {  	_ =	shalt  }
0x46: {  	_ =	shalt  }
0x47: {  	_ =	shalt  }
0x48: {  	_ =	shalt  }
0x49: {  	_ =	shalt  }
0x4a: {  	_ =	shalt  }
0x4b: {  	_ =	shalt  }
0x4c: {  	_ =	shalt  }
0x4d: {  	_ =	shalt  }
0x4e: {  	_ =	shalt  }
0x4f: {  	_ =	shalt  }
0x50: {  	_ =	shalt  }
0x51: {  	_ =	shalt  }
0x52: {  	_ =	shalt  }
0x53: {  	_ =	shalt  }
0x54: {  	_ =	shalt  }
0x55: {  	_ =	shalt  }
0x56: {  	_ =	shalt  }
0x57: {  	_ =	shalt  }
0x58: {  	_ =	shalt  }
0x59: {  	_ =	shalt  }
0x5a: {  	_ =	shalt  }
0x5b: {  	_ =	shalt  }
0x5c: {  	_ =	shalt  }
0x5d: {  	_ =	shalt  }
0x5e: {  	_ =	shalt  }
0x5f: {  	_ =	shalt  }
0x60: {  	_ =	shalt  }
0x61: {  	_ =	shalt  }
0x62: {  	_ =	shalt  }
0x63: {  	_ =	shalt  }
0x64: {  	_ =	shalt  }
0x65: {  	_ =	shalt  }
0x66: {  	_ =	shalt  }
0x67: {  	_ =	shalt  }
0x68: {  	_ =	shalt  }
0x69: {  	_ =	shalt  }
0x6a: {  	_ =	shalt  }
0x6b: {  	_ =	shalt  }
0x6c: {  	_ =	shalt  }
0x6d: {  	_ =	shalt  }
0x6e: {  	_ =	shalt  }
0x6f: {  	_ =	shalt  }
0x70: {  	_ =	shalt  }
0x71: {  	_ =	shalt  }
0x72: {  	_ =	shalt  }
0x73: {  	_ =	shalt  }
0x74: {  	_ =	shalt  }
0x75: {  	_ =	shalt  }
0x76: {  	_ =	shalt  }
0x77: {  	_ =	shalt  }
0x78: {  	_ =	shalt  }
0x79: {  	_ =	shalt  }
0x7a: {  	_ =	shalt  }
0x7b: {  	_ =	shalt  }
0x7c: {  	_ =	shalt  }
0x7d: {  	_ =	shalt  }
0x7e: {  	_ =	shalt  }
0x7f: {  	_ =	shalt  }
0x80: {  	_ =	shalt  }
0x81: {  	_ =	shalt  }
0x82: {  	_ =	shalt  }
0x83: {  	_ =	shalt  }
0x84: {  	_ =	shalt  }
0x85: {  	_ =	shalt  }
0x86: {  	_ =	shalt  }
0x87: {  	_ =	shalt  }
.Lfunc_end0:
.L_simem_size_0:
called_computation_lowered:
.L_overlay_start_0:
0x88: {  	s2 =	sld [smem:$0x3FD9]  }
0x89: {  	s3 =	sld [smem:$0x3FFE];
	_ =	sdelay $0x1  }
0x8a: {  	s1 =	srdreg.scid  }
0x8b: {  	s0 =	sand.u32 $0x1, s1  }
0x8c: {  	s17 =	sshll.u32 s0, $0xA;
	s2 =	sadd.s32 s3, s2  }
0x8d: {  	s2 =	sadd.s32 s2, s17  }
0x8e: {  	[smem:$0x3FC4] =	sst s2  }
0x8f: {  	_ = 	snop  }
0x90: {  	s2 =	sld [smem:$0x3FD0];
	(tm) =	ssettm $0x1  }
0x91: {  	s18 =	sld [smem:$0x3FFB];
	_ =	sdelay $0x3  }
0x92: {  	_ =	strace s18  }
0x93: {  	s3 =	sld [smem:$0x3FFC];
	_ =	sdelay $0x3  }
0x94: {  	_ =	strace s3  }
0x95: {  	s3 =	sld [smem:$0x3FFD];
	_ =	sdelay $0x3  }
0x96: {  	_ =	strace s3  }
0x97: {  	_ =	strace $0x8FFFFFFF  }
0x98: {  	s19 =	sld [smem:$0x3FDB];
	_ =	sdelay $0x1  }
0x99: {  	s4 =	simm.s32 $_scs_section_size  }
0x9a: {  	s5 =	simm.s32 $_size__tile_overlayer_lowered;
	s6 =	simm.s32 $_tile_overlayer_lowered  }
0x9b: {  	s22 =	simm.s32 $0x1BFF;
	s21 =	sshll.u32 s6, $0x1;
	s3 =	sadd.s32 s4, s19  }
0x9c: {  	s7 =	simm.s32 $0x0;
	s20 =	sshll.u32 s5, $0x1;
	s5 =	sadd.s32 s21, s3  }
0x9d: {  	[timem:s7], [sflag:s22] =	dma.local [hbm:s5], s20  }
0x9e: {  	_ =	swait.ge [sflag:s22], s20  }
0x9f: {  	s4 =	ssub.s32 $0x0, s20;
	[sflag:s22] =	ssyncset.done $0x0  }
0xa0: {  	[sflag:s22] =	ssyncadd.s32 s4;
	_ =	sdelay $0x1  }
0xa1: {  	s23 =	simm.s32 $0x1B8B  }
0xa2: {  	_ =	swait.ge [sflag:s23], $0x1  }
0xa3: {  	[sflag:s23] =	ssyncset.done $0x0  }
0xa4: {  	s25 =	simm.s32 $0x1B8E;
	s24 =	sld [smem:$0x3FFE];
	[sflag:s23] =	ssyncadd.s32 $0xFFFFFFFF  }
0xa5: {  	s26 =	simm.s32 $execute0_lowered;
	[smem:$0x3FD2] =	sst s25  }
0xa6: {  	s5 =	sshll.u32 s26, $0x1;
	_ =	strace $0x80000046;
	[dreg:$0x1] =	wrdreg $0xFFFFFFFF  }
0xa7: {  	s28 =	simm.s32 $_size_execute0_lowered;
	s3 =	sadd.s32 s3, s5;
	[dreg:$0x0] =	wrdreg $0x0  }
0xa8: {  	s5 =	sshll.u32 s28, $0x1;
	[dreg:$0x2] =	wrdreg s3  }
0xa9: {  	[dreg:$0x3] =	wrdreg s5  }
0xaa: {  	[dreg:$0x4] =	wrdreg $0xC0  }
0xab: {  	_ =	task [dreg:s7], $0x5FFFF  }
0xac: {  	[dreg:$0x1] =	wrdreg $0xFFFFFFFF  }
0xad: {  	[dreg:$0x0] =	wrdreg $0x60  }
0xae: {  	[dreg:$0x2] =	wrdreg s24  }
0xaf: {  	[dreg:$0x3] =	wrdreg s2  }
0xb0: {  	[dreg:$0x4] =	wrdreg $0x9  }
0xb1: {  	_ =	task.clear_ibuf [dreg:s7], $0x5FFFF;
	_ =	strace $0x90000046  }
0xb2: {  	s29 =	simm.s32 $0x9;
	_ =	strace $0x80000048  }
0xb3: {  	_ =	swait.ge [sflag:s29], $0x1  }
0xb4: {  	[sflag:s29] =	ssyncadd.s32 $0xFFFFFFFF  }
0xb5: {  	_ =	strace $0x90000048  }
0xb6: {  	_ =	sfence  }
0xb7: {  	s30 =	sld [smem:$0x0];
	_ =	sdelay $0x2  }
0xb8: {  	s31 =	sshll.u32 s1, $0xD;
	s1 =	sshrl.u32 s1, $0x2  }
0xb9: {  	s3 =	sand.u32 $0x4000, s31;
	s1 =	sadd.s32 s1, s30  }
0xba: {  	s0 =	sor.u32 s3, s0;
	s1 =	sshll.u32 s1, $0x11  }
0xbb: {  	s0 =	sor.u32 s1, s0  }
0xbc: {  	s0 =	sadd.s32 $0x8F2B, s0  }
0xbd: {  	[sflag:s0] =	ssyncadd.remote.s32 $0x1  }
0xbe: {  	_ =	sfence.sel $0xFFFF  }
0xbf: {  	[dreg:$0x0] =	wrdreg $0xFFFFFFFF;
	(pc) =	sbr.abs _section_cstart, $3  }
0xc0: {  	[dreg:$0x1] =	wrdreg $0xFFFFFFFF  }
0xc1: {  	_ =	task.clear_ibuf [dreg:s7], $0x2FFFF;
	_ =	strace $0x9FFFFFFF  }
0xc2: {  	(tm) =	ssettm $0x7FFFFFFF  }
0xc3: {  	_ =	shalt  }
tec
execute0_lowered:
.L_overlay_start_1:
0x0: {  	(tag) =	ssettag $0x1  }
0x1: {  	s5 =	rddreg [dreg:$0x0];
	s1 =	srdreg.scid  }
0x2: {  	s0 =	stileid.u32;
	s2 =	rddreg [dreg:$0x1];
	s3 =	simm.s32 $0x0  }
0x3: {  	s12 =	simm.s32 $0xA400;
	s13 =	simm.s32 $0x100;
	s14 =	simm.s32 $0xE400  }
0x4: {  	s15 =	simm.s32 $0x1;
	s16 =	simm.s32 $0x12400;
	s8 =	smul.u32 $0x190, s0  }
0x5: {  	s17 =	simm.s32 $0x16400;
	s6 =	sand.u32 $0x1, s1;
	s11 =	smul.u32 $0xC8000, s0  }
0x6: {  	s18 =	simm.s32 $0x2;
	s4 =	sshll.u32 s0, $0x1;
	s10 =	smul.u32 $0xC8, s6  }
0x7: {  	s1 =	rddreg [dreg:$0x2];
	s4 =	sor.u32 s6, s4;
	s31 =	smul.u32 $0x64000, s6  }
0x8: {  	s19 =	simm.s32 $0x0;
	[smem:$0x7FF] =	sst s3;
	s7 =	smul.u32 $0xC80, s4  }
.Ltmp0:
0x9: {  	_ =	strace $0x80000047;
	s9 =	ssub.s32 $0x2, s6;
	(pc) =	sbr.rel .LBB2_1-.Ltmp0, $4  }
0xa: {  	s4 =	sadd.s32 $0x19800, s5;
	s30 =	sshrl.u32 s9, $0x1;
	s8 =	sadd.s32 s10, s8  }
0xb: {  	s10 =	simm.s32 $0x80;
	s5 =	sadd.s32 s7, s5;
	s7 =	ssub.s32 s9, s30  }
0xc: {  	s9 =	simm.s32 $0x3;
	s5 =	sadd.s32 $0x800, s5;
	s6 =	smax.u32 s7, $0x1  }
0xd: {  	s7 =	sshll.u32 s8, $0xB;
	s8 =	sadd.s32 s31, s11;
	s11 =	simm.s32 $0x6400  }
.LBB2_12:
0xe: {  	s19 =	sadd.s32 $0x1, s19  }
0xf: {  	_ =	swait.ge [sflag:s18], $0x4000;
	p0 =	sne.s32 s19, s6  }
.Ltmp1:
0x10: {  	[sflag:s18] =	ssyncset.done $0x0;
	(pc) =	sbr.rel @!p0 .LBB2_13-.Ltmp1, $4  }
0x11: {  	[sflag:s18] =	ssyncadd.s32 $0xFFFFC000  }
0x12: {  	_ =	swait.ge [sflag:s18], $0x4000  }
0x13: {  	[sflag:s18] =	ssyncset.done $0x0  }
0x14: {  	[sflag:s18] =	ssyncadd.s32 $0xFFFFC000  }
.LBB2_1:
0x15: {  	[tilespmem:s3], [sflag:$0x3] =	stream.linear.gather [hbm4b:s5+s3], $0x6400, $0x38;
	[tilespmem:$0x1A400] =	vst v63  }
0x16: {  	_ =	swait.ge [sflag:s9], $0x6400  }
0x17: {  	[sflag:s9] =	ssyncset.done $0x0  }
0x18: {  	[sflag:s9] =	ssyncadd.s32 $0xFFFF9C00  }
0x19: {  	v0 =	vld [tilespmem:$0x0]  }
0x1a: {  	v1 =	vld [tilespmem:$0x10]  }
0x1b: {  	v2 =	vld [tilespmem:$0x20]  }
0x1c: {  	v3 =	vld [tilespmem:$0x30]  }
0x1d: {  	v5 =	vld [tilespmem:$0x40]  }
0x1e: {  	v60 =	vld [tilespmem:$0x50];
	_ =	sdelay $0x2  }
0x1f: {  	vm0 =	veq.s32 v0, $0xFFFFFFFF  }
0x20: {  	vm4 =	veq.s32 v1, $0xFFFFFFFF;
	vm2 =	veq.s32 v2, $0xFFFFFFFF;
	vm9 =	veq.s32 v3, $0xFFFFFFFF  }
0x21: {  	vm10 =	veq.s32 v5, $0xFFFFFFFF;
	vm14 =	veq.s32 v60, $0xFFFFFFFF;
	v0 =	vsel vm0, $0x1869E, v0  }
0x22: {  	v1 =	vsel vm4, $0x1869E, v1;
	v2 =	vsel vm2, $0x1869E, v2;
	v3 =	vsel vm9, $0x1869E, v3  }
0x23: {  	v5 =	vsel vm10, $0x1869E, v5;
	vm1 =	vgt.s32 v0, $0x0;
	vm0 =	vgt.s32 v1, $0x0  }
0x24: {  	vm5 =	veq.s32 v0, $0xFFFFFFFE;
	vm6 =	veq.s32 v1, $0xFFFFFFFE;
	vm7 =	veq.s32 v2, $0xFFFFFFFE  }
0x25: {  	vm8 =	vgt.s32 v2, $0x0;
	vm2 =	vgt.s32 v3, $0x0;
	vm11 =	vgt.s32 v5, $0x0  }
0x26: {  	vm12 =	veq.s32 v3, $0xFFFFFFFE;
	vm13 =	veq.s32 v5, $0xFFFFFFFE;
	v4 =	vnsel vm1, $0x0, v0  }
0x27: {  	v6 =	vld [tilespmem:$0x60];
	v58 =	vnsel vm0, $0x0, v1;
	v2 =	vnsel vm8, $0x0, v2;
	v7 =	vnsel vm2, $0x0, v3  }
0x28: {  	v8 =	vld [tilespmem:$0x70];
	v62 =	vnsel vm11, $0x0, v5;
	v57 =	vmin.u32 v4, $0x1869F;
	v59 =	vmin.u32 v58, $0x1869F  }
0x29: {  	v2 =	vmin.u32 v2, $0x1869F;
	v61 =	vmin.u32 v7, $0x1869F;
	v63 =	vmin.u32 v62, $0x1869F  }
0x2a: {  	v4 =	vsel vm14, $0x1869E, v60;
	v0 =	vsel vm5, $0x1869F, v57;
	v1 =	vsel vm6, $0x1869F, v59  }
0x2b: {  	v2 =	vsel vm7, $0x1869F, v2;
	v3 =	vsel vm12, $0x1869F, v61;
	v5 =	vsel vm13, $0x1869F, v63  }
0x2c: {  	vm15 =	veq.s32 v4, $0xFFFFFFFE;
	vm4 =	vgt.s32 v4, $0x0;
	vm5 =	veq.s32 v6, $0xFFFFFFFF;
	[tilespmem:$0x0] =	vst v0  }
0x2d: {  	vm6 =	veq.s32 v8, $0xFFFFFFFF;
	[tilespmem:$0x10] =	vst v1;
	v4 =	vnsel vm4, $0x0, v4;
	v6 =	vsel vm5, $0x1869E, v6  }
0x2e: {  	[tilespmem:$0x20] =	vst v2;
	v7 =	vsel vm6, $0x1869E, v8;
	v0 =	vmin.u32 v4, $0x1869F;
	vm2 =	vgt.s32 v6, $0x0  }
0x2f: {  	[tilespmem:$0x30] =	vst v3;
	vm7 =	vgt.s32 v7, $0x0;
	vm8 =	veq.s32 v6, $0xFFFFFFFE;
	v8 =	vnsel vm2, $0x0, v6  }
0x30: {  	[tilespmem:$0x40] =	vst v5;
	v0 =	vsel vm15, $0x1869F, v0;
	v10 =	vnsel vm7, $0x0, v7;
	v9 =	vmin.u32 v8, $0x1869F  }
0x31: {  	vm9 =	veq.s32 v7, $0xFFFFFFFE;
	[tilespmem:$0x50] =	vst v0;
	v12 =	vmin.u32 v10, $0x1869F;
	v11 =	vsel vm8, $0x1869F, v9  }
0x32: {  	v13 =	vsel vm9, $0x1869F, v12;
	[tilespmem:$0x60] =	vst v11  }
0x33: {  	[tilespmem:$0x70] =	vst v13  }
0x34: {  	[tilespmem:s11], [sflag:$0x1] =	stream.indirect.gather [hbm4b:s4+s10], $0x80, s3, s10, $0xb8;
	[tilespmem:$0x1A400] =	vst v63  }
0x35: {  	v14 =	vld [tilespmem:$0x80]  }
0x36: {  	v15 =	vld [tilespmem:$0x90]  }
0x37: {  	v16 =	vld [tilespmem:$0xA0]  }
0x38: {  	v17 =	vld [tilespmem:$0xB0]  }
0x39: {  	v19 =	vld [tilespmem:$0xC0]  }
0x3a: {  	v23 =	vld [tilespmem:$0xD0]  }
0x3b: {  	v26 =	vld [tilespmem:$0xF0]  }
0x3c: {  	vm10 =	veq.s32 v14, $0xFFFFFFFF  }
0x3d: {  	vm11 =	veq.s32 v15, $0xFFFFFFFF;
	vm15 =	veq.s32 v16, $0xFFFFFFFF;
	vm6 =	veq.s32 v17, $0xFFFFFFFF  }
0x3e: {  	vm7 =	veq.s32 v19, $0xFFFFFFFF;
	v0 =	vsel vm10, $0x1869E, v14;
	v1 =	vsel vm11, $0x1869E, v15  }
0x3f: {  	v2 =	vsel vm15, $0x1869E, v16;
	v3 =	vsel vm6, $0x1869E, v17;
	v5 =	vsel vm7, $0x1869E, v19  }
0x40: {  	vm11 =	veq.s32 v23, $0xFFFFFFFF;
	vm15 =	veq.s32 v26, $0xFFFFFFFF;
	vm12 =	vgt.s32 v0, $0x0  }
0x41: {  	vm0 =	vgt.s32 v1, $0x0;
	vm13 =	veq.s32 v0, $0xFFFFFFFE;
	vm14 =	veq.s32 v1, $0xFFFFFFFE  }
0x42: {  	vm4 =	veq.s32 v2, $0xFFFFFFFE;
	vm5 =	vgt.s32 v2, $0x0;
	vm2 =	vgt.s32 v3, $0x0  }
0x43: {  	vm8 =	vgt.s32 v5, $0x0;
	vm9 =	veq.s32 v3, $0xFFFFFFFE;
	vm10 =	veq.s32 v5, $0xFFFFFFFE  }
0x44: {  	v4 =	vsel vm11, $0x1869E, v23;
	v32 =	vsel vm15, $0x1869E, v26;
	v18 =	vnsel vm12, $0x0, v0  }
0x45: {  	v24 =	vld [tilespmem:$0xE0];
	v21 =	vnsel vm0, $0x0, v1;
	v2 =	vnsel vm5, $0x0, v2;
	v25 =	vnsel vm2, $0x0, v3  }
0x46: {  	v28 =	vnsel vm8, $0x0, v5;
	vm12 =	veq.s32 v4, $0xFFFFFFFE;
	vm6 =	veq.s32 v32, $0xFFFFFFFE  }
0x47: {  	v20 =	vmin.u32 v18, $0x1869F;
	v22 =	vmin.u32 v21, $0x1869F;
	v2 =	vmin.u32 v2, $0x1869F  }
0x48: {  	v27 =	vmin.u32 v25, $0x1869F;
	v29 =	vmin.u32 v28, $0x1869F;
	v0 =	vsel vm13, $0x1869F, v20  }
0x49: {  	v1 =	vsel vm14, $0x1869F, v22;
	v2 =	vsel vm4, $0x1869F, v2;
	v3 =	vsel vm9, $0x1869F, v27;
	[tilespmem:$0x80] =	vst v0  }
0x4a: {  	v5 =	vsel vm10, $0x1869F, v29;
	vm13 =	vgt.s32 v4, $0x0;
	vm14 =	veq.s32 v24, $0xFFFFFFFF;
	[tilespmem:$0x90] =	vst v1  }
0x4b: {  	vm4 =	vgt.s32 v32, $0x0;
	v30 =	vnsel vm13, $0x0, v4;
	v31 =	vsel vm14, $0x1869E, v24;
	[tilespmem:$0xA0] =	vst v2  }
0x4c: {  	[tilespmem:$0xB0] =	vst v3;
	v35 =	vnsel vm4, $0x0, v32;
	v0 =	vmin.u32 v30, $0x1869F;
	vm2 =	vgt.s32 v31, $0x0  }
0x4d: {  	[tilespmem:$0xC0] =	vst v5;
	v37 =	vmin.u32 v35, $0x1869F;
	v0 =	vsel vm12, $0x1869F, v0;
	v33 =	vnsel vm2, $0x0, v31  }
0x4e: {  	vm5 =	veq.s32 v31, $0xFFFFFFFE;
	v38 =	vsel vm6, $0x1869F, v37;
	v34 =	vmin.u32 v33, $0x1869F;
	[tilespmem:$0xD0] =	vst v0  }
0x4f: {  	[tilespmem:$0xF0] =	vst v38;
	v36 =	vsel vm5, $0x1869F, v34  }
0x50: {  	[tilespmem:$0xE0] =	vst v36  }
0x51: {  	[tilespmem:s12], [sflag:$0x1] =	stream.indirect.gather [hbm4b:s4+s10], $0x80, s10, s10, $0xb8;
	[tilespmem:$0x1A400] =	vst v63  }
0x52: {  	v39 =	vld [tilespmem:$0x100]  }
0x53: {  	v40 =	vld [tilespmem:$0x110]  }
0x54: {  	v41 =	vld [tilespmem:$0x120]  }
0x55: {  	v42 =	vld [tilespmem:$0x130]  }
0x56: {  	v43 =	vld [tilespmem:$0x140]  }
0x57: {  	v45 =	vld [tilespmem:$0x150];
	_ =	sdelay $0x1  }
0x58: {  	v51 =	vld [tilespmem:$0x170]  }
0x59: {  	vm7 =	veq.s32 v39, $0xFFFFFFFF  }
0x5a: {  	vm8 =	veq.s32 v40, $0xFFFFFFFF;
	vm11 =	veq.s32 v41, $0xFFFFFFFF;
	vm13 =	veq.s32 v42, $0xFFFFFFFF  }
0x5b: {  	vm15 =	veq.s32 v43, $0xFFFFFFFF;
	vm4 =	veq.s32 v45, $0xFFFFFFFF;
	v0 =	vsel vm7, $0x1869E, v39  }
0x5c: {  	v1 =	vsel vm8, $0x1869E, v40;
	v2 =	vsel vm11, $0x1869E, v41;
	v3 =	vsel vm13, $0x1869E, v42  }
0x5d: {  	v4 =	vsel vm15, $0x1869E, v43;
	v52 =	vsel vm4, $0x1869E, v45;
	vm11 =	veq.s32 v51, $0xFFFFFFFF  }
0x5e: {  	vm0 =	vgt.s32 v0, $0x0;
	vm9 =	veq.s32 v0, $0xFFFFFFFE;
	vm10 =	vgt.s32 v1, $0x0  }
0x5f: {  	vm12 =	veq.s32 v1, $0xFFFFFFFE;
	vm1 =	vgt.s32 v2, $0x0;
	vm14 =	veq.s32 v2, $0xFFFFFFFE  }
0x60: {  	vm5 =	veq.s32 v3, $0xFFFFFFFE;
	vm6 =	vgt.s32 v4, $0x0;
	vm7 =	veq.s32 v4, $0xFFFFFFFE  }
0x61: {  	vm8 =	vgt.s32 v52, $0x0;
	v59 =	vsel vm11, $0x1869E, v51;
	v0 =	vnsel vm0, $0x0, v0  }
0x62: {  	v49 =	vld [tilespmem:$0x160];
	v44 =	vnsel vm10, $0x0, v1;
	v47 =	vnsel vm1, $0x0, v2;
	vm0 =	vgt.s32 v3, $0x0  }
0x63: {  	v53 =	vnsel vm6, $0x0, v4;
	v56 =	vnsel vm8, $0x0, v52;
	vm10 =	veq.s32 v52, $0xFFFFFFFE  }
0x64: {  	vm13 =	vgt.s32 v59, $0x0;
	vm15 =	veq.s32 v59, $0xFFFFFFFE;
	v0 =	vmin.u32 v0, $0x1869F  }
0x65: {  	v46 =	vmin.u32 v44, $0x1869F;
	v48 =	vmin.u32 v47, $0x1869F;
	v0 =	vsel vm9, $0x1869F, v0  }
0x66: {  	v50 =	vnsel vm0, $0x0, v3;
	v6 =	vmin.u32 v53, $0x1869F;
	v1 =	vsel vm12, $0x1869F, v46;
	[tilespmem:$0x100] =	vst v0  }
0x67: {  	v58 =	vmin.u32 v56, $0x1869F;
	v2 =	vsel vm14, $0x1869F, v48;
	vm9 =	veq.s32 v49, $0xFFFFFFFF;
	[tilespmem:$0x110] =	vst v1  }
0x68: {  	v54 =	vmin.u32 v50, $0x1869F;
	v55 =	vsel vm7, $0x1869F, v6;
	v57 =	vsel vm9, $0x1869E, v49;
	[tilespmem:$0x120] =	vst v2  }
0x69: {  	v62 =	vnsel vm13, $0x0, v59;
	v4 =	vsel vm5, $0x1869F, v54;
	[tilespmem:$0x140] =	vst v55;
	vm12 =	vgt.s32 v57, $0x0  }
.Ltmp2:
0x6a: {  	v2 =	vsel vm10, $0x1869F, v58;
	v1 =	vmin.u32 v62, $0x1869F;
	[tilespmem:$0x130] =	vst v4;
	v60 =	vnsel vm12, $0x0, v57;
	(pc) =	sbr.rel .LBB2_2-.Ltmp2, $4  }
0x6b: {  	vm14 =	veq.s32 v57, $0xFFFFFFFE;
	[tilespmem:$0x150] =	vst v2;
	v63 =	vsel vm15, $0x1869F, v1;
	v61 =	vmin.u32 v60, $0x1869F  }
0x6c: {  	[tilespmem:$0x170] =	vst v63;
	v0 =	vsel vm14, $0x1869F, v61  }
0x6d: {  	s20 =	smov.u32 s2;
	s21 =	simm.s32 $0x0;
	[tilespmem:$0x160] =	vst v0  }
0x6e: {  	[tilespmem:s14], [sflag:$0x1] =	stream.indirect.gather [hbm4b:s4+s10], $0x80, s13, s10, $0xb8;
	[tilespmem:$0x1A400] =	vst v63  }
.LBB2_10:
0x6f: {  	_ =	swait.ge [sflag:s15], $0x4000  }
0x70: {  	[sflag:s15] =	ssyncset.done $0x0  }
0x71: {  	[sflag:s15] =	ssyncadd.s32 $0xFFFFC000  }
0x72: {  	_ =	swait.ge [sflag:s18], $0x4000  }
0x73: {  	[sflag:s18] =	ssyncset.done $0x0  }
0x74: {  	[sflag:s18] =	ssyncadd.s32 $0xFFFFC000  }
.LBB2_11:
0x75: {  	s21 =	sadd.s32 $0xA00, s21  }
0x76: {  	p0 =	sne.s32 s21, $0x19000  }
.Ltmp3:
0x77: {  	_ = 	snop;
	(pc) =	sbr.rel @!p0 .LBB2_12-.Ltmp3, $3  }
0x78: {  	_ =	sdelay $0x1  }
0x79: {  	s22 =	sadd.s32 $0x2000, s23;
	s20 =	sadd.s32 $0x2800, s20  }
0x7a: {  	[hbm4b:s22+s3] =	stream.linear.scatter [tilespmem:s17], [sflag:$0x2], $0x4000, $0x38;
	[tilespmem:$0x1A400] =	vst v63  }
.LBB2_2:
0x7b: {  	s22 =	sshra.s32 s21, $0x2  }
0x7c: {  	v0 =	vld [tilespmem:s22+$0x180]  }
0x7d: {  	v1 =	vld [tilespmem:s22+$0x190]  }
0x7e: {  	v2 =	vld [tilespmem:s22+$0x1A0]  }
0x7f: {  	v3 =	vld [tilespmem:s22+$0x1B0]  }
0x80: {  	v5 =	vld [tilespmem:s22+$0x1C0]  }
0x81: {  	v26 =	vld [tilespmem:s22+$0x1D0];
	_ =	sdelay $0x2  }
0x82: {  	vm0 =	veq.s32 v0, $0xFFFFFFFF  }
0x83: {  	vm13 =	veq.s32 v1, $0xFFFFFFFF;
	vm2 =	veq.s32 v2, $0xFFFFFFFF;
	vm6 =	veq.s32 v3, $0xFFFFFFFF  }
0x84: {  	vm7 =	veq.s32 v5, $0xFFFFFFFF;
	vm11 =	veq.s32 v26, $0xFFFFFFFF;
	v0 =	vsel vm0, $0x1869E, v0  }
0x85: {  	v1 =	vsel vm13, $0x1869E, v1;
	v2 =	vsel vm2, $0x1869E, v2;
	v3 =	vsel vm6, $0x1869E, v3  }
0x86: {  	v5 =	vsel vm7, $0x1869E, v5;
	vm1 =	vgt.s32 v0, $0x0;
	vm0 =	vgt.s32 v1, $0x0  }
0x87: {  	vm14 =	veq.s32 v0, $0xFFFFFFFE;
	vm15 =	veq.s32 v1, $0xFFFFFFFE;
	vm4 =	veq.s32 v2, $0xFFFFFFFE  }
0x88: {  	vm5 =	vgt.s32 v2, $0x0;
	vm2 =	vgt.s32 v3, $0x0;
	vm8 =	vgt.s32 v5, $0x0  }
0x89: {  	vm9 =	veq.s32 v3, $0xFFFFFFFE;
	vm10 =	veq.s32 v5, $0xFFFFFFFE;
	v4 =	vnsel vm1, $0x0, v0  }
0x8a: {  	v6 =	vld [tilespmem:s22+$0x1E0];
	v24 =	vnsel vm0, $0x0, v1;
	v2 =	vnsel vm5, $0x0, v2;
	v7 =	vnsel vm2, $0x0, v3  }
0x8b: {  	v8 =	vld [tilespmem:s22+$0x1F0];
	v28 =	vnsel vm8, $0x0, v5;
	v23 =	vmin.u32 v4, $0x1869F;
	v25 =	vmin.u32 v24, $0x1869F  }
0x8c: {  	v2 =	vmin.u32 v2, $0x1869F;
	v27 =	vmin.u32 v7, $0x1869F;
	v29 =	vmin.u32 v28, $0x1869F  }
0x8d: {  	v4 =	vsel vm11, $0x1869E, v26;
	v0 =	vsel vm14, $0x1869F, v23;
	v1 =	vsel vm15, $0x1869F, v25  }
0x8e: {  	v2 =	vsel vm4, $0x1869F, v2;
	v3 =	vsel vm9, $0x1869F, v27;
	v5 =	vsel vm10, $0x1869F, v29  }
0x8f: {  	vm12 =	veq.s32 v4, $0xFFFFFFFE;
	vm13 =	vgt.s32 v4, $0x0;
	vm14 =	veq.s32 v6, $0xFFFFFFFF;
	[tilespmem:s22+$0x180] =	vst v0  }
0x90: {  	vm15 =	veq.s32 v8, $0xFFFFFFFF;
	[tilespmem:s22+$0x190] =	vst v1;
	v30 =	vnsel vm13, $0x0, v4;
	v31 =	vsel vm14, $0x1869E, v6  }
0x91: {  	[tilespmem:s22+$0x1A0] =	vst v2;
	v32 =	vsel vm15, $0x1869E, v8;
	v0 =	vmin.u32 v30, $0x1869F;
	vm2 =	vgt.s32 v31, $0x0  }
0x92: {  	[tilespmem:s22+$0x1B0] =	vst v3;
	vm4 =	vgt.s32 v32, $0x0;
	vm5 =	veq.s32 v31, $0xFFFFFFFE;
	v33 =	vnsel vm2, $0x0, v31  }
0x93: {  	[tilespmem:s22+$0x1C0] =	vst v5;
	v0 =	vsel vm12, $0x1869F, v0;
	v35 =	vnsel vm4, $0x0, v32;
	v34 =	vmin.u32 v33, $0x1869F  }
0x94: {  	vm6 =	veq.s32 v32, $0xFFFFFFFE;
	[tilespmem:s22+$0x1D0] =	vst v0;
	v37 =	vmin.u32 v35, $0x1869F;
	v36 =	vsel vm5, $0x1869F, v34  }
0x95: {  	v38 =	vsel vm6, $0x1869F, v37;
	[tilespmem:s22+$0x1E0] =	vst v36  }
0x96: {  	[tilespmem:s22+$0x1F0] =	vst v38  }
0x97: {  	_ =	swait.ge [sflag:s15], $0x4000  }
0x98: {  	p0 =	seq.s32 s21, $0x0;
	[sflag:s15] =	ssyncset.done $0x0  }
0x99: {  	s23 =	simm.s32 @!p0 $0x2;
	[sflag:s15] =	ssyncadd.s32 $0xFFFFC000  }
0x9a: {  	_ =	swait.ge @!p0 [sflag:s23], $0x4000  }
0x9b: {  	[sflag:s23] =	ssyncset.done @!p0 $0x0  }
0x9c: {  	s24 =	sadd.s32 $0x180, s22;
	[sflag:s23] =	ssyncadd.s32 @!p0 $0xFFFFC000  }
0x9d: {  	[tilespmem:s16], [sflag:$0x1] =	stream.indirect.gather [hbm4b:s4+s10], $0x80, s24, s10, $0xb8;
	[tilespmem:$0x1A400] =	vst v63  }
0x9e: {  	s29 =	sadd.s32 s20, s8  }
0x9f: {  	[hbm4b:s29+s3] =	stream.linear.scatter [tilespmem:s11], [sflag:$0x2], $0x4000, $0x38;
	[tilespmem:$0x1A400] =	vst v63  }
0xa0: {  	v39 =	vld [tilespmem:s22+$0x200]  }
0xa1: {  	v40 =	vld [tilespmem:s22+$0x210]  }
0xa2: {  	v41 =	vld [tilespmem:s22+$0x220]  }
0xa3: {  	v42 =	vld [tilespmem:s22+$0x230]  }
0xa4: {  	v43 =	vld [tilespmem:s22+$0x240]  }
0xa5: {  	v45 =	vld [tilespmem:s22+$0x250];
	_ =	sdelay $0x1  }
0xa6: {  	v51 =	vld [tilespmem:s22+$0x270]  }
0xa7: {  	vm7 =	veq.s32 v39, $0xFFFFFFFF  }
0xa8: {  	vm8 =	veq.s32 v40, $0xFFFFFFFF;
	vm11 =	veq.s32 v41, $0xFFFFFFFF;
	vm13 =	veq.s32 v42, $0xFFFFFFFF  }
0xa9: {  	vm15 =	veq.s32 v43, $0xFFFFFFFF;
	vm4 =	veq.s32 v45, $0xFFFFFFFF;
	v0 =	vsel vm7, $0x1869E, v39  }
0xaa: {  	v1 =	vsel vm8, $0x1869E, v40;
	v2 =	vsel vm11, $0x1869E, v41;
	v3 =	vsel vm13, $0x1869E, v42  }
0xab: {  	v4 =	vsel vm15, $0x1869E, v43;
	v52 =	vsel vm4, $0x1869E, v45;
	vm11 =	veq.s32 v51, $0xFFFFFFFF  }
0xac: {  	vm0 =	vgt.s32 v0, $0x0;
	vm9 =	veq.s32 v0, $0xFFFFFFFE;
	vm10 =	vgt.s32 v1, $0x0  }
0xad: {  	vm12 =	veq.s32 v1, $0xFFFFFFFE;
	vm1 =	vgt.s32 v2, $0x0;
	vm14 =	veq.s32 v2, $0xFFFFFFFE  }
0xae: {  	vm5 =	veq.s32 v3, $0xFFFFFFFE;
	vm6 =	vgt.s32 v4, $0x0;
	vm7 =	veq.s32 v4, $0xFFFFFFFE  }
0xaf: {  	vm8 =	vgt.s32 v52, $0x0;
	v59 =	vsel vm11, $0x1869E, v51;
	v0 =	vnsel vm0, $0x0, v0  }
0xb0: {  	v49 =	vld [tilespmem:s22+$0x260];
	v44 =	vnsel vm10, $0x0, v1;
	v47 =	vnsel vm1, $0x0, v2;
	vm0 =	vgt.s32 v3, $0x0  }
0xb1: {  	v53 =	vnsel vm6, $0x0, v4;
	v56 =	vnsel vm8, $0x0, v52;
	vm10 =	veq.s32 v52, $0xFFFFFFFE  }
0xb2: {  	vm13 =	vgt.s32 v59, $0x0;
	vm15 =	veq.s32 v59, $0xFFFFFFFE;
	v0 =	vmin.u32 v0, $0x1869F  }
0xb3: {  	v46 =	vmin.u32 v44, $0x1869F;
	v48 =	vmin.u32 v47, $0x1869F;
	v0 =	vsel vm9, $0x1869F, v0  }
0xb4: {  	v50 =	vnsel vm0, $0x0, v3;
	v6 =	vmin.u32 v53, $0x1869F;
	v1 =	vsel vm12, $0x1869F, v46;
	[tilespmem:s22+$0x200] =	vst v0  }
0xb5: {  	v58 =	vmin.u32 v56, $0x1869F;
	v2 =	vsel vm14, $0x1869F, v48;
	vm9 =	veq.s32 v49, $0xFFFFFFFF;
	[tilespmem:s22+$0x210] =	vst v1  }
0xb6: {  	v54 =	vmin.u32 v50, $0x1869F;
	v55 =	vsel vm7, $0x1869F, v6;
	v57 =	vsel vm9, $0x1869E, v49;
	[tilespmem:s22+$0x220] =	vst v2  }
0xb7: {  	v62 =	vnsel vm13, $0x0, v59;
	v4 =	vsel vm5, $0x1869F, v54;
	[tilespmem:s22+$0x240] =	vst v55;
	vm12 =	vgt.s32 v57, $0x0  }
0xb8: {  	v2 =	vsel vm10, $0x1869F, v58;
	v1 =	vmin.u32 v62, $0x1869F;
	[tilespmem:s22+$0x230] =	vst v4;
	v60 =	vnsel vm12, $0x0, v57  }
0xb9: {  	vm14 =	veq.s32 v57, $0xFFFFFFFE;
	[tilespmem:s22+$0x250] =	vst v2;
	v63 =	vsel vm15, $0x1869F, v1;
	v61 =	vmin.u32 v60, $0x1869F  }
0xba: {  	[tilespmem:s22+$0x270] =	vst v63;
	v0 =	vsel vm14, $0x1869F, v61  }
0xbb: {  	[tilespmem:s22+$0x260] =	vst v0  }
0xbc: {  	_ =	swait.ge [sflag:s15], $0x4000  }
0xbd: {  	[sflag:s15] =	ssyncset.done $0x0  }
0xbe: {  	[sflag:s15] =	ssyncadd.s32 $0xFFFFC000  }
0xbf: {  	_ =	swait.ge @!p0 [sflag:s23], $0x4000  }
0xc0: {  	[sflag:s23] =	ssyncset.done @!p0 $0x0  }
0xc1: {  	[sflag:s23] =	ssyncadd.s32 @!p0 $0xFFFFC000;
	p0 =	seq.s32 s21, $0x18600  }
.Ltmp4:
0xc2: {  	_ = 	snop;
	(pc) =	sbr.rel @!p0 .LBB2_3-.Ltmp4, $4  }
0xc3: {  	s30 =	sadd.s32 $0x200, s22;
	s23 =	sadd.s32 s20, s7  }
0xc4: {  	[tilespmem:s17], [sflag:$0x1] =	stream.indirect.gather [hbm4b:s4+s10], $0x80, s30, s10, $0xb8;
	[tilespmem:$0x1A400] =	vst v63  }
0xc5: {  	s31 =	sadd.s32 $0x800, s23  }
0xc6: {  	[hbm4b:s31+s3] =	stream.linear.scatter [tilespmem:s12], [sflag:$0x2], $0x4000, $0x38;
	[tilespmem:$0x1A400] =	vst v63  }
0xc7: {  	_ =	swait.ge [sflag:s15], $0x4000  }
.Ltmp5:
0xc8: {  	[sflag:s15] =	ssyncset.done $0x0;
	(pc) =	sbr.rel .LBB2_5-.Ltmp5, $4  }
0xc9: {  	[sflag:s15] =	ssyncadd.s32 $0xFFFFC000  }
0xca: {  	_ =	swait.ge [sflag:s18], $0x4000  }
0xcb: {  	[sflag:s18] =	ssyncset.done $0x0  }
0xcc: {  	[sflag:s18] =	ssyncadd.s32 $0xFFFFC000  }
.LBB2_3:
0xcd: {  	v0 =	vld [tilespmem:s22+$0x280]  }
0xce: {  	v1 =	vld [tilespmem:s22+$0x290]  }
0xcf: {  	v2 =	vld [tilespmem:s22+$0x2A0]  }
0xd0: {  	v3 =	vld [tilespmem:s22+$0x2B0]  }
0xd1: {  	v4 =	vld [tilespmem:s22+$0x2C0]  }
0xd2: {  	v6 =	vld [tilespmem:s22+$0x2D0]  }
0xd3: {  	v51 =	vld [tilespmem:s22+$0x2E0];
	_ =	sdelay $0x2  }
0xd4: {  	v8 =	vld [tilespmem:s22+$0x2F0];
	vm0 =	veq.s32 v0, $0xFFFFFFFF  }
0xd5: {  	vm1 =	veq.s32 v1, $0xFFFFFFFF;
	vm11 =	veq.s32 v2, $0xFFFFFFFF;
	vm13 =	veq.s32 v3, $0xFFFFFFFF  }
0xd6: {  	vm15 =	veq.s32 v4, $0xFFFFFFFF;
	vm4 =	veq.s32 v6, $0xFFFFFFFF;
	vm9 =	veq.s32 v51, $0xFFFFFFFF  }
0xd7: {  	v0 =	vsel vm0, $0x1869E, v0;
	v1 =	vsel vm1, $0x1869E, v1;
	v2 =	vsel vm11, $0x1869E, v2  }
0xd8: {  	v3 =	vsel vm13, $0x1869E, v3;
	v4 =	vsel vm15, $0x1869E, v4;
	v52 =	vsel vm4, $0x1869E, v6  }
0xd9: {  	v57 =	vsel vm9, $0x1869E, v51;
	vm11 =	veq.s32 v8, $0xFFFFFFFF;
	vm0 =	vgt.s32 v0, $0x0  }
0xda: {  	vm2 =	veq.s32 v0, $0xFFFFFFFE;
	vm10 =	vgt.s32 v1, $0x0;
	vm12 =	veq.s32 v1, $0xFFFFFFFE  }
0xdb: {  	vm1 =	vgt.s32 v2, $0x0;
	vm14 =	veq.s32 v2, $0xFFFFFFFE;
	vm5 =	veq.s32 v3, $0xFFFFFFFE  }
0xdc: {  	vm6 =	vgt.s32 v4, $0x0;
	vm7 =	veq.s32 v4, $0xFFFFFFFE;
	vm8 =	vgt.s32 v52, $0x0  }
0xdd: {  	v59 =	vsel vm11, $0x1869E, v8;
	v0 =	vnsel vm0, $0x0, v0;
	v5 =	vnsel vm10, $0x0, v1  }
0xde: {  	v49 =	vnsel vm1, $0x0, v2;
	vm0 =	vgt.s32 v3, $0x0;
	v53 =	vnsel vm6, $0x0, v4  }
0xdf: {  	v56 =	vnsel vm8, $0x0, v52;
	vm10 =	veq.s32 v52, $0xFFFFFFFE;
	v0 =	vmin.u32 v0, $0x1869F  }
0xe0: {  	vm13 =	vgt.s32 v59, $0x0;
	v48 =	vmin.u32 v5, $0x1869F;
	v0 =	vsel vm2, $0x1869F, v0  }
0xe1: {  	vm15 =	veq.s32 v59, $0xFFFFFFFE;
	v50 =	vmin.u32 v49, $0x1869F;
	v1 =	vsel vm12, $0x1869F, v48;
	[tilespmem:s22+$0x280] =	vst v0  }
0xe2: {  	v7 =	vnsel vm0, $0x0, v3;
	v6 =	vmin.u32 v53, $0x1869F;
	v2 =	vsel vm14, $0x1869F, v50;
	[tilespmem:s22+$0x290] =	vst v1  }
0xe3: {  	v58 =	vmin.u32 v56, $0x1869F;
	v54 =	vmin.u32 v7, $0x1869F;
	v55 =	vsel vm7, $0x1869F, v6;
	[tilespmem:s22+$0x2A0] =	vst v2  }
0xe4: {  	v62 =	vnsel vm13, $0x0, v59;
	vm12 =	vgt.s32 v57, $0x0;
	v4 =	vsel vm5, $0x1869F, v54;
	[tilespmem:s22+$0x2C0] =	vst v55  }
0xe5: {  	v2 =	vsel vm10, $0x1869F, v58;
	v60 =	vnsel vm12, $0x0, v57;
	v1 =	vmin.u32 v62, $0x1869F;
	[tilespmem:s22+$0x2B0] =	vst v4  }
0xe6: {  	vm14 =	veq.s32 v57, $0xFFFFFFFE;
	v61 =	vmin.u32 v60, $0x1869F;
	[tilespmem:s22+$0x2D0] =	vst v2;
	v63 =	vsel vm15, $0x1869F, v1  }
0xe7: {  	v0 =	vsel vm14, $0x1869F, v61;
	[tilespmem:s22+$0x2F0] =	vst v63  }
0xe8: {  	[tilespmem:s22+$0x2E0] =	vst v0  }
0xe9: {  	_ =	swait.ge [sflag:s15], $0x4000  }
0xea: {  	[sflag:s15] =	ssyncset.done $0x0  }
0xeb: {  	[sflag:s15] =	ssyncadd.s32 $0xFFFFC000  }
0xec: {  	_ =	swait.ge [sflag:s18], $0x4000  }
0xed: {  	[sflag:s18] =	ssyncset.done $0x0  }
0xee: {  	s24 =	sadd.s32 $0x280, s22;
	[sflag:s18] =	ssyncadd.s32 $0xFFFFC000  }
0xef: {  	[tilespmem:s11], [sflag:$0x1] =	stream.indirect.gather [hbm4b:s4+s10], $0x80, s24, s10, $0xb8;
	[tilespmem:$0x1A400] =	vst v63  }
.LBB2_5:
.Ltmp6:
0xf0: {  	(pc) =	sbr.rel @!p0 .LBB2_6-.Ltmp6, $3  }
0xf1: {  	_ =	sdelay $0x1  }
0xf2: {  	s24 =	sadd.s32 $0x1000, s23  }
0xf3: {  	[hbm4b:s24+s3] =	stream.linear.scatter [tilespmem:s14], [sflag:$0x2], $0x4000, $0x38;
	[tilespmem:$0x1A400] =	vst v63  }
0xf4: {  	_ =	swait.ge [sflag:s15], $0x4000  }
.Ltmp7:
0xf5: {  	[sflag:s15] =	ssyncset.done $0x0;
	(pc) =	sbr.rel .LBB2_8-.Ltmp7, $4  }
0xf6: {  	[sflag:s15] =	ssyncadd.s32 $0xFFFFC000  }
0xf7: {  	_ =	swait.ge [sflag:s18], $0x4000  }
0xf8: {  	[sflag:s18] =	ssyncset.done $0x0  }
0xf9: {  	[sflag:s18] =	ssyncadd.s32 $0xFFFFC000  }
.LBB2_6:
0xfa: {  	v0 =	vld [tilespmem:s22+$0x300]  }
0xfb: {  	v1 =	vld [tilespmem:s22+$0x310]  }
0xfc: {  	v2 =	vld [tilespmem:s22+$0x320]  }
0xfd: {  	v3 =	vld [tilespmem:s22+$0x330]  }
0xfe: {  	v4 =	vld [tilespmem:s22+$0x340]  }
0xff: {  	v6 =	vld [tilespmem:s22+$0x350]  }
0x100: {  	v51 =	vld [tilespmem:s22+$0x360];
	_ =	sdelay $0x2  }
0x101: {  	v8 =	vld [tilespmem:s22+$0x370];
	vm0 =	veq.s32 v0, $0xFFFFFFFF  }
0x102: {  	vm1 =	veq.s32 v1, $0xFFFFFFFF;
	vm11 =	veq.s32 v2, $0xFFFFFFFF;
	vm13 =	veq.s32 v3, $0xFFFFFFFF  }
0x103: {  	vm15 =	veq.s32 v4, $0xFFFFFFFF;
	vm4 =	veq.s32 v6, $0xFFFFFFFF;
	vm9 =	veq.s32 v51, $0xFFFFFFFF  }
0x104: {  	v0 =	vsel vm0, $0x1869E, v0;
	v1 =	vsel vm1, $0x1869E, v1;
	v2 =	vsel vm11, $0x1869E, v2  }
0x105: {  	v3 =	vsel vm13, $0x1869E, v3;
	v4 =	vsel vm15, $0x1869E, v4;
	v52 =	vsel vm4, $0x1869E, v6  }
0x106: {  	v57 =	vsel vm9, $0x1869E, v51;
	vm11 =	veq.s32 v8, $0xFFFFFFFF;
	vm0 =	vgt.s32 v0, $0x0  }
0x107: {  	vm2 =	veq.s32 v0, $0xFFFFFFFE;
	vm10 =	vgt.s32 v1, $0x0;
	vm12 =	veq.s32 v1, $0xFFFFFFFE  }
0x108: {  	vm1 =	vgt.s32 v2, $0x0;
	vm14 =	veq.s32 v2, $0xFFFFFFFE;
	vm5 =	veq.s32 v3, $0xFFFFFFFE  }
0x109: {  	vm6 =	vgt.s32 v4, $0x0;
	vm7 =	veq.s32 v4, $0xFFFFFFFE;
	vm8 =	vgt.s32 v52, $0x0  }
0x10a: {  	v59 =	vsel vm11, $0x1869E, v8;
	v0 =	vnsel vm0, $0x0, v0;
	v5 =	vnsel vm10, $0x0, v1  }
0x10b: {  	v49 =	vnsel vm1, $0x0, v2;
	vm0 =	vgt.s32 v3, $0x0;
	v53 =	vnsel vm6, $0x0, v4  }
0x10c: {  	v56 =	vnsel vm8, $0x0, v52;
	vm10 =	veq.s32 v52, $0xFFFFFFFE;
	v0 =	vmin.u32 v0, $0x1869F  }
0x10d: {  	vm13 =	vgt.s32 v59, $0x0;
	v48 =	vmin.u32 v5, $0x1869F;
	v0 =	vsel vm2, $0x1869F, v0  }
0x10e: {  	vm15 =	veq.s32 v59, $0xFFFFFFFE;
	v50 =	vmin.u32 v49, $0x1869F;
	v1 =	vsel vm12, $0x1869F, v48;
	[tilespmem:s22+$0x300] =	vst v0  }
0x10f: {  	v7 =	vnsel vm0, $0x0, v3;
	v6 =	vmin.u32 v53, $0x1869F;
	v2 =	vsel vm14, $0x1869F, v50;
	[tilespmem:s22+$0x310] =	vst v1  }
0x110: {  	v58 =	vmin.u32 v56, $0x1869F;
	v54 =	vmin.u32 v7, $0x1869F;
	v55 =	vsel vm7, $0x1869F, v6;
	[tilespmem:s22+$0x320] =	vst v2  }
0x111: {  	v62 =	vnsel vm13, $0x0, v59;
	vm12 =	vgt.s32 v57, $0x0;
	v4 =	vsel vm5, $0x1869F, v54;
	[tilespmem:s22+$0x340] =	vst v55  }
0x112: {  	v2 =	vsel vm10, $0x1869F, v58;
	v60 =	vnsel vm12, $0x0, v57;
	v1 =	vmin.u32 v62, $0x1869F;
	[tilespmem:s22+$0x330] =	vst v4  }
0x113: {  	vm14 =	veq.s32 v57, $0xFFFFFFFE;
	v61 =	vmin.u32 v60, $0x1869F;
	[tilespmem:s22+$0x350] =	vst v2;
	v63 =	vsel vm15, $0x1869F, v1  }
0x114: {  	v0 =	vsel vm14, $0x1869F, v61;
	[tilespmem:s22+$0x370] =	vst v63  }
0x115: {  	[tilespmem:s22+$0x360] =	vst v0  }
0x116: {  	_ =	swait.ge [sflag:s15], $0x4000  }
0x117: {  	[sflag:s15] =	ssyncset.done $0x0  }
0x118: {  	[sflag:s15] =	ssyncadd.s32 $0xFFFFC000  }
0x119: {  	_ =	swait.ge [sflag:s18], $0x4000  }
0x11a: {  	[sflag:s18] =	ssyncset.done $0x0  }
0x11b: {  	s24 =	sadd.s32 $0x300, s22;
	[sflag:s18] =	ssyncadd.s32 $0xFFFFC000  }
0x11c: {  	[tilespmem:s12], [sflag:$0x1] =	stream.indirect.gather [hbm4b:s4+s10], $0x80, s24, s10, $0xb8;
	[tilespmem:$0x1A400] =	vst v63  }
.LBB2_8:
.Ltmp8:
0x11d: {  	(pc) =	sbr.rel @p0 .LBB2_10-.Ltmp8, $3  }
0x11e: {  	_ =	sdelay $0x1  }
0x11f: {  	s24 =	sadd.s32 $0x1800, s23  }
0x120: {  	[hbm4b:s24+s3] =	stream.linear.scatter [tilespmem:s16], [sflag:$0x2], $0x4000, $0x38;
	[tilespmem:$0x1A400] =	vst v63  }
0x121: {  	v0 =	vld [tilespmem:s22+$0x380]  }
0x122: {  	v1 =	vld [tilespmem:s22+$0x390]  }
0x123: {  	v2 =	vld [tilespmem:s22+$0x3A0]  }
0x124: {  	v3 =	vld [tilespmem:s22+$0x3B0]  }
0x125: {  	v4 =	vld [tilespmem:s22+$0x3C0]  }
0x126: {  	v6 =	vld [tilespmem:s22+$0x3D0]  }
0x127: {  	v51 =	vld [tilespmem:s22+$0x3E0];
	_ =	sdelay $0x2  }
0x128: {  	v8 =	vld [tilespmem:s22+$0x3F0];
	vm0 =	veq.s32 v0, $0xFFFFFFFF  }
0x129: {  	vm1 =	veq.s32 v1, $0xFFFFFFFF;
	vm11 =	veq.s32 v2, $0xFFFFFFFF;
	vm13 =	veq.s32 v3, $0xFFFFFFFF  }
0x12a: {  	vm15 =	veq.s32 v4, $0xFFFFFFFF;
	vm4 =	veq.s32 v6, $0xFFFFFFFF;
	vm9 =	veq.s32 v51, $0xFFFFFFFF  }
0x12b: {  	v0 =	vsel vm0, $0x1869E, v0;
	v1 =	vsel vm1, $0x1869E, v1;
	v2 =	vsel vm11, $0x1869E, v2  }
0x12c: {  	v3 =	vsel vm13, $0x1869E, v3;
	v4 =	vsel vm15, $0x1869E, v4;
	v52 =	vsel vm4, $0x1869E, v6  }
0x12d: {  	v57 =	vsel vm9, $0x1869E, v51;
	vm11 =	veq.s32 v8, $0xFFFFFFFF;
	vm0 =	vgt.s32 v0, $0x0  }
0x12e: {  	vm2 =	veq.s32 v0, $0xFFFFFFFE;
	vm10 =	vgt.s32 v1, $0x0;
	vm12 =	veq.s32 v1, $0xFFFFFFFE  }
0x12f: {  	vm1 =	vgt.s32 v2, $0x0;
	vm14 =	veq.s32 v2, $0xFFFFFFFE;
	vm5 =	veq.s32 v3, $0xFFFFFFFE  }
0x130: {  	vm6 =	vgt.s32 v4, $0x0;
	vm7 =	veq.s32 v4, $0xFFFFFFFE;
	vm8 =	vgt.s32 v52, $0x0  }
0x131: {  	v59 =	vsel vm11, $0x1869E, v8;
	v0 =	vnsel vm0, $0x0, v0;
	v5 =	vnsel vm10, $0x0, v1  }
0x132: {  	v49 =	vnsel vm1, $0x0, v2;
	vm0 =	vgt.s32 v3, $0x0;
	v53 =	vnsel vm6, $0x0, v4  }
0x133: {  	v56 =	vnsel vm8, $0x0, v52;
	vm10 =	veq.s32 v52, $0xFFFFFFFE;
	v0 =	vmin.u32 v0, $0x1869F  }
0x134: {  	vm13 =	vgt.s32 v59, $0x0;
	v48 =	vmin.u32 v5, $0x1869F;
	v0 =	vsel vm2, $0x1869F, v0  }
0x135: {  	vm15 =	veq.s32 v59, $0xFFFFFFFE;
	v50 =	vmin.u32 v49, $0x1869F;
	v1 =	vsel vm12, $0x1869F, v48;
	[tilespmem:s22+$0x380] =	vst v0  }
0x136: {  	v7 =	vnsel vm0, $0x0, v3;
	v6 =	vmin.u32 v53, $0x1869F;
	v2 =	vsel vm14, $0x1869F, v50;
	[tilespmem:s22+$0x390] =	vst v1  }
0x137: {  	v58 =	vmin.u32 v56, $0x1869F;
	v54 =	vmin.u32 v7, $0x1869F;
	v55 =	vsel vm7, $0x1869F, v6;
	[tilespmem:s22+$0x3A0] =	vst v2  }
0x138: {  	v62 =	vnsel vm13, $0x0, v59;
	vm12 =	vgt.s32 v57, $0x0;
	v4 =	vsel vm5, $0x1869F, v54;
	[tilespmem:s22+$0x3C0] =	vst v55  }
0x139: {  	v2 =	vsel vm10, $0x1869F, v58;
	v60 =	vnsel vm12, $0x0, v57;
	v1 =	vmin.u32 v62, $0x1869F;
	[tilespmem:s22+$0x3B0] =	vst v4  }
0x13a: {  	vm14 =	veq.s32 v57, $0xFFFFFFFE;
	v61 =	vmin.u32 v60, $0x1869F;
	[tilespmem:s22+$0x3D0] =	vst v2;
	v63 =	vsel vm15, $0x1869F, v1  }
0x13b: {  	v0 =	vsel vm14, $0x1869F, v61;
	[tilespmem:s22+$0x3F0] =	vst v63  }
0x13c: {  	[tilespmem:s22+$0x3E0] =	vst v0  }
0x13d: {  	_ =	swait.ge [sflag:s15], $0x4000  }
0x13e: {  	[sflag:s15] =	ssyncset.done $0x0  }
.Ltmp9:
0x13f: {  	[sflag:s15] =	ssyncadd.s32 $0xFFFFC000;
	(pc) =	sbr.rel .LBB2_11-.Ltmp9, $4  }
0x140: {  	_ =	swait.ge [sflag:s18], $0x4000  }
0x141: {  	[sflag:s18] =	ssyncset.done $0x0  }
0x142: {  	s31 =	sadd.s32 $0x380, s22;
	[sflag:s18] =	ssyncadd.s32 $0xFFFFC000  }
0x143: {  	[tilespmem:s14], [sflag:$0x1] =	stream.indirect.gather [hbm4b:s4+s10], $0x80, s31, s10, $0xb8;
	[tilespmem:$0x1A400] =	vst v63  }
.LBB2_13:
0x144: {  	_ =	sfence.sel $0x180000  }
0x145: {  	[bflag:$0x0] =	sbarrier.arrive $0xFFFF  }
0x146: {  	p0 =	sne.s32 s0, $0x0;
	_ =	strace $0x90000047  }
0x147: {  	s0 =	sadd.s32 @!p0 $0x100000, s1;
	[bflag:$0x2] =	sbarrier.arrive $0xFFFF  }
0x148: {  	[sflag:s0] =	ssyncadd.tile.s32 @!p0 $0x1;
	_ =	shalt  }
.Lfunc_end2:
_tile_overlayer_lowered:
.L_overlay_start_2:
0x149: {  	(tag) =	ssettag $0x2  }
0x14a: {  	s0 =	rddreg [dreg:$0x0];
	s2 =	stileid.u32  }
0x14b: {  	s1 =	rddreg [dreg:$0x1];
	p0 =	sne.s32 s2, $0x0  }
0x14c: {  	s3 =	rddreg [dreg:$0x2];
	[bflag:$0x3] =	sbarrier.arrive $0xFFFF;
	s2 =	simm.s32 @!p0 $0x1C03  }
0x14d: {  	[timem:s3], [sflag:s2] =	dma.local @!p0 [hbm:s0], s1  }
0x14e: {  	s0 =	simm.s32 @!p0 $0x3  }
0x14f: {  	_ =	swait.ge @!p0 [sflag:s0], s1  }
0x150: {  	s1 =	ssub.s32 @!p0 $0x0, s1;
	[sflag:s0] =	ssyncset.done @!p0 $0x0  }
0x151: {  	[sflag:s0] =	ssyncadd.s32 @!p0 s1  }
0x152: {  	[bflag:$0x3] =	sbarrier.arrive $0xFFFF  }
0x153: {  	_ =	shalt  }

</sc_bundles>
